<compile_context>
chip_gen: v7x
topology: tpu7x:2x2x1
jax: 0.10.2.dev20260603
libtpu: 0.0.44.dev20260713+nightly
codegen_flags: <defaults>
</compile_context>

<pallas_src>
import functools

import jax
import jax.numpy as jnp
from jax import lax
from jax.experimental import pallas as pl
from jax.experimental.pallas import tpu as pltpu
from jax.experimental.pallas import tpu_sc as plsc

_D = 32
_NC = 2
_NS = 16
_NW = _NC * _NS
_LANES = 16
_BW = 128
_TCH = 2
_NBUF = 2
_REP = 1025


def _lookup(xt, wtab, n_t, n_b):
    chunks = n_t // _TCH
    mesh = plsc.VectorSubcoreMesh(core_axis_name="c", subcore_axis_name="s")

    @functools.partial(
        pl.kernel,
        mesh=mesh,
        compiler_params=pltpu.CompilerParams(needs_layout_passes=False),
        out_type=jax.ShapeDtypeStruct((n_t * _D, n_b), jnp.float32),
        scratch_types=[
            pltpu.VMEM((n_t, _BW), jnp.int32),
            pltpu.VMEM((_D * _D,), jnp.float32),
            pltpu.VMEM((_LANES * _REP,), jnp.float32),
        ] + [pltpu.VMEM((_TCH * _D, _BW), jnp.float32)] * _NBUF
          + [pltpu.SemaphoreType.DMA] * (_NBUF + 1),
    )
    def k(xt_hbm, wtab_hbm, out_hbm, xl_v, wtab_v, rep_v, *bufs_and_sems):
        rows_v = bufs_and_sems[:_NBUF]
        osem = bufs_and_sems[_NBUF:2 * _NBUF]
        xsem = bufs_and_sems[2 * _NBUF]
        wid = lax.axis_index("s") * _NC + lax.axis_index("c")
        b0 = wid * _BW
        iota = lax.iota(jnp.int32, _LANES)
        skew = iota * _REP

        pltpu.async_copy(xt_hbm.at[:, pl.ds(b0, _BW)], xl_v, xsem)
        pltpu.sync_copy(wtab_hbm, wtab_v)

        def rep_body(kk, carry):
            v = wtab_v[pl.ds(kk * _LANES, _LANES)]
            for l in range(_LANES):
                rep_v[pl.ds(l * _REP + kk * _LANES, _LANES)] = v
            return carry

        lax.fori_loop(0, (_D * _D) // _LANES, rep_body, 0)
        pltpu.make_async_copy(xt_hbm.at[:, pl.ds(0, _BW)], xl_v, xsem).wait()

        def pair_body(p, carry):
            for b in range(_NBUF):
                c = p * _NBUF + b
                t0 = c * _TCH
                @pl.when(p > 0)
                def _():
                    pltpu.make_async_copy(
                        rows_v[b], out_hbm.at[pl.ds(0, _TCH * _D),
                                              pl.ds(b0, _BW)],
                        osem[b]).wait()

                @plsc.parallel_loop(0, _TCH * (_BW // _LANES), 1, unroll=2)
                def group_body(i):
                    tl = i // (_BW // _LANES)
                    g = i % (_BW // _LANES)
                    cvec = xl_v[t0 + tl, pl.ds(g * _LANES, _LANES)]
                    coffs = jnp.minimum(jnp.maximum(cvec, 0), _D - 1)
                    bsvec = coffs + skew
                    for d in range(_D):
                        gth = plsc.load_gather(rep_v, [bsvec + d * _D])
                        rows_v[b][tl * _D + d, pl.ds(g * _LANES, _LANES)] = gth

                pltpu.async_copy(
                    rows_v[b],
                    out_hbm.at[pl.ds(t0 * _D, _TCH * _D), pl.ds(b0, _BW)],
                    osem[b])
            return carry

        lax.fori_loop(0, chunks // _NBUF, pair_body, 0)
        for b in range(_NBUF):
            pltpu.make_async_copy(
                rows_v[b], out_hbm.at[pl.ds(0, _TCH * _D), pl.ds(b0, _BW)],
                osem[b]).wait()

    return k(xt, wtab)


def kernel(x, W):
    n_b, n_t = x.shape
    wtab = W[:_D].T.reshape(-1)
    out2 = _lookup(x.T, wtab, n_t, n_b)
    out = out2.reshape(n_t, _D, n_b).transpose(2, 0, 1)
    return out

# --- scband reference (transcript-rebuilt; emitter-appended) ---
"""Pipeline reference for scband-word2-vec-embedding-30270929502925 (READ-ONLY COPY).

The authoritative reference and input builder live on the scoring server;
editing this copy changes nothing except your own understanding.
"""

import jax, jax.numpy as jnp
import numpy as np

VOCAB = 1000000
EMBED_DIM = 32
BATCH = 4096
HIST_LEN = 200


def setup_inputs(seed: int = 0) -> dict:
    key = jax.random.key(seed)
    k1, k2 = jax.random.split(key)
    x = jax.random.randint(k1, (BATCH, HIST_LEN), 0, VOCAB, dtype=jnp.int32)
    # W stands in for the gensim word2vec syn0 matrix loaded in __init__.
    W = jax.random.normal(k2, (VOCAB, EMBED_DIM), dtype=jnp.float32) * 0.02
    return {"x": x, "W": W}


def reference(x, W):
    # Faithful to the original call(): note the original code clamps indices to
    # model_dims[1] - 1 (embedding dim), exactly as written in the source.
    embed_dim = W.shape[1]
    x_clamped = jnp.maximum(jnp.minimum(x, embed_dim - 1), 0)
    return jnp.take(W, x_clamped, axis=0)

if __name__ == "__main__":
    import jax
    _d = setup_inputs()
    print(jax.jit(kernel)(*tuple(_d.values())))

</pallas_src>

<mosaic_0001>
#map = affine_map<(d0, d1) -> (0, 0)>
#map1 = affine_map<(d0, d1) -> (0)>
module attributes {stable_mosaic.version = 14 : i64} {
  func.func @k(%arg0: i32, %arg1: i32, %arg2: memref<200x4096xi32, #tpu.memory_space<hbm>>, %arg3: memref<1024xf32, #tpu.memory_space<hbm>>, %arg4: memref<6400x4096xf32, #tpu.memory_space<hbm>>, %arg5: memref<200x128xi32, #tpu.memory_space<vmem>>, %arg6: memref<1024xf32, #tpu.memory_space<vmem>>, %arg7: memref<16400xf32, #tpu.memory_space<vmem>>, %arg8: memref<64x128xf32, #tpu.memory_space<vmem>>, %arg9: memref<64x128xf32, #tpu.memory_space<vmem>>, %arg10: memref<!tpu.dma_semaphore, #tpu.memory_space<semaphore_mem>>, %arg11: memref<!tpu.dma_semaphore, #tpu.memory_space<semaphore_mem>>, %arg12: memref<!tpu.dma_semaphore, #tpu.memory_space<semaphore_mem>>) attributes {dimension_semantics = [#tpu.dimension_semantics<core_parallel>, #tpu.dimension_semantics<subcore_parallel>], iteration_bounds = array<i64: 2, 16>, scalar_prefetch = 0 : i64, scratch_operands = 8 : i64, tpu.core_type = #tpu.core_type<sc_vector_subcore>, window_params = [{transform_indices = #map}, {transform_indices = #map1}, {transform_indices = #map}]} {
    %mul3A = arith.constant 2 : i32
    %mul3A_0 = arith.muli %arg1, %mul3A : i32
    %add3A = arith.addi %mul3A_0, %arg0 : i32
    %mul3A_1 = arith.constant 128 : i32
    %mul3A_2 = arith.muli %add3A, %mul3A_1 : i32
    %iota3A = tpu.iota {dimensions = array<i32: 0>} : vector<16xi32>
    %mul3A_3 = arith.constant 1025 : i32
    %mul3A_4 = vector.broadcast %mul3A_3 : i32 to vector<16xi32>
    %mul3A_5 = arith.muli %iota3A, %mul3A_4 : vector<16xi32>
    %dma_start3A = arith.constant 0 : i32
    %dma_start3A_6 = tpu.memref_slice %arg2[%dma_start3A, %mul3A_2] : memref<200x4096xi32, #tpu.memory_space<hbm>> -> memref<200x128xi32, #tpu.memory_space<hbm>>
    %dma_start3A_7 = arith.constant 0 : i32
    %dma_start3A_8 = tpu.memref_slice %arg2[%dma_start3A_7, %mul3A_2] : memref<200x4096xi32, #tpu.memory_space<hbm>> -> memref<200x128xi32, #tpu.memory_space<hbm>>
    tpu.enqueue_dma source(%dma_start3A_8 : memref<200x128xi32, #tpu.memory_space<hbm>>) target(%arg5 : memref<200x128xi32, #tpu.memory_space<vmem>>) target_semaphore(%arg12 : memref<!tpu.dma_semaphore, #tpu.memory_space<semaphore_mem>>)
    "tpu.region"() ({
      %run_scoped3A = tpu.sem_alloc : memref<!tpu.dma_semaphore, #tpu.memory_space<semaphore_mem>>
      tpu.enqueue_dma source(%arg3 : memref<1024xf32, #tpu.memory_space<hbm>>) target(%arg6 : memref<1024xf32, #tpu.memory_space<vmem>>) target_semaphore(%run_scoped3A : memref<!tpu.dma_semaphore, #tpu.memory_space<semaphore_mem>>)
      tpu.wait_dma2 semaphore(%run_scoped3A : memref<!tpu.dma_semaphore, #tpu.memory_space<semaphore_mem>>) src(%arg3 : memref<1024xf32, #tpu.memory_space<hbm>>) dst(%arg6 : memref<1024xf32, #tpu.memory_space<vmem>>)
      tpu.yield
    }) : () -> ()
    %scan3A = arith.constant 0 : i32
    %scan3A_9 = arith.constant 0 : i32
    %scan3A_10 = arith.constant 64 : i32
    %scan3A_11 = arith.addi %scan3A_9, %scan3A_10 : i32
    %scan3A_12 = arith.constant 1 : i32
    scf.for %scan3A_33 = %scan3A_9 to %scan3A_11 step %scan3A_12  : i32 {
      %mul3A_34 = arith.constant 16 : i32
      %mul3A_35 = arith.muli %scan3A_33, %mul3A_34 : i32
      %get3A = arith.index_cast %mul3A_35 : i32 to index
      %get3A_36 = tpu.vector_load %arg6[%get3A] {strides = array<i32>} : memref<1024xf32, #tpu.memory_space<vmem>>, vector<16xf32>,
      %mul3A_37 = arith.constant 16 : i32
      %mul3A_38 = arith.muli %scan3A_33, %mul3A_37 : i32
      %add3A_39 = arith.constant 0 : i32
      %add3A_40 = arith.addi %add3A_39, %mul3A_38 : i32
      %swap3A = arith.index_cast %add3A_40 : i32 to index
      %swap3A_41 = tpu.vector_load %arg7[%swap3A] {strides = array<i32>} : memref<16400xf32, #tpu.memory_space<vmem>>, vector<16xf32>,
      tpu.vector_store %arg7[%swap3A], %get3A_36 {strides = array<i32>} : memref<16400xf32, #tpu.memory_space<vmem>>, vector<16xf32>,
      %mul3A_42 = arith.constant 16 : i32
      %mul3A_43 = arith.muli %scan3A_33, %mul3A_42 : i32
      %add3A_44 = arith.constant 1025 : i32
      %add3A_45 = arith.addi %add3A_44, %mul3A_43 : i32
      %swap3A_46 = arith.index_cast %add3A_45 : i32 to index
      %swap3A_47 = tpu.vector_load %arg7[%swap3A_46] {strides = array<i32>} : memref<16400xf32, #tpu.memory_space<vmem>>, vector<16xf32>,
      tpu.vector_store %arg7[%swap3A_46], %get3A_36 {strides = array<i32>} : memref<16400xf32, #tpu.memory_space<vmem>>, vector<16xf32>,
      %mul3A_48 = arith.constant 16 : i32
      %mul3A_49 = arith.muli %scan3A_33, %mul3A_48 : i32
      %add3A_50 = arith.constant 2050 : i32
      %add3A_51 = arith.addi %add3A_50, %mul3A_49 : i32
      %swap3A_52 = arith.index_cast %add3A_51 : i32 to index
      %swap3A_53 = tpu.vector_load %arg7[%swap3A_52] {strides = array<i32>} : memref<16400xf32, #tpu.memory_space<vmem>>, vector<16xf32>,
      tpu.vector_store %arg7[%swap3A_52], %get3A_36 {strides = array<i32>} : memref<16400xf32, #tpu.memory_space<vmem>>, vector<16xf32>,
      %mul3A_54 = arith.constant 16 : i32
      %mul3A_55 = arith.muli %scan3A_33, %mul3A_54 : i32
      %add3A_56 = arith.constant 3075 : i32
      %add3A_57 = arith.addi %add3A_56, %mul3A_55 : i32
      %swap3A_58 = arith.index_cast %add3A_57 : i32 to index
      %swap3A_59 = tpu.vector_load %arg7[%swap3A_58] {strides = array<i32>} : memref<16400xf32, #tpu.memory_space<vmem>>, vector<16xf32>,
      tpu.vector_store %arg7[%swap3A_58], %get3A_36 {strides = array<i32>} : memref<16400xf32, #tpu.memory_space<vmem>>, vector<16xf32>,
      %mul3A_60 = arith.constant 16 : i32
      %mul3A_61 = arith.muli %scan3A_33, %mul3A_60 : i32
      %add3A_62 = arith.constant 4100 : i32
      %add3A_63 = arith.addi %add3A_62, %mul3A_61 : i32
      %swap3A_64 = arith.index_cast %add3A_63 : i32 to index
      %swap3A_65 = tpu.vector_load %arg7[%swap3A_64] {strides = array<i32>} : memref<16400xf32, #tpu.memory_space<vmem>>, vector<16xf32>,
      tpu.vector_store %arg7[%swap3A_64], %get3A_36 {strides = array<i32>} : memref<16400xf32, #tpu.memory_space<vmem>>, vector<16xf32>,
      %mul3A_66 = arith.constant 16 : i32
      %mul3A_67 = arith.muli %scan3A_33, %mul3A_66 : i32
      %add3A_68 = arith.constant 5125 : i32
      %add3A_69 = arith.addi %add3A_68, %mul3A_67 : i32
      %swap3A_70 = arith.index_cast %add3A_69 : i32 to index
      %swap3A_71 = tpu.vector_load %arg7[%swap3A_70] {strides = array<i32>} : memref<16400xf32, #tpu.memory_space<vmem>>, vector<16xf32>,
      tpu.vector_store %arg7[%swap3A_70], %get3A_36 {strides = array<i32>} : memref<16400xf32, #tpu.memory_space<vmem>>, vector<16xf32>,
      %mul3A_72 = arith.constant 16 : i32
      %mul3A_73 = arith.muli %scan3A_33, %mul3A_72 : i32
      %add3A_74 = arith.constant 6150 : i32
      %add3A_75 = arith.addi %add3A_74, %mul3A_73 : i32
      %swap3A_76 = arith.index_cast %add3A_75 : i32 to index
      %swap3A_77 = tpu.vector_load %arg7[%swap3A_76] {strides = array<i32>} : memref<16400xf32, #tpu.memory_space<vmem>>, vector<16xf32>,
      tpu.vector_store %arg7[%swap3A_76], %get3A_36 {strides = array<i32>} : memref<16400xf32, #tpu.memory_space<vmem>>, vector<16xf32>,
      %mul3A_78 = arith.constant 16 : i32
      %mul3A_79 = arith.muli %scan3A_33, %mul3A_78 : i32
      %add3A_80 = arith.constant 7175 : i32
      %add3A_81 = arith.addi %add3A_80, %mul3A_79 : i32
      %swap3A_82 = arith.index_cast %add3A_81 : i32 to index
      %swap3A_83 = tpu.vector_load %arg7[%swap3A_82] {strides = array<i32>} : memref<16400xf32, #tpu.memory_space<vmem>>, vector<16xf32>,
      tpu.vector_store %arg7[%swap3A_82], %get3A_36 {strides = array<i32>} : memref<16400xf32, #tpu.memory_space<vmem>>, vector<16xf32>,
      %mul3A_84 = arith.constant 16 : i32
      %mul3A_85 = arith.muli %scan3A_33, %mul3A_84 : i32
      %add3A_86 = arith.constant 8200 : i32
      %add3A_87 = arith.addi %add3A_86, %mul3A_85 : i32
      %swap3A_88 = arith.index_cast %add3A_87 : i32 to index
      %swap3A_89 = tpu.vector_load %arg7[%swap3A_88] {strides = array<i32>} : memref<16400xf32, #tpu.memory_space<vmem>>, vector<16xf32>,
      tpu.vector_store %arg7[%swap3A_88], %get3A_36 {strides = array<i32>} : memref<16400xf32, #tpu.memory_space<vmem>>, vector<16xf32>,
      %mul3A_90 = arith.constant 16 : i32
      %mul3A_91 = arith.muli %scan3A_33, %mul3A_90 : i32
      %add3A_92 = arith.constant 9225 : i32
      %add3A_93 = arith.addi %add3A_92, %mul3A_91 : i32
      %swap3A_94 = arith.index_cast %add3A_93 : i32 to index
      %swap3A_95 = tpu.vector_load %arg7[%swap3A_94] {strides = array<i32>} : memref<16400xf32, #tpu.memory_space<vmem>>, vector<16xf32>,
      tpu.vector_store %arg7[%swap3A_94], %get3A_36 {strides = array<i32>} : memref<16400xf32, #tpu.memory_space<vmem>>, vector<16xf32>,
      %mul3A_96 = arith.constant 16 : i32
      %mul3A_97 = arith.muli %scan3A_33, %mul3A_96 : i32
      %add3A_98 = arith.constant 10250 : i32
      %add3A_99 = arith.addi %add3A_98, %mul3A_97 : i32
      %swap3A_100 = arith.index_cast %add3A_99 : i32 to index
      %swap3A_101 = tpu.vector_load %arg7[%swap3A_100] {strides = array<i32>} : memref<16400xf32, #tpu.memory_space<vmem>>, vector<16xf32>,
      tpu.vector_store %arg7[%swap3A_100], %get3A_36 {strides = array<i32>} : memref<16400xf32, #tpu.memory_space<vmem>>, vector<16xf32>,
      %mul3A_102 = arith.constant 16 : i32
      %mul3A_103 = arith.muli %scan3A_33, %mul3A_102 : i32
      %add3A_104 = arith.constant 11275 : i32
      %add3A_105 = arith.addi %add3A_104, %mul3A_103 : i32
      %swap3A_106 = arith.index_cast %add3A_105 : i32 to index
      %swap3A_107 = tpu.vector_load %arg7[%swap3A_106] {strides = array<i32>} : memref<16400xf32, #tpu.memory_space<vmem>>, vector<16xf32>,
      tpu.vector_store %arg7[%swap3A_106], %get3A_36 {strides = array<i32>} : memref<16400xf32, #tpu.memory_space<vmem>>, vector<16xf32>,
      %mul3A_108 = arith.constant 16 : i32
      %mul3A_109 = arith.muli %scan3A_33, %mul3A_108 : i32
      %add3A_110 = arith.constant 12300 : i32
      %add3A_111 = arith.addi %add3A_110, %mul3A_109 : i32
      %swap3A_112 = arith.index_cast %add3A_111 : i32 to index
      %swap3A_113 = tpu.vector_load %arg7[%swap3A_112] {strides = array<i32>} : memref<16400xf32, #tpu.memory_space<vmem>>, vector<16xf32>,
      tpu.vector_store %arg7[%swap3A_112], %get3A_36 {strides = array<i32>} : memref<16400xf32, #tpu.memory_space<vmem>>, vector<16xf32>,
      %mul3A_114 = arith.constant 16 : i32
      %mul3A_115 = arith.muli %scan3A_33, %mul3A_114 : i32
      %add3A_116 = arith.constant 13325 : i32
      %add3A_117 = arith.addi %add3A_116, %mul3A_115 : i32
      %swap3A_118 = arith.index_cast %add3A_117 : i32 to index
      %swap3A_119 = tpu.vector_load %arg7[%swap3A_118] {strides = array<i32>} : memref<16400xf32, #tpu.memory_space<vmem>>, vector<16xf32>,
      tpu.vector_store %arg7[%swap3A_118], %get3A_36 {strides = array<i32>} : memref<16400xf32, #tpu.memory_space<vmem>>, vector<16xf32>,
      %mul3A_120 = arith.constant 16 : i32
      %mul3A_121 = arith.muli %scan3A_33, %mul3A_120 : i32
      %add3A_122 = arith.constant 14350 : i32
      %add3A_123 = arith.addi %add3A_122, %mul3A_121 : i32
      %swap3A_124 = arith.index_cast %add3A_123 : i32 to index
      %swap3A_125 = tpu.vector_load %arg7[%swap3A_124] {strides = array<i32>} : memref<16400xf32, #tpu.memory_space<vmem>>, vector<16xf32>,
      tpu.vector_store %arg7[%swap3A_124], %get3A_36 {strides = array<i32>} : memref<16400xf32, #tpu.memory_space<vmem>>, vector<16xf32>,
      %mul3A_126 = arith.constant 16 : i32
      %mul3A_127 = arith.muli %scan3A_33, %mul3A_126 : i32
      %add3A_128 = arith.constant 15375 : i32
      %add3A_129 = arith.addi %add3A_128, %mul3A_127 : i32
      %swap3A_130 = arith.index_cast %add3A_129 : i32 to index
      %swap3A_131 = tpu.vector_load %arg7[%swap3A_130] {strides = array<i32>} : memref<16400xf32, #tpu.memory_space<vmem>>, vector<16xf32>,
      tpu.vector_store %arg7[%swap3A_130], %get3A_36 {strides = array<i32>} : memref<16400xf32, #tpu.memory_space<vmem>>, vector<16xf32>,
    }
    %scan3A_13 = arith.constant 64 : i32
    %dma_wait3A = arith.constant 0 : i32
    %dma_wait3A_14 = arith.constant 0 : i32
    %dma_wait3A_15 = tpu.memref_slice %arg2[%dma_wait3A, %dma_wait3A_14] : memref<200x4096xi32, #tpu.memory_space<hbm>> -> memref<200x128xi32, #tpu.memory_space<hbm>>
    %dma_wait3A_16 = arith.constant 0 : i32
    %dma_wait3A_17 = arith.constant 0 : i32
    %dma_wait3A_18 = tpu.memref_slice %arg2[%dma_wait3A_16, %dma_wait3A_17] : memref<200x4096xi32, #tpu.memory_space<hbm>> -> memref<200x128xi32, #tpu.memory_space<hbm>>
    tpu.wait_dma2 semaphore(%arg12 : memref<!tpu.dma_semaphore, #tpu.memory_space<semaphore_mem>>) src(%dma_wait3A_18 : memref<200x128xi32, #tpu.memory_space<hbm>>) dst(%arg5 : memref<200x128xi32, #tpu.memory_space<vmem>>)
    %scan3A_19 = arith.constant 0 : i32
    %scan3A_20 = arith.constant 0 : i32
    %scan3A_21 = arith.constant 50 : i32
    %scan3A_22 = arith.addi %scan3A_20, %scan3A_21 : i32
    %scan3A_23 = arith.constant 1 : i32
    scf.for %scan3A_33 = %scan3A_20 to %scan3A_22 step %scan3A_23  : i32 {
      %mul3A_34 = arith.constant 2 : i32
      %mul3A_35 = arith.muli %scan3A_33, %mul3A_34 : i32
      %add3A_36 = arith.constant 0 : i32
      %add3A_37 = arith.addi %mul3A_35, %add3A_36 : i32
      %mul3A_38 = arith.constant 2 : i32
      %mul3A_39 = arith.muli %add3A_37, %mul3A_38 : i32
      %gt3A = arith.constant 0 : i32
      %gt3A_40 = arith.cmpi sgt, %scan3A_33, %gt3A : i32
      %convert_element_type3A = arith.extui %gt3A_40 : i1 to i32
      %cond3A = arith.constant 0 : i32
      %cond3A_41 = arith.cmpi ne, %convert_element_type3A, %cond3A : i32
      scf.if %cond3A_41 {
        %dma_wait3A_66 = arith.constant 0 : i32
        %dma_wait3A_67 = tpu.memref_slice %arg4[%dma_wait3A_66, %mul3A_2] : memref<6400x4096xf32, #tpu.memory_space<hbm>> -> memref<64x128xf32, #tpu.memory_space<hbm>>
        %dma_wait3A_68 = arith.constant 0 : i32
        %dma_wait3A_69 = tpu.memref_slice %arg4[%dma_wait3A_68, %mul3A_2] : memref<6400x4096xf32, #tpu.memory_space<hbm>> -> memref<64x128xf32, #tpu.memory_space<hbm>>
        tpu.wait_dma2 semaphore(%arg10 : memref<!tpu.dma_semaphore, #tpu.memory_space<semaphore_mem>>) src(%arg8 : memref<64x128xf32, #tpu.memory_space<vmem>>) dst(%dma_wait3A_69 : memref<64x128xf32, #tpu.memory_space<hbm>>)
      } else {
      }
      %parallel_loop3A = arith.constant 0 : i32
      %parallel_loop3A_42 = arith.constant 16 : i32
      %parallel_loop3A_43 = arith.constant 1 : i32
      scf.for %parallel_loop3A_66 = %parallel_loop3A to %parallel_loop3A_42 step %parallel_loop3A_43  : i32 {
        %parallel_loop3A_67 = arith.constant 8 : i32
        %parallel_loop3A_68 = arith.divsi %parallel_loop3A_66, %parallel_loop3A_67 : i32
        %parallel_loop3A_69 = arith.constant 0 : i32
        %parallel_loop3A_70 = arith.cmpi sgt, %parallel_loop3A_66, %parallel_loop3A_69 : i32
        %parallel_loop3A_71 = arith.extui %parallel_loop3A_70 : i1 to i32
        %parallel_loop3A_72 = arith.constant 0 : i32
        %parallel_loop3A_73 = arith.cmpi slt, %parallel_loop3A_66, %parallel_loop3A_72 : i32
        %parallel_loop3A_74 = arith.extui %parallel_loop3A_73 : i1 to i32
        %parallel_loop3A_75 = arith.subi %parallel_loop3A_71, %parallel_loop3A_74 : i32
        %parallel_loop3A_76 = arith.constant 0 : i32
        %parallel_loop3A_77 = arith.cmpi sgt, %parallel_loop3A_67, %parallel_loop3A_76 : i32
        %parallel_loop3A_78 = arith.extui %parallel_loop3A_77 : i1 to i32
        %parallel_loop3A_79 = arith.constant 0 : i32
        %parallel_loop3A_80 = arith.cmpi slt, %parallel_loop3A_67, %parallel_loop3A_79 : i32
        %parallel_loop3A_81 = arith.extui %parallel_loop3A_80 : i1 to i32
        %parallel_loop3A_82 = arith.subi %parallel_loop3A_78, %parallel_loop3A_81 : i32
        %parallel_loop3A_83 = arith.cmpi ne, %parallel_loop3A_75, %parallel_loop3A_82 : i32
        %parallel_loop3A_84 = arith.remsi %parallel_loop3A_66, %parallel_loop3A_67 : i32
        %parallel_loop3A_85 = arith.constant 0 : i32
        %parallel_loop3A_86 = arith.cmpi ne, %parallel_loop3A_84, %parallel_loop3A_85 : i32
        %parallel_loop3A_87 = arith.andi %parallel_loop3A_83, %parallel_loop3A_86 : i1
        %parallel_loop3A_88 = arith.constant 1 : i32
        %parallel_loop3A_89 = arith.subi %parallel_loop3A_68, %parallel_loop3A_88 : i32
        %parallel_loop3A_90 = arith.select %parallel_loop3A_87, %parallel_loop3A_89, %parallel_loop3A_68 : i32
        %parallel_loop3A_91 = arith.constant 8 : i32
        %parallel_loop3A_92 = arith.constant 0 : i32
        %parallel_loop3A_93 = arith.cmpi eq, %parallel_loop3A_91, %parallel_loop3A_92 : i32
        %parallel_loop3A_94 = arith.constant 1 : i32
        %parallel_loop3A_95 = arith.select %parallel_loop3A_93, %parallel_loop3A_94, %parallel_loop3A_91 : i32
        %parallel_loop3A_96 = arith.remsi %parallel_loop3A_66, %parallel_loop3A_95 : i32
        %parallel_loop3A_97 = arith.constant 0 : i32
        %parallel_loop3A_98 = arith.cmpi ne, %parallel_loop3A_96, %parallel_loop3A_97 : i32
        %parallel_loop3A_99 = arith.constant 0 : i32
        %parallel_loop3A_100 = arith.cmpi slt, %parallel_loop3A_96, %parallel_loop3A_99 : i32
        %parallel_loop3A_101 = arith.constant 0 : i32
        %parallel_loop3A_102 = arith.cmpi slt, %parallel_loop3A_95, %parallel_loop3A_101 : i32
        %parallel_loop3A_103 = arith.xori %parallel_loop3A_100, %parallel_loop3A_102 : i1
        %parallel_loop3A_104 = arith.andi %parallel_loop3A_103, %parallel_loop3A_98 : i1
        %parallel_loop3A_105 = arith.addi %parallel_loop3A_96, %parallel_loop3A_95 : i32
        %parallel_loop3A_106 = arith.select %parallel_loop3A_104, %parallel_loop3A_105, %parallel_loop3A_96 : i32
        %parallel_loop3A_107 = arith.addi %mul3A_39, %parallel_loop3A_90 : i32
        %parallel_loop3A_108 = arith.constant 16 : i32
        %parallel_loop3A_109 = arith.muli %parallel_loop3A_106, %parallel_loop3A_108 : i32
        %parallel_loop3A_110 = arith.index_cast %parallel_loop3A_107 : i32 to index
        %parallel_loop3A_111 = arith.index_cast %parallel_loop3A_109 : i32 to index
        %parallel_loop3A_112 = tpu.vector_load %arg5[%parallel_loop3A_110, %parallel_loop3A_111] {strides = array<i32>} : memref<200x128xi32, #tpu.memory_space<vmem>>, vector<16xi32>,
        %parallel_loop3A_113 = arith.constant 0 : i32
        %parallel_loop3A_114 = vector.broadcast %parallel_loop3A_113 : i32 to vector<16xi32>
        %parallel_loop3A_115 = arith.maxsi %parallel_loop3A_112, %parallel_loop3A_114 : vector<16xi32>
        %parallel_loop3A_116 = arith.constant 31 : i32
        %parallel_loop3A_117 = vector.broadcast %parallel_loop3A_116 : i32 to vector<16xi32>
        %parallel_loop3A_118 = arith.minsi %parallel_loop3A_115, %parallel_loop3A_117 : vector<16xi32>
        %parallel_loop3A_119 = arith.addi %parallel_loop3A_118, %mul3A_5 : vector<16xi32>
        %parallel_loop3A_120 = arith.constant 0 : i32
        %parallel_loop3A_121 = vector.broadcast %parallel_loop3A_120 : i32 to vector<16xi32>
        %parallel_loop3A_122 = arith.addi %parallel_loop3A_119, %parallel_loop3A_121 : vector<16xi32>
        %parallel_loop3A_123 = tpu.vector_load_idx %arg7[%parallel_loop3A_122] : memref<16400xf32, #tpu.memory_space<vmem>>[vector<16xi32>], vector<16xf32>,
        %parallel_loop3A_124 = arith.constant 32 : i32
        %parallel_loop3A_125 = arith.muli %parallel_loop3A_90, %parallel_loop3A_124 : i32
        %parallel_loop3A_126 = arith.constant 0 : i32
        %parallel_loop3A_127 = arith.addi %parallel_loop3A_125, %parallel_loop3A_126 : i32
        %parallel_loop3A_128 = arith.constant 16 : i32
        %parallel_loop3A_129 = arith.muli %parallel_loop3A_106, %parallel_loop3A_128 : i32
        %parallel_loop3A_130 = arith.index_cast %parallel_loop3A_127 : i32 to index
        %parallel_loop3A_131 = arith.index_cast %parallel_loop3A_129 : i32 to index
        %parallel_loop3A_132 = tpu.vector_load %arg8[%parallel_loop3A_130, %parallel_loop3A_131] {strides = array<i32>} : memref<64x128xf32, #tpu.memory_space<vmem>>, vector<16xf32>,
        tpu.vector_store %arg8[%parallel_loop3A_130, %parallel_loop3A_131], %parallel_loop3A_123 {strides = array<i32>} : memref<64x128xf32, #tpu.memory_space<vmem>>, vector<16xf32>,
        %parallel_loop3A_133 = arith.constant 32 : i32
        %parallel_loop3A_134 = vector.broadcast %parallel_loop3A_133 : i32 to vector<16xi32>
        %parallel_loop3A_135 = arith.addi %parallel_loop3A_119, %parallel_loop3A_134 : vector<16xi32>
        %parallel_loop3A_136 = tpu.vector_load_idx %arg7[%parallel_loop3A_135] : memref<16400xf32, #tpu.memory_space<vmem>>[vector<16xi32>], vector<16xf32>,
        %parallel_loop3A_137 = arith.constant 32 : i32
        %parallel_loop3A_138 = arith.muli %parallel_loop3A_90, %parallel_loop3A_137 : i32
        %parallel_loop3A_139 = arith.constant 1 : i32
        %parallel_loop3A_140 = arith.addi %parallel_loop3A_138, %parallel_loop3A_139 : i32
        %parallel_loop3A_141 = arith.constant 16 : i32
        %parallel_loop3A_142 = arith.muli %parallel_loop3A_106, %parallel_loop3A_141 : i32
        %parallel_loop3A_143 = arith.index_cast %parallel_loop3A_140 : i32 to index
        %parallel_loop3A_144 = arith.index_cast %parallel_loop3A_142 : i32 to index
        %parallel_loop3A_145 = tpu.vector_load %arg8[%parallel_loop3A_143, %parallel_loop3A_144] {strides = array<i32>} : memref<64x128xf32, #tpu.memory_space<vmem>>, vector<16xf32>,
        tpu.vector_store %arg8[%parallel_loop3A_143, %parallel_loop3A_144], %parallel_loop3A_136 {strides = array<i32>} : memref<64x128xf32, #tpu.memory_space<vmem>>, vector<16xf32>,
        %parallel_loop3A_146 = arith.constant 64 : i32
        %parallel_loop3A_147 = vector.broadcast %parallel_loop3A_146 : i32 to vector<16xi32>
        %parallel_loop3A_148 = arith.addi %parallel_loop3A_119, %parallel_loop3A_147 : vector<16xi32>
        %parallel_loop3A_149 = tpu.vector_load_idx %arg7[%parallel_loop3A_148] : memref<16400xf32, #tpu.memory_space<vmem>>[vector<16xi32>], vector<16xf32>,
        %parallel_loop3A_150 = arith.constant 32 : i32
        %parallel_loop3A_151 = arith.muli %parallel_loop3A_90, %parallel_loop3A_150 : i32
        %parallel_loop3A_152 = arith.constant 2 : i32
        %parallel_loop3A_153 = arith.addi %parallel_loop3A_151, %parallel_loop3A_152 : i32
        %parallel_loop3A_154 = arith.constant 16 : i32
        %parallel_loop3A_155 = arith.muli %parallel_loop3A_106, %parallel_loop3A_154 : i32
        %parallel_loop3A_156 = arith.index_cast %parallel_loop3A_153 : i32 to index
        %parallel_loop3A_157 = arith.index_cast %parallel_loop3A_155 : i32 to index
        %parallel_loop3A_158 = tpu.vector_load %arg8[%parallel_loop3A_156, %parallel_loop3A_157] {strides = array<i32>} : memref<64x128xf32, #tpu.memory_space<vmem>>, vector<16xf32>,
        tpu.vector_store %arg8[%parallel_loop3A_156, %parallel_loop3A_157], %parallel_loop3A_149 {strides = array<i32>} : memref<64x128xf32, #tpu.memory_space<vmem>>, vector<16xf32>,
        %parallel_loop3A_159 = arith.constant 96 : i32
        %parallel_loop3A_160 = vector.broadcast %parallel_loop3A_159 : i32 to vector<16xi32>
        %parallel_loop3A_161 = arith.addi %parallel_loop3A_119, %parallel_loop3A_160 : vector<16xi32>
        %parallel_loop3A_162 = tpu.vector_load_idx %arg7[%parallel_loop3A_161] : memref<16400xf32, #tpu.memory_space<vmem>>[vector<16xi32>], vector<16xf32>,
        %parallel_loop3A_163 = arith.constant 32 : i32
        %parallel_loop3A_164 = arith.muli %parallel_loop3A_90, %parallel_loop3A_163 : i32
        %parallel_loop3A_165 = arith.constant 3 : i32
        %parallel_loop3A_166 = arith.addi %parallel_loop3A_164, %parallel_loop3A_165 : i32
        %parallel_loop3A_167 = arith.constant 16 : i32
        %parallel_loop3A_168 = arith.muli %parallel_loop3A_106, %parallel_loop3A_167 : i32
        %parallel_loop3A_169 = arith.index_cast %parallel_loop3A_166 : i32 to index
        %parallel_loop3A_170 = arith.index_cast %parallel_loop3A_168 : i32 to index
        %parallel_loop3A_171 = tpu.vector_load %arg8[%parallel_loop3A_169, %parallel_loop3A_170] {strides = array<i32>} : memref<64x128xf32, #tpu.memory_space<vmem>>, vector<16xf32>,
        tpu.vector_store %arg8[%parallel_loop3A_169, %parallel_loop3A_170], %parallel_loop3A_162 {strides = array<i32>} : memref<64x128xf32, #tpu.memory_space<vmem>>, vector<16xf32>,
        %parallel_loop3A_172 = arith.constant 128 : i32
        %parallel_loop3A_173 = vector.broadcast %parallel_loop3A_172 : i32 to vector<16xi32>
        %parallel_loop3A_174 = arith.addi %parallel_loop3A_119, %parallel_loop3A_173 : vector<16xi32>
        %parallel_loop3A_175 = tpu.vector_load_idx %arg7[%parallel_loop3A_174] : memref<16400xf32, #tpu.memory_space<vmem>>[vector<16xi32>], vector<16xf32>,
        %parallel_loop3A_176 = arith.constant 32 : i32
        %parallel_loop3A_177 = arith.muli %parallel_loop3A_90, %parallel_loop3A_176 : i32
        %parallel_loop3A_178 = arith.constant 4 : i32
        %parallel_loop3A_179 = arith.addi %parallel_loop3A_177, %parallel_loop3A_178 : i32
        %parallel_loop3A_180 = arith.constant 16 : i32
        %parallel_loop3A_181 = arith.muli %parallel_loop3A_106, %parallel_loop3A_180 : i32
        %parallel_loop3A_182 = arith.index_cast %parallel_loop3A_179 : i32 to index
        %parallel_loop3A_183 = arith.index_cast %parallel_loop3A_181 : i32 to index
        %parallel_loop3A_184 = tpu.vector_load %arg8[%parallel_loop3A_182, %parallel_loop3A_183] {strides = array<i32>} : memref<64x128xf32, #tpu.memory_space<vmem>>, vector<16xf32>,
        tpu.vector_store %arg8[%parallel_loop3A_182, %parallel_loop3A_183], %parallel_loop3A_175 {strides = array<i32>} : memref<64x128xf32, #tpu.memory_space<vmem>>, vector<16xf32>,
        %parallel_loop3A_185 = arith.constant 160 : i32
        %parallel_loop3A_186 = vector.broadcast %parallel_loop3A_185 : i32 to vector<16xi32>
        %parallel_loop3A_187 = arith.addi %parallel_loop3A_119, %parallel_loop3A_186 : vector<16xi32>
        %parallel_loop3A_188 = tpu.vector_load_idx %arg7[%parallel_loop3A_187] : memref<16400xf32, #tpu.memory_space<vmem>>[vector<16xi32>], vector<16xf32>,
        %parallel_loop3A_189 = arith.constant 32 : i32
        %parallel_loop3A_190 = arith.muli %parallel_loop3A_90, %parallel_loop3A_189 : i32
        %parallel_loop3A_191 = arith.constant 5 : i32
        %parallel_loop3A_192 = arith.addi %parallel_loop3A_190, %parallel_loop3A_191 : i32
        %parallel_loop3A_193 = arith.constant 16 : i32
        %parallel_loop3A_194 = arith.muli %parallel_loop3A_106, %parallel_loop3A_193 : i32
        %parallel_loop3A_195 = arith.index_cast %parallel_loop3A_192 : i32 to index
        %parallel_loop3A_196 = arith.index_cast %parallel_loop3A_194 : i32 to index
        %parallel_loop3A_197 = tpu.vector_load %arg8[%parallel_loop3A_195, %parallel_loop3A_196] {strides = array<i32>} : memref<64x128xf32, #tpu.memory_space<vmem>>, vector<16xf32>,
        tpu.vector_store %arg8[%parallel_loop3A_195, %parallel_loop3A_196], %parallel_loop3A_188 {strides = array<i32>} : memref<64x128xf32, #tpu.memory_space<vmem>>, vector<16xf32>,
        %parallel_loop3A_198 = arith.constant 192 : i32
        %parallel_loop3A_199 = vector.broadcast %parallel_loop3A_198 : i32 to vector<16xi32>
        %parallel_loop3A_200 = arith.addi %parallel_loop3A_119, %parallel_loop3A_199 : vector<16xi32>
        %parallel_loop3A_201 = tpu.vector_load_idx %arg7[%parallel_loop3A_200] : memref<16400xf32, #tpu.memory_space<vmem>>[vector<16xi32>], vector<16xf32>,
        %parallel_loop3A_202 = arith.constant 32 : i32
        %parallel_loop3A_203 = arith.muli %parallel_loop3A_90, %parallel_loop3A_202 : i32
        %parallel_loop3A_204 = arith.constant 6 : i32
        %parallel_loop3A_205 = arith.addi %parallel_loop3A_203, %parallel_loop3A_204 : i32
        %parallel_loop3A_206 = arith.constant 16 : i32
        %parallel_loop3A_207 = arith.muli %parallel_loop3A_106, %parallel_loop3A_206 : i32
        %parallel_loop3A_208 = arith.index_cast %parallel_loop3A_205 : i32 to index
        %parallel_loop3A_209 = arith.index_cast %parallel_loop3A_207 : i32 to index
        %parallel_loop3A_210 = tpu.vector_load %arg8[%parallel_loop3A_208, %parallel_loop3A_209] {strides = array<i32>} : memref<64x128xf32, #tpu.memory_space<vmem>>, vector<16xf32>,
        tpu.vector_store %arg8[%parallel_loop3A_208, %parallel_loop3A_209], %parallel_loop3A_201 {strides = array<i32>} : memref<64x128xf32, #tpu.memory_space<vmem>>, vector<16xf32>,
        %parallel_loop3A_211 = arith.constant 224 : i32
        %parallel_loop3A_212 = vector.broadcast %parallel_loop3A_211 : i32 to vector<16xi32>
        %parallel_loop3A_213 = arith.addi %parallel_loop3A_119, %parallel_loop3A_212 : vector<16xi32>
        %parallel_loop3A_214 = tpu.vector_load_idx %arg7[%parallel_loop3A_213] : memref<16400xf32, #tpu.memory_space<vmem>>[vector<16xi32>], vector<16xf32>,
        %parallel_loop3A_215 = arith.constant 32 : i32
        %parallel_loop3A_216 = arith.muli %parallel_loop3A_90, %parallel_loop3A_215 : i32
        %parallel_loop3A_217 = arith.constant 7 : i32
        %parallel_loop3A_218 = arith.addi %parallel_loop3A_216, %parallel_loop3A_217 : i32
        %parallel_loop3A_219 = arith.constant 16 : i32
        %parallel_loop3A_220 = arith.muli %parallel_loop3A_106, %parallel_loop3A_219 : i32
        %parallel_loop3A_221 = arith.index_cast %parallel_loop3A_218 : i32 to index
        %parallel_loop3A_222 = arith.index_cast %parallel_loop3A_220 : i32 to index
        %parallel_loop3A_223 = tpu.vector_load %arg8[%parallel_loop3A_221, %parallel_loop3A_222] {strides = array<i32>} : memref<64x128xf32, #tpu.memory_space<vmem>>, vector<16xf32>,
        tpu.vector_store %arg8[%parallel_loop3A_221, %parallel_loop3A_222], %parallel_loop3A_214 {strides = array<i32>} : memref<64x128xf32, #tpu.memory_space<vmem>>, vector<16xf32>,
        %parallel_loop3A_224 = arith.constant 256 : i32
        %parallel_loop3A_225 = vector.broadcast %parallel_loop3A_224 : i32 to vector<16xi32>
        %parallel_loop3A_226 = arith.addi %parallel_loop3A_119, %parallel_loop3A_225 : vector<16xi32>
        %parallel_loop3A_227 = tpu.vector_load_idx %arg7[%parallel_loop3A_226] : memref<16400xf32, #tpu.memory_space<vmem>>[vector<16xi32>], vector<16xf32>,
        %parallel_loop3A_228 = arith.constant 32 : i32
        %parallel_loop3A_229 = arith.muli %parallel_loop3A_90, %parallel_loop3A_228 : i32
        %parallel_loop3A_230 = arith.constant 8 : i32
        %parallel_loop3A_231 = arith.addi %parallel_loop3A_229, %parallel_loop3A_230 : i32
        %parallel_loop3A_232 = arith.constant 16 : i32
        %parallel_loop3A_233 = arith.muli %parallel_loop3A_106, %parallel_loop3A_232 : i32
        %parallel_loop3A_234 = arith.index_cast %parallel_loop3A_231 : i32 to index
        %parallel_loop3A_235 = arith.index_cast %parallel_loop3A_233 : i32 to index
        %parallel_loop3A_236 = tpu.vector_load %arg8[%parallel_loop3A_234, %parallel_loop3A_235] {strides = array<i32>} : memref<64x128xf32, #tpu.memory_space<vmem>>, vector<16xf32>,
        tpu.vector_store %arg8[%parallel_loop3A_234, %parallel_loop3A_235], %parallel_loop3A_227 {strides = array<i32>} : memref<64x128xf32, #tpu.memory_space<vmem>>, vector<16xf32>,
        %parallel_loop3A_237 = arith.constant 288 : i32
        %parallel_loop3A_238 = vector.broadcast %parallel_loop3A_237 : i32 to vector<16xi32>
        %parallel_loop3A_239 = arith.addi %parallel_loop3A_119, %parallel_loop3A_238 : vector<16xi32>
        %parallel_loop3A_240 = tpu.vector_load_idx %arg7[%parallel_loop3A_239] : memref<16400xf32, #tpu.memory_space<vmem>>[vector<16xi32>], vector<16xf32>,
        %parallel_loop3A_241 = arith.constant 32 : i32
        %parallel_loop3A_242 = arith.muli %parallel_loop3A_90, %parallel_loop3A_241 : i32
        %parallel_loop3A_243 = arith.constant 9 : i32
        %parallel_loop3A_244 = arith.addi %parallel_loop3A_242, %parallel_loop3A_243 : i32
        %parallel_loop3A_245 = arith.constant 16 : i32
        %parallel_loop3A_246 = arith.muli %parallel_loop3A_106, %parallel_loop3A_245 : i32
        %parallel_loop3A_247 = arith.index_cast %parallel_loop3A_244 : i32 to index
        %parallel_loop3A_248 = arith.index_cast %parallel_loop3A_246 : i32 to index
        %parallel_loop3A_249 = tpu.vector_load %arg8[%parallel_loop3A_247, %parallel_loop3A_248] {strides = array<i32>} : memref<64x128xf32, #tpu.memory_space<vmem>>, vector<16xf32>,
        tpu.vector_store %arg8[%parallel_loop3A_247, %parallel_loop3A_248], %parallel_loop3A_240 {strides = array<i32>} : memref<64x128xf32, #tpu.memory_space<vmem>>, vector<16xf32>,
        %parallel_loop3A_250 = arith.constant 320 : i32
        %parallel_loop3A_251 = vector.broadcast %parallel_loop3A_250 : i32 to vector<16xi32>
        %parallel_loop3A_252 = arith.addi %parallel_loop3A_119, %parallel_loop3A_251 : vector<16xi32>
        %parallel_loop3A_253 = tpu.vector_load_idx %arg7[%parallel_loop3A_252] : memref<16400xf32, #tpu.memory_space<vmem>>[vector<16xi32>], vector<16xf32>,
        %parallel_loop3A_254 = arith.constant 32 : i32
        %parallel_loop3A_255 = arith.muli %parallel_loop3A_90, %parallel_loop3A_254 : i32
        %parallel_loop3A_256 = arith.constant 10 : i32
        %parallel_loop3A_257 = arith.addi %parallel_loop3A_255, %parallel_loop3A_256 : i32
        %parallel_loop3A_258 = arith.constant 16 : i32
        %parallel_loop3A_259 = arith.muli %parallel_loop3A_106, %parallel_loop3A_258 : i32
        %parallel_loop3A_260 = arith.index_cast %parallel_loop3A_257 : i32 to index
        %parallel_loop3A_261 = arith.index_cast %parallel_loop3A_259 : i32 to index
        %parallel_loop3A_262 = tpu.vector_load %arg8[%parallel_loop3A_260, %parallel_loop3A_261] {strides = array<i32>} : memref<64x128xf32, #tpu.memory_space<vmem>>, vector<16xf32>,
        tpu.vector_store %arg8[%parallel_loop3A_260, %parallel_loop3A_261], %parallel_loop3A_253 {strides = array<i32>} : memref<64x128xf32, #tpu.memory_space<vmem>>, vector<16xf32>,
        %parallel_loop3A_263 = arith.constant 352 : i32
        %parallel_loop3A_264 = vector.broadcast %parallel_loop3A_263 : i32 to vector<16xi32>
        %parallel_loop3A_265 = arith.addi %parallel_loop3A_119, %parallel_loop3A_264 : vector<16xi32>
        %parallel_loop3A_266 = tpu.vector_load_idx %arg7[%parallel_loop3A_265] : memref<16400xf32, #tpu.memory_space<vmem>>[vector<16xi32>], vector<16xf32>,
        %parallel_loop3A_267 = arith.constant 32 : i32
        %parallel_loop3A_268 = arith.muli %parallel_loop3A_90, %parallel_loop3A_267 : i32
        %parallel_loop3A_269 = arith.constant 11 : i32
        %parallel_loop3A_270 = arith.addi %parallel_loop3A_268, %parallel_loop3A_269 : i32
        %parallel_loop3A_271 = arith.constant 16 : i32
        %parallel_loop3A_272 = arith.muli %parallel_loop3A_106, %parallel_loop3A_271 : i32
        %parallel_loop3A_273 = arith.index_cast %parallel_loop3A_270 : i32 to index
        %parallel_loop3A_274 = arith.index_cast %parallel_loop3A_272 : i32 to index
        %parallel_loop3A_275 = tpu.vector_load %arg8[%parallel_loop3A_273, %parallel_loop3A_274] {strides = array<i32>} : memref<64x128xf32, #tpu.memory_space<vmem>>, vector<16xf32>,
        tpu.vector_store %arg8[%parallel_loop3A_273, %parallel_loop3A_274], %parallel_loop3A_266 {strides = array<i32>} : memref<64x128xf32, #tpu.memory_space<vmem>>, vector<16xf32>,
        %parallel_loop3A_276 = arith.constant 384 : i32
        %parallel_loop3A_277 = vector.broadcast %parallel_loop3A_276 : i32 to vector<16xi32>
        %parallel_loop3A_278 = arith.addi %parallel_loop3A_119, %parallel_loop3A_277 : vector<16xi32>
        %parallel_loop3A_279 = tpu.vector_load_idx %arg7[%parallel_loop3A_278] : memref<16400xf32, #tpu.memory_space<vmem>>[vector<16xi32>], vector<16xf32>,
        %parallel_loop3A_280 = arith.constant 32 : i32
        %parallel_loop3A_281 = arith.muli %parallel_loop3A_90, %parallel_loop3A_280 : i32
        %parallel_loop3A_282 = arith.constant 12 : i32
        %parallel_loop3A_283 = arith.addi %parallel_loop3A_281, %parallel_loop3A_282 : i32
        %parallel_loop3A_284 = arith.constant 16 : i32
        %parallel_loop3A_285 = arith.muli %parallel_loop3A_106, %parallel_loop3A_284 : i32
        %parallel_loop3A_286 = arith.index_cast %parallel_loop3A_283 : i32 to index
        %parallel_loop3A_287 = arith.index_cast %parallel_loop3A_285 : i32 to index
        %parallel_loop3A_288 = tpu.vector_load %arg8[%parallel_loop3A_286, %parallel_loop3A_287] {strides = array<i32>} : memref<64x128xf32, #tpu.memory_space<vmem>>, vector<16xf32>,
        tpu.vector_store %arg8[%parallel_loop3A_286, %parallel_loop3A_287], %parallel_loop3A_279 {strides = array<i32>} : memref<64x128xf32, #tpu.memory_space<vmem>>, vector<16xf32>,
        %parallel_loop3A_289 = arith.constant 416 : i32
        %parallel_loop3A_290 = vector.broadcast %parallel_loop3A_289 : i32 to vector<16xi32>
        %parallel_loop3A_291 = arith.addi %parallel_loop3A_119, %parallel_loop3A_290 : vector<16xi32>
        %parallel_loop3A_292 = tpu.vector_load_idx %arg7[%parallel_loop3A_291] : memref<16400xf32, #tpu.memory_space<vmem>>[vector<16xi32>], vector<16xf32>,
        %parallel_loop3A_293 = arith.constant 32 : i32
        %parallel_loop3A_294 = arith.muli %parallel_loop3A_90, %parallel_loop3A_293 : i32
        %parallel_loop3A_295 = arith.constant 13 : i32
        %parallel_loop3A_296 = arith.addi %parallel_loop3A_294, %parallel_loop3A_295 : i32
        %parallel_loop3A_297 = arith.constant 16 : i32
        %parallel_loop3A_298 = arith.muli %parallel_loop3A_106, %parallel_loop3A_297 : i32
        %parallel_loop3A_299 = arith.index_cast %parallel_loop3A_296 : i32 to index
        %parallel_loop3A_300 = arith.index_cast %parallel_loop3A_298 : i32 to index
        %parallel_loop3A_301 = tpu.vector_load %arg8[%parallel_loop3A_299, %parallel_loop3A_300] {strides = array<i32>} : memref<64x128xf32, #tpu.memory_space<vmem>>, vector<16xf32>,
        tpu.vector_store %arg8[%parallel_loop3A_299, %parallel_loop3A_300], %parallel_loop3A_292 {strides = array<i32>} : memref<64x128xf32, #tpu.memory_space<vmem>>, vector<16xf32>,
        %parallel_loop3A_302 = arith.constant 448 : i32
        %parallel_loop3A_303 = vector.broadcast %parallel_loop3A_302 : i32 to vector<16xi32>
        %parallel_loop3A_304 = arith.addi %parallel_loop3A_119, %parallel_loop3A_303 : vector<16xi32>
        %parallel_loop3A_305 = tpu.vector_load_idx %arg7[%parallel_loop3A_304] : memref<16400xf32, #tpu.memory_space<vmem>>[vector<16xi32>], vector<16xf32>,
        %parallel_loop3A_306 = arith.constant 32 : i32
        %parallel_loop3A_307 = arith.muli %parallel_loop3A_90, %parallel_loop3A_306 : i32
        %parallel_loop3A_308 = arith.constant 14 : i32
        %parallel_loop3A_309 = arith.addi %parallel_loop3A_307, %parallel_loop3A_308 : i32
        %parallel_loop3A_310 = arith.constant 16 : i32
        %parallel_loop3A_311 = arith.muli %parallel_loop3A_106, %parallel_loop3A_310 : i32
        %parallel_loop3A_312 = arith.index_cast %parallel_loop3A_309 : i32 to index
        %parallel_loop3A_313 = arith.index_cast %parallel_loop3A_311 : i32 to index
        %parallel_loop3A_314 = tpu.vector_load %arg8[%parallel_loop3A_312, %parallel_loop3A_313] {strides = array<i32>} : memref<64x128xf32, #tpu.memory_space<vmem>>, vector<16xf32>,
        tpu.vector_store %arg8[%parallel_loop3A_312, %parallel_loop3A_313], %parallel_loop3A_305 {strides = array<i32>} : memref<64x128xf32, #tpu.memory_space<vmem>>, vector<16xf32>,
        %parallel_loop3A_315 = arith.constant 480 : i32
        %parallel_loop3A_316 = vector.broadcast %parallel_loop3A_315 : i32 to vector<16xi32>
        %parallel_loop3A_317 = arith.addi %parallel_loop3A_119, %parallel_loop3A_316 : vector<16xi32>
        %parallel_loop3A_318 = tpu.vector_load_idx %arg7[%parallel_loop3A_317] : memref<16400xf32, #tpu.memory_space<vmem>>[vector<16xi32>], vector<16xf32>,
        %parallel_loop3A_319 = arith.constant 32 : i32
        %parallel_loop3A_320 = arith.muli %parallel_loop3A_90, %parallel_loop3A_319 : i32
        %parallel_loop3A_321 = arith.constant 15 : i32
        %parallel_loop3A_322 = arith.addi %parallel_loop3A_320, %parallel_loop3A_321 : i32
        %parallel_loop3A_323 = arith.constant 16 : i32
        %parallel_loop3A_324 = arith.muli %parallel_loop3A_106, %parallel_loop3A_323 : i32
        %parallel_loop3A_325 = arith.index_cast %parallel_loop3A_322 : i32 to index
        %parallel_loop3A_326 = arith.index_cast %parallel_loop3A_324 : i32 to index
        %parallel_loop3A_327 = tpu.vector_load %arg8[%parallel_loop3A_325, %parallel_loop3A_326] {strides = array<i32>} : memref<64x128xf32, #tpu.memory_space<vmem>>, vector<16xf32>,
        tpu.vector_store %arg8[%parallel_loop3A_325, %parallel_loop3A_326], %parallel_loop3A_318 {strides = array<i32>} : memref<64x128xf32, #tpu.memory_space<vmem>>, vector<16xf32>,
        %parallel_loop3A_328 = arith.constant 512 : i32
        %parallel_loop3A_329 = vector.broadcast %parallel_loop3A_328 : i32 to vector<16xi32>
        %parallel_loop3A_330 = arith.addi %parallel_loop3A_119, %parallel_loop3A_329 : vector<16xi32>
        %parallel_loop3A_331 = tpu.vector_load_idx %arg7[%parallel_loop3A_330] : memref<16400xf32, #tpu.memory_space<vmem>>[vector<16xi32>], vector<16xf32>,
        %parallel_loop3A_332 = arith.constant 32 : i32
        %parallel_loop3A_333 = arith.muli %parallel_loop3A_90, %parallel_loop3A_332 : i32
        %parallel_loop3A_334 = arith.constant 16 : i32
        %parallel_loop3A_335 = arith.addi %parallel_loop3A_333, %parallel_loop3A_334 : i32
        %parallel_loop3A_336 = arith.constant 16 : i32
        %parallel_loop3A_337 = arith.muli %parallel_loop3A_106, %parallel_loop3A_336 : i32
        %parallel_loop3A_338 = arith.index_cast %parallel_loop3A_335 : i32 to index
        %parallel_loop3A_339 = arith.index_cast %parallel_loop3A_337 : i32 to index
        %parallel_loop3A_340 = tpu.vector_load %arg8[%parallel_loop3A_338, %parallel_loop3A_339] {strides = array<i32>} : memref<64x128xf32, #tpu.memory_space<vmem>>, vector<16xf32>,
        tpu.vector_store %arg8[%parallel_loop3A_338, %parallel_loop3A_339], %parallel_loop3A_331 {strides = array<i32>} : memref<64x128xf32, #tpu.memory_space<vmem>>, vector<16xf32>,
        %parallel_loop3A_341 = arith.constant 544 : i32
        %parallel_loop3A_342 = vector.broadcast %parallel_loop3A_341 : i32 to vector<16xi32>
        %parallel_loop3A_343 = arith.addi %parallel_loop3A_119, %parallel_loop3A_342 : vector<16xi32>
        %parallel_loop3A_344 = tpu.vector_load_idx %arg7[%parallel_loop3A_343] : memref<16400xf32, #tpu.memory_space<vmem>>[vector<16xi32>], vector<16xf32>,
        %parallel_loop3A_345 = arith.constant 32 : i32
        %parallel_loop3A_346 = arith.muli %parallel_loop3A_90, %parallel_loop3A_345 : i32
        %parallel_loop3A_347 = arith.constant 17 : i32
        %parallel_loop3A_348 = arith.addi %parallel_loop3A_346, %parallel_loop3A_347 : i32
        %parallel_loop3A_349 = arith.constant 16 : i32
        %parallel_loop3A_350 = arith.muli %parallel_loop3A_106, %parallel_loop3A_349 : i32
        %parallel_loop3A_351 = arith.index_cast %parallel_loop3A_348 : i32 to index
        %parallel_loop3A_352 = arith.index_cast %parallel_loop3A_350 : i32 to index
        %parallel_loop3A_353 = tpu.vector_load %arg8[%parallel_loop3A_351, %parallel_loop3A_352] {strides = array<i32>} : memref<64x128xf32, #tpu.memory_space<vmem>>, vector<16xf32>,
        tpu.vector_store %arg8[%parallel_loop3A_351, %parallel_loop3A_352], %parallel_loop3A_344 {strides = array<i32>} : memref<64x128xf32, #tpu.memory_space<vmem>>, vector<16xf32>,
        %parallel_loop3A_354 = arith.constant 576 : i32
        %parallel_loop3A_355 = vector.broadcast %parallel_loop3A_354 : i32 to vector<16xi32>
        %parallel_loop3A_356 = arith.addi %parallel_loop3A_119, %parallel_loop3A_355 : vector<16xi32>
        %parallel_loop3A_357 = tpu.vector_load_idx %arg7[%parallel_loop3A_356] : memref<16400xf32, #tpu.memory_space<vmem>>[vector<16xi32>], vector<16xf32>,
        %parallel_loop3A_358 = arith.constant 32 : i32
        %parallel_loop3A_359 = arith.muli %parallel_loop3A_90, %parallel_loop3A_358 : i32
        %parallel_loop3A_360 = arith.constant 18 : i32
        %parallel_loop3A_361 = arith.addi %parallel_loop3A_359, %parallel_loop3A_360 : i32
        %parallel_loop3A_362 = arith.constant 16 : i32
        %parallel_loop3A_363 = arith.muli %parallel_loop3A_106, %parallel_loop3A_362 : i32
        %parallel_loop3A_364 = arith.index_cast %parallel_loop3A_361 : i32 to index
        %parallel_loop3A_365 = arith.index_cast %parallel_loop3A_363 : i32 to index
        %parallel_loop3A_366 = tpu.vector_load %arg8[%parallel_loop3A_364, %parallel_loop3A_365] {strides = array<i32>} : memref<64x128xf32, #tpu.memory_space<vmem>>, vector<16xf32>,
        tpu.vector_store %arg8[%parallel_loop3A_364, %parallel_loop3A_365], %parallel_loop3A_357 {strides = array<i32>} : memref<64x128xf32, #tpu.memory_space<vmem>>, vector<16xf32>,
        %parallel_loop3A_367 = arith.constant 608 : i32
        %parallel_loop3A_368 = vector.broadcast %parallel_loop3A_367 : i32 to vector<16xi32>
        %parallel_loop3A_369 = arith.addi %parallel_loop3A_119, %parallel_loop3A_368 : vector<16xi32>
        %parallel_loop3A_370 = tpu.vector_load_idx %arg7[%parallel_loop3A_369] : memref<16400xf32, #tpu.memory_space<vmem>>[vector<16xi32>], vector<16xf32>,
        %parallel_loop3A_371 = arith.constant 32 : i32
        %parallel_loop3A_372 = arith.muli %parallel_loop3A_90, %parallel_loop3A_371 : i32
        %parallel_loop3A_373 = arith.constant 19 : i32
        %parallel_loop3A_374 = arith.addi %parallel_loop3A_372, %parallel_loop3A_373 : i32
        %parallel_loop3A_375 = arith.constant 16 : i32
        %parallel_loop3A_376 = arith.muli %parallel_loop3A_106, %parallel_loop3A_375 : i32
        %parallel_loop3A_377 = arith.index_cast %parallel_loop3A_374 : i32 to index
        %parallel_loop3A_378 = arith.index_cast %parallel_loop3A_376 : i32 to index
        %parallel_loop3A_379 = tpu.vector_load %arg8[%parallel_loop3A_377, %parallel_loop3A_378] {strides = array<i32>} : memref<64x128xf32, #tpu.memory_space<vmem>>, vector<16xf32>,
        tpu.vector_store %arg8[%parallel_loop3A_377, %parallel_loop3A_378], %parallel_loop3A_370 {strides = array<i32>} : memref<64x128xf32, #tpu.memory_space<vmem>>, vector<16xf32>,
        %parallel_loop3A_380 = arith.constant 640 : i32
        %parallel_loop3A_381 = vector.broadcast %parallel_loop3A_380 : i32 to vector<16xi32>
        %parallel_loop3A_382 = arith.addi %parallel_loop3A_119, %parallel_loop3A_381 : vector<16xi32>
        %parallel_loop3A_383 = tpu.vector_load_idx %arg7[%parallel_loop3A_382] : memref<16400xf32, #tpu.memory_space<vmem>>[vector<16xi32>], vector<16xf32>,
        %parallel_loop3A_384 = arith.constant 32 : i32
        %parallel_loop3A_385 = arith.muli %parallel_loop3A_90, %parallel_loop3A_384 : i32
        %parallel_loop3A_386 = arith.constant 20 : i32
        %parallel_loop3A_387 = arith.addi %parallel_loop3A_385, %parallel_loop3A_386 : i32
        %parallel_loop3A_388 = arith.constant 16 : i32
        %parallel_loop3A_389 = arith.muli %parallel_loop3A_106, %parallel_loop3A_388 : i32
        %parallel_loop3A_390 = arith.index_cast %parallel_loop3A_387 : i32 to index
        %parallel_loop3A_391 = arith.index_cast %parallel_loop3A_389 : i32 to index
        %parallel_loop3A_392 = tpu.vector_load %arg8[%parallel_loop3A_390, %parallel_loop3A_391] {strides = array<i32>} : memref<64x128xf32, #tpu.memory_space<vmem>>, vector<16xf32>,
        tpu.vector_store %arg8[%parallel_loop3A_390, %parallel_loop3A_391], %parallel_loop3A_383 {strides = array<i32>} : memref<64x128xf32, #tpu.memory_space<vmem>>, vector<16xf32>,
        %parallel_loop3A_393 = arith.constant 672 : i32
        %parallel_loop3A_394 = vector.broadcast %parallel_loop3A_393 : i32 to vector<16xi32>
        %parallel_loop3A_395 = arith.addi %parallel_loop3A_119, %parallel_loop3A_394 : vector<16xi32>
        %parallel_loop3A_396 = tpu.vector_load_idx %arg7[%parallel_loop3A_395] : memref<16400xf32, #tpu.memory_space<vmem>>[vector<16xi32>], vector<16xf32>,
        %parallel_loop3A_397 = arith.constant 32 : i32
        %parallel_loop3A_398 = arith.muli %parallel_loop3A_90, %parallel_loop3A_397 : i32
        %parallel_loop3A_399 = arith.constant 21 : i32
        %parallel_loop3A_400 = arith.addi %parallel_loop3A_398, %parallel_loop3A_399 : i32
        %parallel_loop3A_401 = arith.constant 16 : i32
        %parallel_loop3A_402 = arith.muli %parallel_loop3A_106, %parallel_loop3A_401 : i32
        %parallel_loop3A_403 = arith.index_cast %parallel_loop3A_400 : i32 to index
        %parallel_loop3A_404 = arith.index_cast %parallel_loop3A_402 : i32 to index
        %parallel_loop3A_405 = tpu.vector_load %arg8[%parallel_loop3A_403, %parallel_loop3A_404] {strides = array<i32>} : memref<64x128xf32, #tpu.memory_space<vmem>>, vector<16xf32>,
        tpu.vector_store %arg8[%parallel_loop3A_403, %parallel_loop3A_404], %parallel_loop3A_396 {strides = array<i32>} : memref<64x128xf32, #tpu.memory_space<vmem>>, vector<16xf32>,
        %parallel_loop3A_406 = arith.constant 704 : i32
        %parallel_loop3A_407 = vector.broadcast %parallel_loop3A_406 : i32 to vector<16xi32>
        %parallel_loop3A_408 = arith.addi %parallel_loop3A_119, %parallel_loop3A_407 : vector<16xi32>
        %parallel_loop3A_409 = tpu.vector_load_idx %arg7[%parallel_loop3A_408] : memref<16400xf32, #tpu.memory_space<vmem>>[vector<16xi32>], vector<16xf32>,
        %parallel_loop3A_410 = arith.constant 32 : i32
        %parallel_loop3A_411 = arith.muli %parallel_loop3A_90, %parallel_loop3A_410 : i32
        %parallel_loop3A_412 = arith.constant 22 : i32
        %parallel_loop3A_413 = arith.addi %parallel_loop3A_411, %parallel_loop3A_412 : i32
        %parallel_loop3A_414 = arith.constant 16 : i32
        %parallel_loop3A_415 = arith.muli %parallel_loop3A_106, %parallel_loop3A_414 : i32
        %parallel_loop3A_416 = arith.index_cast %parallel_loop3A_413 : i32 to index
        %parallel_loop3A_417 = arith.index_cast %parallel_loop3A_415 : i32 to index
        %parallel_loop3A_418 = tpu.vector_load %arg8[%parallel_loop3A_416, %parallel_loop3A_417] {strides = array<i32>} : memref<64x128xf32, #tpu.memory_space<vmem>>, vector<16xf32>,
        tpu.vector_store %arg8[%parallel_loop3A_416, %parallel_loop3A_417], %parallel_loop3A_409 {strides = array<i32>} : memref<64x128xf32, #tpu.memory_space<vmem>>, vector<16xf32>,
        %parallel_loop3A_419 = arith.constant 736 : i32
        %parallel_loop3A_420 = vector.broadcast %parallel_loop3A_419 : i32 to vector<16xi32>
        %parallel_loop3A_421 = arith.addi %parallel_loop3A_119, %parallel_loop3A_420 : vector<16xi32>
        %parallel_loop3A_422 = tpu.vector_load_idx %arg7[%parallel_loop3A_421] : memref<16400xf32, #tpu.memory_space<vmem>>[vector<16xi32>], vector<16xf32>,
        %parallel_loop3A_423 = arith.constant 32 : i32
        %parallel_loop3A_424 = arith.muli %parallel_loop3A_90, %parallel_loop3A_423 : i32
        %parallel_loop3A_425 = arith.constant 23 : i32
        %parallel_loop3A_426 = arith.addi %parallel_loop3A_424, %parallel_loop3A_425 : i32
        %parallel_loop3A_427 = arith.constant 16 : i32
        %parallel_loop3A_428 = arith.muli %parallel_loop3A_106, %parallel_loop3A_427 : i32
        %parallel_loop3A_429 = arith.index_cast %parallel_loop3A_426 : i32 to index
        %parallel_loop3A_430 = arith.index_cast %parallel_loop3A_428 : i32 to index
        %parallel_loop3A_431 = tpu.vector_load %arg8[%parallel_loop3A_429, %parallel_loop3A_430] {strides = array<i32>} : memref<64x128xf32, #tpu.memory_space<vmem>>, vector<16xf32>,
        tpu.vector_store %arg8[%parallel_loop3A_429, %parallel_loop3A_430], %parallel_loop3A_422 {strides = array<i32>} : memref<64x128xf32, #tpu.memory_space<vmem>>, vector<16xf32>,
        %parallel_loop3A_432 = arith.constant 768 : i32
        %parallel_loop3A_433 = vector.broadcast %parallel_loop3A_432 : i32 to vector<16xi32>
        %parallel_loop3A_434 = arith.addi %parallel_loop3A_119, %parallel_loop3A_433 : vector<16xi32>
        %parallel_loop3A_435 = tpu.vector_load_idx %arg7[%parallel_loop3A_434] : memref<16400xf32, #tpu.memory_space<vmem>>[vector<16xi32>], vector<16xf32>,
        %parallel_loop3A_436 = arith.constant 32 : i32
        %parallel_loop3A_437 = arith.muli %parallel_loop3A_90, %parallel_loop3A_436 : i32
        %parallel_loop3A_438 = arith.constant 24 : i32
        %parallel_loop3A_439 = arith.addi %parallel_loop3A_437, %parallel_loop3A_438 : i32
        %parallel_loop3A_440 = arith.constant 16 : i32
        %parallel_loop3A_441 = arith.muli %parallel_loop3A_106, %parallel_loop3A_440 : i32
        %parallel_loop3A_442 = arith.index_cast %parallel_loop3A_439 : i32 to index
        %parallel_loop3A_443 = arith.index_cast %parallel_loop3A_441 : i32 to index
        %parallel_loop3A_444 = tpu.vector_load %arg8[%parallel_loop3A_442, %parallel_loop3A_443] {strides = array<i32>} : memref<64x128xf32, #tpu.memory_space<vmem>>, vector<16xf32>,
        tpu.vector_store %arg8[%parallel_loop3A_442, %parallel_loop3A_443], %parallel_loop3A_435 {strides = array<i32>} : memref<64x128xf32, #tpu.memory_space<vmem>>, vector<16xf32>,
        %parallel_loop3A_445 = arith.constant 800 : i32
        %parallel_loop3A_446 = vector.broadcast %parallel_loop3A_445 : i32 to vector<16xi32>
        %parallel_loop3A_447 = arith.addi %parallel_loop3A_119, %parallel_loop3A_446 : vector<16xi32>
        %parallel_loop3A_448 = tpu.vector_load_idx %arg7[%parallel_loop3A_447] : memref<16400xf32, #tpu.memory_space<vmem>>[vector<16xi32>], vector<16xf32>,
        %parallel_loop3A_449 = arith.constant 32 : i32
        %parallel_loop3A_450 = arith.muli %parallel_loop3A_90, %parallel_loop3A_449 : i32
        %parallel_loop3A_451 = arith.constant 25 : i32
        %parallel_loop3A_452 = arith.addi %parallel_loop3A_450, %parallel_loop3A_451 : i32
        %parallel_loop3A_453 = arith.constant 16 : i32
        %parallel_loop3A_454 = arith.muli %parallel_loop3A_106, %parallel_loop3A_453 : i32
        %parallel_loop3A_455 = arith.index_cast %parallel_loop3A_452 : i32 to index
        %parallel_loop3A_456 = arith.index_cast %parallel_loop3A_454 : i32 to index
        %parallel_loop3A_457 = tpu.vector_load %arg8[%parallel_loop3A_455, %parallel_loop3A_456] {strides = array<i32>} : memref<64x128xf32, #tpu.memory_space<vmem>>, vector<16xf32>,
        tpu.vector_store %arg8[%parallel_loop3A_455, %parallel_loop3A_456], %parallel_loop3A_448 {strides = array<i32>} : memref<64x128xf32, #tpu.memory_space<vmem>>, vector<16xf32>,
        %parallel_loop3A_458 = arith.constant 832 : i32
        %parallel_loop3A_459 = vector.broadcast %parallel_loop3A_458 : i32 to vector<16xi32>
        %parallel_loop3A_460 = arith.addi %parallel_loop3A_119, %parallel_loop3A_459 : vector<16xi32>
        %parallel_loop3A_461 = tpu.vector_load_idx %arg7[%parallel_loop3A_460] : memref<16400xf32, #tpu.memory_space<vmem>>[vector<16xi32>], vector<16xf32>,
        %parallel_loop3A_462 = arith.constant 32 : i32
        %parallel_loop3A_463 = arith.muli %parallel_loop3A_90, %parallel_loop3A_462 : i32
        %parallel_loop3A_464 = arith.constant 26 : i32
        %parallel_loop3A_465 = arith.addi %parallel_loop3A_463, %parallel_loop3A_464 : i32
        %parallel_loop3A_466 = arith.constant 16 : i32
        %parallel_loop3A_467 = arith.muli %parallel_loop3A_106, %parallel_loop3A_466 : i32
        %parallel_loop3A_468 = arith.index_cast %parallel_loop3A_465 : i32 to index
        %parallel_loop3A_469 = arith.index_cast %parallel_loop3A_467 : i32 to index
        %parallel_loop3A_470 = tpu.vector_load %arg8[%parallel_loop3A_468, %parallel_loop3A_469] {strides = array<i32>} : memref<64x128xf32, #tpu.memory_space<vmem>>, vector<16xf32>,
        tpu.vector_store %arg8[%parallel_loop3A_468, %parallel_loop3A_469], %parallel_loop3A_461 {strides = array<i32>} : memref<64x128xf32, #tpu.memory_space<vmem>>, vector<16xf32>,
        %parallel_loop3A_471 = arith.constant 864 : i32
        %parallel_loop3A_472 = vector.broadcast %parallel_loop3A_471 : i32 to vector<16xi32>
        %parallel_loop3A_473 = arith.addi %parallel_loop3A_119, %parallel_loop3A_472 : vector<16xi32>
        %parallel_loop3A_474 = tpu.vector_load_idx %arg7[%parallel_loop3A_473] : memref<16400xf32, #tpu.memory_space<vmem>>[vector<16xi32>], vector<16xf32>,
        %parallel_loop3A_475 = arith.constant 32 : i32
        %parallel_loop3A_476 = arith.muli %parallel_loop3A_90, %parallel_loop3A_475 : i32
        %parallel_loop3A_477 = arith.constant 27 : i32
        %parallel_loop3A_478 = arith.addi %parallel_loop3A_476, %parallel_loop3A_477 : i32
        %parallel_loop3A_479 = arith.constant 16 : i32
        %parallel_loop3A_480 = arith.muli %parallel_loop3A_106, %parallel_loop3A_479 : i32
        %parallel_loop3A_481 = arith.index_cast %parallel_loop3A_478 : i32 to index
        %parallel_loop3A_482 = arith.index_cast %parallel_loop3A_480 : i32 to index
        %parallel_loop3A_483 = tpu.vector_load %arg8[%parallel_loop3A_481, %parallel_loop3A_482] {strides = array<i32>} : memref<64x128xf32, #tpu.memory_space<vmem>>, vector<16xf32>,
        tpu.vector_store %arg8[%parallel_loop3A_481, %parallel_loop3A_482], %parallel_loop3A_474 {strides = array<i32>} : memref<64x128xf32, #tpu.memory_space<vmem>>, vector<16xf32>,
        %parallel_loop3A_484 = arith.constant 896 : i32
        %parallel_loop3A_485 = vector.broadcast %parallel_loop3A_484 : i32 to vector<16xi32>
        %parallel_loop3A_486 = arith.addi %parallel_loop3A_119, %parallel_loop3A_485 : vector<16xi32>
        %parallel_loop3A_487 = tpu.vector_load_idx %arg7[%parallel_loop3A_486] : memref<16400xf32, #tpu.memory_space<vmem>>[vector<16xi32>], vector<16xf32>,
        %parallel_loop3A_488 = arith.constant 32 : i32
        %parallel_loop3A_489 = arith.muli %parallel_loop3A_90, %parallel_loop3A_488 : i32
        %parallel_loop3A_490 = arith.constant 28 : i32
        %parallel_loop3A_491 = arith.addi %parallel_loop3A_489, %parallel_loop3A_490 : i32
        %parallel_loop3A_492 = arith.constant 16 : i32
        %parallel_loop3A_493 = arith.muli %parallel_loop3A_106, %parallel_loop3A_492 : i32
        %parallel_loop3A_494 = arith.index_cast %parallel_loop3A_491 : i32 to index
        %parallel_loop3A_495 = arith.index_cast %parallel_loop3A_493 : i32 to index
        %parallel_loop3A_496 = tpu.vector_load %arg8[%parallel_loop3A_494, %parallel_loop3A_495] {strides = array<i32>} : memref<64x128xf32, #tpu.memory_space<vmem>>, vector<16xf32>,
        tpu.vector_store %arg8[%parallel_loop3A_494, %parallel_loop3A_495], %parallel_loop3A_487 {strides = array<i32>} : memref<64x128xf32, #tpu.memory_space<vmem>>, vector<16xf32>,
        %parallel_loop3A_497 = arith.constant 928 : i32
        %parallel_loop3A_498 = vector.broadcast %parallel_loop3A_497 : i32 to vector<16xi32>
        %parallel_loop3A_499 = arith.addi %parallel_loop3A_119, %parallel_loop3A_498 : vector<16xi32>
        %parallel_loop3A_500 = tpu.vector_load_idx %arg7[%parallel_loop3A_499] : memref<16400xf32, #tpu.memory_space<vmem>>[vector<16xi32>], vector<16xf32>,
        %parallel_loop3A_501 = arith.constant 32 : i32
        %parallel_loop3A_502 = arith.muli %parallel_loop3A_90, %parallel_loop3A_501 : i32
        %parallel_loop3A_503 = arith.constant 29 : i32
        %parallel_loop3A_504 = arith.addi %parallel_loop3A_502, %parallel_loop3A_503 : i32
        %parallel_loop3A_505 = arith.constant 16 : i32
        %parallel_loop3A_506 = arith.muli %parallel_loop3A_106, %parallel_loop3A_505 : i32
        %parallel_loop3A_507 = arith.index_cast %parallel_loop3A_504 : i32 to index
        %parallel_loop3A_508 = arith.index_cast %parallel_loop3A_506 : i32 to index
        %parallel_loop3A_509 = tpu.vector_load %arg8[%parallel_loop3A_507, %parallel_loop3A_508] {strides = array<i32>} : memref<64x128xf32, #tpu.memory_space<vmem>>, vector<16xf32>,
        tpu.vector_store %arg8[%parallel_loop3A_507, %parallel_loop3A_508], %parallel_loop3A_500 {strides = array<i32>} : memref<64x128xf32, #tpu.memory_space<vmem>>, vector<16xf32>,
        %parallel_loop3A_510 = arith.constant 960 : i32
        %parallel_loop3A_511 = vector.broadcast %parallel_loop3A_510 : i32 to vector<16xi32>
        %parallel_loop3A_512 = arith.addi %parallel_loop3A_119, %parallel_loop3A_511 : vector<16xi32>
        %parallel_loop3A_513 = tpu.vector_load_idx %arg7[%parallel_loop3A_512] : memref<16400xf32, #tpu.memory_space<vmem>>[vector<16xi32>], vector<16xf32>,
        %parallel_loop3A_514 = arith.constant 32 : i32
        %parallel_loop3A_515 = arith.muli %parallel_loop3A_90, %parallel_loop3A_514 : i32
        %parallel_loop3A_516 = arith.constant 30 : i32
        %parallel_loop3A_517 = arith.addi %parallel_loop3A_515, %parallel_loop3A_516 : i32
        %parallel_loop3A_518 = arith.constant 16 : i32
        %parallel_loop3A_519 = arith.muli %parallel_loop3A_106, %parallel_loop3A_518 : i32
        %parallel_loop3A_520 = arith.index_cast %parallel_loop3A_517 : i32 to index
        %parallel_loop3A_521 = arith.index_cast %parallel_loop3A_519 : i32 to index
        %parallel_loop3A_522 = tpu.vector_load %arg8[%parallel_loop3A_520, %parallel_loop3A_521] {strides = array<i32>} : memref<64x128xf32, #tpu.memory_space<vmem>>, vector<16xf32>,
        tpu.vector_store %arg8[%parallel_loop3A_520, %parallel_loop3A_521], %parallel_loop3A_513 {strides = array<i32>} : memref<64x128xf32, #tpu.memory_space<vmem>>, vector<16xf32>,
        %parallel_loop3A_523 = arith.constant 992 : i32
        %parallel_loop3A_524 = vector.broadcast %parallel_loop3A_523 : i32 to vector<16xi32>
        %parallel_loop3A_525 = arith.addi %parallel_loop3A_119, %parallel_loop3A_524 : vector<16xi32>
        %parallel_loop3A_526 = tpu.vector_load_idx %arg7[%parallel_loop3A_525] : memref<16400xf32, #tpu.memory_space<vmem>>[vector<16xi32>], vector<16xf32>,
        %parallel_loop3A_527 = arith.constant 32 : i32
        %parallel_loop3A_528 = arith.muli %parallel_loop3A_90, %parallel_loop3A_527 : i32
        %parallel_loop3A_529 = arith.constant 31 : i32
        %parallel_loop3A_530 = arith.addi %parallel_loop3A_528, %parallel_loop3A_529 : i32
        %parallel_loop3A_531 = arith.constant 16 : i32
        %parallel_loop3A_532 = arith.muli %parallel_loop3A_106, %parallel_loop3A_531 : i32
        %parallel_loop3A_533 = arith.index_cast %parallel_loop3A_530 : i32 to index
        %parallel_loop3A_534 = arith.index_cast %parallel_loop3A_532 : i32 to index
        %parallel_loop3A_535 = tpu.vector_load %arg8[%parallel_loop3A_533, %parallel_loop3A_534] {strides = array<i32>} : memref<64x128xf32, #tpu.memory_space<vmem>>, vector<16xf32>,
        tpu.vector_store %arg8[%parallel_loop3A_533, %parallel_loop3A_534], %parallel_loop3A_526 {strides = array<i32>} : memref<64x128xf32, #tpu.memory_space<vmem>>, vector<16xf32>,
      } {sc.loop_unroll_factor = 2 : i64, sc.parallel_access}
      %mul3A_44 = arith.constant 32 : i32
      %mul3A_45 = arith.muli %mul3A_39, %mul3A_44 : i32
      %dma_start3A_46 = tpu.memref_slice %arg4[%mul3A_45, %mul3A_2] : memref<6400x4096xf32, #tpu.memory_space<hbm>> -> memref<64x128xf32, #tpu.memory_space<hbm>>
      %dma_start3A_47 = tpu.memref_slice %arg4[%mul3A_45, %mul3A_2] : memref<6400x4096xf32, #tpu.memory_space<hbm>> -> memref<64x128xf32, #tpu.memory_space<hbm>>
      tpu.enqueue_dma source(%arg8 : memref<64x128xf32, #tpu.memory_space<vmem>>) target(%dma_start3A_47 : memref<64x128xf32, #tpu.memory_space<hbm>>) target_semaphore(%arg10 : memref<!tpu.dma_semaphore, #tpu.memory_space<semaphore_mem>>)
      %mul3A_48 = arith.constant 2 : i32
      %mul3A_49 = arith.muli %scan3A_33, %mul3A_48 : i32
      %add3A_50 = arith.constant 1 : i32
      %add3A_51 = arith.addi %mul3A_49, %add3A_50 : i32
      %mul3A_52 = arith.constant 2 : i32
      %mul3A_53 = arith.muli %add3A_51, %mul3A_52 : i32
      %gt3A_54 = arith.constant 0 : i32
      %gt3A_55 = arith.cmpi sgt, %scan3A_33, %gt3A_54 : i32
      %convert_element_type3A_56 = arith.extui %gt3A_55 : i1 to i32
      %cond3A_57 = arith.constant 0 : i32
      %cond3A_58 = arith.cmpi ne, %convert_element_type3A_56, %cond3A_57 : i32
      scf.if %cond3A_58 {
        %dma_wait3A_66 = arith.constant 0 : i32
        %dma_wait3A_67 = tpu.memref_slice %arg4[%dma_wait3A_66, %mul3A_2] : memref<6400x4096xf32, #tpu.memory_space<hbm>> -> memref<64x128xf32, #tpu.memory_space<hbm>>
        %dma_wait3A_68 = arith.constant 0 : i32
        %dma_wait3A_69 = tpu.memref_slice %arg4[%dma_wait3A_68, %mul3A_2] : memref<6400x4096xf32, #tpu.memory_space<hbm>> -> memref<64x128xf32, #tpu.memory_space<hbm>>
        tpu.wait_dma2 semaphore(%arg11 : memref<!tpu.dma_semaphore, #tpu.memory_space<semaphore_mem>>) src(%arg9 : memref<64x128xf32, #tpu.memory_space<vmem>>) dst(%dma_wait3A_69 : memref<64x128xf32, #tpu.memory_space<hbm>>)
      } else {
      }
      %parallel_loop3A_59 = arith.constant 0 : i32
      %parallel_loop3A_60 = arith.constant 16 : i32
      %parallel_loop3A_61 = arith.constant 1 : i32
      scf.for %parallel_loop3A_66 = %parallel_loop3A_59 to %parallel_loop3A_60 step %parallel_loop3A_61  : i32 {
        %parallel_loop3A_67 = arith.constant 8 : i32
        %parallel_loop3A_68 = arith.divsi %parallel_loop3A_66, %parallel_loop3A_67 : i32
        %parallel_loop3A_69 = arith.constant 0 : i32
        %parallel_loop3A_70 = arith.cmpi sgt, %parallel_loop3A_66, %parallel_loop3A_69 : i32
        %parallel_loop3A_71 = arith.extui %parallel_loop3A_70 : i1 to i32
        %parallel_loop3A_72 = arith.constant 0 : i32
        %parallel_loop3A_73 = arith.cmpi slt, %parallel_loop3A_66, %parallel_loop3A_72 : i32
        %parallel_loop3A_74 = arith.extui %parallel_loop3A_73 : i1 to i32
        %parallel_loop3A_75 = arith.subi %parallel_loop3A_71, %parallel_loop3A_74 : i32
        %parallel_loop3A_76 = arith.constant 0 : i32
        %parallel_loop3A_77 = arith.cmpi sgt, %parallel_loop3A_67, %parallel_loop3A_76 : i32
        %parallel_loop3A_78 = arith.extui %parallel_loop3A_77 : i1 to i32
        %parallel_loop3A_79 = arith.constant 0 : i32
        %parallel_loop3A_80 = arith.cmpi slt, %parallel_loop3A_67, %parallel_loop3A_79 : i32
        %parallel_loop3A_81 = arith.extui %parallel_loop3A_80 : i1 to i32
        %parallel_loop3A_82 = arith.subi %parallel_loop3A_78, %parallel_loop3A_81 : i32
        %parallel_loop3A_83 = arith.cmpi ne, %parallel_loop3A_75, %parallel_loop3A_82 : i32
        %parallel_loop3A_84 = arith.remsi %parallel_loop3A_66, %parallel_loop3A_67 : i32
        %parallel_loop3A_85 = arith.constant 0 : i32
        %parallel_loop3A_86 = arith.cmpi ne, %parallel_loop3A_84, %parallel_loop3A_85 : i32
        %parallel_loop3A_87 = arith.andi %parallel_loop3A_83, %parallel_loop3A_86 : i1
        %parallel_loop3A_88 = arith.constant 1 : i32
        %parallel_loop3A_89 = arith.subi %parallel_loop3A_68, %parallel_loop3A_88 : i32
        %parallel_loop3A_90 = arith.select %parallel_loop3A_87, %parallel_loop3A_89, %parallel_loop3A_68 : i32
        %parallel_loop3A_91 = arith.constant 8 : i32
        %parallel_loop3A_92 = arith.constant 0 : i32
        %parallel_loop3A_93 = arith.cmpi eq, %parallel_loop3A_91, %parallel_loop3A_92 : i32
        %parallel_loop3A_94 = arith.constant 1 : i32
        %parallel_loop3A_95 = arith.select %parallel_loop3A_93, %parallel_loop3A_94, %parallel_loop3A_91 : i32
        %parallel_loop3A_96 = arith.remsi %parallel_loop3A_66, %parallel_loop3A_95 : i32
        %parallel_loop3A_97 = arith.constant 0 : i32
        %parallel_loop3A_98 = arith.cmpi ne, %parallel_loop3A_96, %parallel_loop3A_97 : i32
        %parallel_loop3A_99 = arith.constant 0 : i32
        %parallel_loop3A_100 = arith.cmpi slt, %parallel_loop3A_96, %parallel_loop3A_99 : i32
        %parallel_loop3A_101 = arith.constant 0 : i32
        %parallel_loop3A_102 = arith.cmpi slt, %parallel_loop3A_95, %parallel_loop3A_101 : i32
        %parallel_loop3A_103 = arith.xori %parallel_loop3A_100, %parallel_loop3A_102 : i1
        %parallel_loop3A_104 = arith.andi %parallel_loop3A_103, %parallel_loop3A_98 : i1
        %parallel_loop3A_105 = arith.addi %parallel_loop3A_96, %parallel_loop3A_95 : i32
        %parallel_loop3A_106 = arith.select %parallel_loop3A_104, %parallel_loop3A_105, %parallel_loop3A_96 : i32
        %parallel_loop3A_107 = arith.addi %mul3A_53, %parallel_loop3A_90 : i32
        %parallel_loop3A_108 = arith.constant 16 : i32
        %parallel_loop3A_109 = arith.muli %parallel_loop3A_106, %parallel_loop3A_108 : i32
        %parallel_loop3A_110 = arith.index_cast %parallel_loop3A_107 : i32 to index
        %parallel_loop3A_111 = arith.index_cast %parallel_loop3A_109 : i32 to index
        %parallel_loop3A_112 = tpu.vector_load %arg5[%parallel_loop3A_110, %parallel_loop3A_111] {strides = array<i32>} : memref<200x128xi32, #tpu.memory_space<vmem>>, vector<16xi32>,
        %parallel_loop3A_113 = arith.constant 0 : i32
        %parallel_loop3A_114 = vector.broadcast %parallel_loop3A_113 : i32 to vector<16xi32>
        %parallel_loop3A_115 = arith.maxsi %parallel_loop3A_112, %parallel_loop3A_114 : vector<16xi32>
        %parallel_loop3A_116 = arith.constant 31 : i32
        %parallel_loop3A_117 = vector.broadcast %parallel_loop3A_116 : i32 to vector<16xi32>
        %parallel_loop3A_118 = arith.minsi %parallel_loop3A_115, %parallel_loop3A_117 : vector<16xi32>
        %parallel_loop3A_119 = arith.addi %parallel_loop3A_118, %mul3A_5 : vector<16xi32>
        %parallel_loop3A_120 = arith.constant 0 : i32
        %parallel_loop3A_121 = vector.broadcast %parallel_loop3A_120 : i32 to vector<16xi32>
        %parallel_loop3A_122 = arith.addi %parallel_loop3A_119, %parallel_loop3A_121 : vector<16xi32>
        %parallel_loop3A_123 = tpu.vector_load_idx %arg7[%parallel_loop3A_122] : memref<16400xf32, #tpu.memory_space<vmem>>[vector<16xi32>], vector<16xf32>,
        %parallel_loop3A_124 = arith.constant 32 : i32
        %parallel_loop3A_125 = arith.muli %parallel_loop3A_90, %parallel_loop3A_124 : i32
        %parallel_loop3A_126 = arith.constant 0 : i32
        %parallel_loop3A_127 = arith.addi %parallel_loop3A_125, %parallel_loop3A_126 : i32
        %parallel_loop3A_128 = arith.constant 16 : i32
        %parallel_loop3A_129 = arith.muli %parallel_loop3A_106, %parallel_loop3A_128 : i32
        %parallel_loop3A_130 = arith.index_cast %parallel_loop3A_127 : i32 to index
        %parallel_loop3A_131 = arith.index_cast %parallel_loop3A_129 : i32 to index
        %parallel_loop3A_132 = tpu.vector_load %arg9[%parallel_loop3A_130, %parallel_loop3A_131] {strides = array<i32>} : memref<64x128xf32, #tpu.memory_space<vmem>>, vector<16xf32>,
        tpu.vector_store %arg9[%parallel_loop3A_130, %parallel_loop3A_131], %parallel_loop3A_123 {strides = array<i32>} : memref<64x128xf32, #tpu.memory_space<vmem>>, vector<16xf32>,
        %parallel_loop3A_133 = arith.constant 32 : i32
        %parallel_loop3A_134 = vector.broadcast %parallel_loop3A_133 : i32 to vector<16xi32>
        %parallel_loop3A_135 = arith.addi %parallel_loop3A_119, %parallel_loop3A_134 : vector<16xi32>
        %parallel_loop3A_136 = tpu.vector_load_idx %arg7[%parallel_loop3A_135] : memref<16400xf32, #tpu.memory_space<vmem>>[vector<16xi32>], vector<16xf32>,
        %parallel_loop3A_137 = arith.constant 32 : i32
        %parallel_loop3A_138 = arith.muli %parallel_loop3A_90, %parallel_loop3A_137 : i32
        %parallel_loop3A_139 = arith.constant 1 : i32
        %parallel_loop3A_140 = arith.addi %parallel_loop3A_138, %parallel_loop3A_139 : i32
        %parallel_loop3A_141 = arith.constant 16 : i32
        %parallel_loop3A_142 = arith.muli %parallel_loop3A_106, %parallel_loop3A_141 : i32
        %parallel_loop3A_143 = arith.index_cast %parallel_loop3A_140 : i32 to index
        %parallel_loop3A_144 = arith.index_cast %parallel_loop3A_142 : i32 to index
        %parallel_loop3A_145 = tpu.vector_load %arg9[%parallel_loop3A_143, %parallel_loop3A_144] {strides = array<i32>} : memref<64x128xf32, #tpu.memory_space<vmem>>, vector<16xf32>,
        tpu.vector_store %arg9[%parallel_loop3A_143, %parallel_loop3A_144], %parallel_loop3A_136 {strides = array<i32>} : memref<64x128xf32, #tpu.memory_space<vmem>>, vector<16xf32>,
        %parallel_loop3A_146 = arith.constant 64 : i32
        %parallel_loop3A_147 = vector.broadcast %parallel_loop3A_146 : i32 to vector<16xi32>
        %parallel_loop3A_148 = arith.addi %parallel_loop3A_119, %parallel_loop3A_147 : vector<16xi32>
        %parallel_loop3A_149 = tpu.vector_load_idx %arg7[%parallel_loop3A_148] : memref<16400xf32, #tpu.memory_space<vmem>>[vector<16xi32>], vector<16xf32>,
        %parallel_loop3A_150 = arith.constant 32 : i32
        %parallel_loop3A_151 = arith.muli %parallel_loop3A_90, %parallel_loop3A_150 : i32
        %parallel_loop3A_152 = arith.constant 2 : i32
        %parallel_loop3A_153 = arith.addi %parallel_loop3A_151, %parallel_loop3A_152 : i32
        %parallel_loop3A_154 = arith.constant 16 : i32
        %parallel_loop3A_155 = arith.muli %parallel_loop3A_106, %parallel_loop3A_154 : i32
        %parallel_loop3A_156 = arith.index_cast %parallel_loop3A_153 : i32 to index
        %parallel_loop3A_157 = arith.index_cast %parallel_loop3A_155 : i32 to index
        %parallel_loop3A_158 = tpu.vector_load %arg9[%parallel_loop3A_156, %parallel_loop3A_157] {strides = array<i32>} : memref<64x128xf32, #tpu.memory_space<vmem>>, vector<16xf32>,
        tpu.vector_store %arg9[%parallel_loop3A_156, %parallel_loop3A_157], %parallel_loop3A_149 {strides = array<i32>} : memref<64x128xf32, #tpu.memory_space<vmem>>, vector<16xf32>,
        %parallel_loop3A_159 = arith.constant 96 : i32
        %parallel_loop3A_160 = vector.broadcast %parallel_loop3A_159 : i32 to vector<16xi32>
        %parallel_loop3A_161 = arith.addi %parallel_loop3A_119, %parallel_loop3A_160 : vector<16xi32>
        %parallel_loop3A_162 = tpu.vector_load_idx %arg7[%parallel_loop3A_161] : memref<16400xf32, #tpu.memory_space<vmem>>[vector<16xi32>], vector<16xf32>,
        %parallel_loop3A_163 = arith.constant 32 : i32
        %parallel_loop3A_164 = arith.muli %parallel_loop3A_90, %parallel_loop3A_163 : i32
        %parallel_loop3A_165 = arith.constant 3 : i32
        %parallel_loop3A_166 = arith.addi %parallel_loop3A_164, %parallel_loop3A_165 : i32
        %parallel_loop3A_167 = arith.constant 16 : i32
        %parallel_loop3A_168 = arith.muli %parallel_loop3A_106, %parallel_loop3A_167 : i32
        %parallel_loop3A_169 = arith.index_cast %parallel_loop3A_166 : i32 to index
        %parallel_loop3A_170 = arith.index_cast %parallel_loop3A_168 : i32 to index
        %parallel_loop3A_171 = tpu.vector_load %arg9[%parallel_loop3A_169, %parallel_loop3A_170] {strides = array<i32>} : memref<64x128xf32, #tpu.memory_space<vmem>>, vector<16xf32>,
        tpu.vector_store %arg9[%parallel_loop3A_169, %parallel_loop3A_170], %parallel_loop3A_162 {strides = array<i32>} : memref<64x128xf32, #tpu.memory_space<vmem>>, vector<16xf32>,
        %parallel_loop3A_172 = arith.constant 128 : i32
        %parallel_loop3A_173 = vector.broadcast %parallel_loop3A_172 : i32 to vector<16xi32>
        %parallel_loop3A_174 = arith.addi %parallel_loop3A_119, %parallel_loop3A_173 : vector<16xi32>
        %parallel_loop3A_175 = tpu.vector_load_idx %arg7[%parallel_loop3A_174] : memref<16400xf32, #tpu.memory_space<vmem>>[vector<16xi32>], vector<16xf32>,
        %parallel_loop3A_176 = arith.constant 32 : i32
        %parallel_loop3A_177 = arith.muli %parallel_loop3A_90, %parallel_loop3A_176 : i32
        %parallel_loop3A_178 = arith.constant 4 : i32
        %parallel_loop3A_179 = arith.addi %parallel_loop3A_177, %parallel_loop3A_178 : i32
        %parallel_loop3A_180 = arith.constant 16 : i32
        %parallel_loop3A_181 = arith.muli %parallel_loop3A_106, %parallel_loop3A_180 : i32
        %parallel_loop3A_182 = arith.index_cast %parallel_loop3A_179 : i32 to index
        %parallel_loop3A_183 = arith.index_cast %parallel_loop3A_181 : i32 to index
        %parallel_loop3A_184 = tpu.vector_load %arg9[%parallel_loop3A_182, %parallel_loop3A_183] {strides = array<i32>} : memref<64x128xf32, #tpu.memory_space<vmem>>, vector<16xf32>,
        tpu.vector_store %arg9[%parallel_loop3A_182, %parallel_loop3A_183], %parallel_loop3A_175 {strides = array<i32>} : memref<64x128xf32, #tpu.memory_space<vmem>>, vector<16xf32>,
        %parallel_loop3A_185 = arith.constant 160 : i32
        %parallel_loop3A_186 = vector.broadcast %parallel_loop3A_185 : i32 to vector<16xi32>
        %parallel_loop3A_187 = arith.addi %parallel_loop3A_119, %parallel_loop3A_186 : vector<16xi32>
        %parallel_loop3A_188 = tpu.vector_load_idx %arg7[%parallel_loop3A_187] : memref<16400xf32, #tpu.memory_space<vmem>>[vector<16xi32>], vector<16xf32>,
        %parallel_loop3A_189 = arith.constant 32 : i32
        %parallel_loop3A_190 = arith.muli %parallel_loop3A_90, %parallel_loop3A_189 : i32
        %parallel_loop3A_191 = arith.constant 5 : i32
        %parallel_loop3A_192 = arith.addi %parallel_loop3A_190, %parallel_loop3A_191 : i32
        %parallel_loop3A_193 = arith.constant 16 : i32
        %parallel_loop3A_194 = arith.muli %parallel_loop3A_106, %parallel_loop3A_193 : i32
        %parallel_loop3A_195 = arith.index_cast %parallel_loop3A_192 : i32 to index
        %parallel_loop3A_196 = arith.index_cast %parallel_loop3A_194 : i32 to index
        %parallel_loop3A_197 = tpu.vector_load %arg9[%parallel_loop3A_195, %parallel_loop3A_196] {strides = array<i32>} : memref<64x128xf32, #tpu.memory_space<vmem>>, vector<16xf32>,
        tpu.vector_store %arg9[%parallel_loop3A_195, %parallel_loop3A_196], %parallel_loop3A_188 {strides = array<i32>} : memref<64x128xf32, #tpu.memory_space<vmem>>, vector<16xf32>,
        %parallel_loop3A_198 = arith.constant 192 : i32
        %parallel_loop3A_199 = vector.broadcast %parallel_loop3A_198 : i32 to vector<16xi32>
        %parallel_loop3A_200 = arith.addi %parallel_loop3A_119, %parallel_loop3A_199 : vector<16xi32>
        %parallel_loop3A_201 = tpu.vector_load_idx %arg7[%parallel_loop3A_200] : memref<16400xf32, #tpu.memory_space<vmem>>[vector<16xi32>], vector<16xf32>,
        %parallel_loop3A_202 = arith.constant 32 : i32
        %parallel_loop3A_203 = arith.muli %parallel_loop3A_90, %parallel_loop3A_202 : i32
        %parallel_loop3A_204 = arith.constant 6 : i32
        %parallel_loop3A_205 = arith.addi %parallel_loop3A_203, %parallel_loop3A_204 : i32
        %parallel_loop3A_206 = arith.constant 16 : i32
        %parallel_loop3A_207 = arith.muli %parallel_loop3A_106, %parallel_loop3A_206 : i32
        %parallel_loop3A_208 = arith.index_cast %parallel_loop3A_205 : i32 to index
        %parallel_loop3A_209 = arith.index_cast %parallel_loop3A_207 : i32 to index
        %parallel_loop3A_210 = tpu.vector_load %arg9[%parallel_loop3A_208, %parallel_loop3A_209] {strides = array<i32>} : memref<64x128xf32, #tpu.memory_space<vmem>>, vector<16xf32>,
        tpu.vector_store %arg9[%parallel_loop3A_208, %parallel_loop3A_209], %parallel_loop3A_201 {strides = array<i32>} : memref<64x128xf32, #tpu.memory_space<vmem>>, vector<16xf32>,
        %parallel_loop3A_211 = arith.constant 224 : i32
        %parallel_loop3A_212 = vector.broadcast %parallel_loop3A_211 : i32 to vector<16xi32>
        %parallel_loop3A_213 = arith.addi %parallel_loop3A_119, %parallel_loop3A_212 : vector<16xi32>
        %parallel_loop3A_214 = tpu.vector_load_idx %arg7[%parallel_loop3A_213] : memref<16400xf32, #tpu.memory_space<vmem>>[vector<16xi32>], vector<16xf32>,
        %parallel_loop3A_215 = arith.constant 32 : i32
        %parallel_loop3A_216 = arith.muli %parallel_loop3A_90, %parallel_loop3A_215 : i32
        %parallel_loop3A_217 = arith.constant 7 : i32
        %parallel_loop3A_218 = arith.addi %parallel_loop3A_216, %parallel_loop3A_217 : i32
        %parallel_loop3A_219 = arith.constant 16 : i32
        %parallel_loop3A_220 = arith.muli %parallel_loop3A_106, %parallel_loop3A_219 : i32
        %parallel_loop3A_221 = arith.index_cast %parallel_loop3A_218 : i32 to index
        %parallel_loop3A_222 = arith.index_cast %parallel_loop3A_220 : i32 to index
        %parallel_loop3A_223 = tpu.vector_load %arg9[%parallel_loop3A_221, %parallel_loop3A_222] {strides = array<i32>} : memref<64x128xf32, #tpu.memory_space<vmem>>, vector<16xf32>,
        tpu.vector_store %arg9[%parallel_loop3A_221, %parallel_loop3A_222], %parallel_loop3A_214 {strides = array<i32>} : memref<64x128xf32, #tpu.memory_space<vmem>>, vector<16xf32>,
        %parallel_loop3A_224 = arith.constant 256 : i32
        %parallel_loop3A_225 = vector.broadcast %parallel_loop3A_224 : i32 to vector<16xi32>
        %parallel_loop3A_226 = arith.addi %parallel_loop3A_119, %parallel_loop3A_225 : vector<16xi32>
        %parallel_loop3A_227 = tpu.vector_load_idx %arg7[%parallel_loop3A_226] : memref<16400xf32, #tpu.memory_space<vmem>>[vector<16xi32>], vector<16xf32>,
        %parallel_loop3A_228 = arith.constant 32 : i32
        %parallel_loop3A_229 = arith.muli %parallel_loop3A_90, %parallel_loop3A_228 : i32
        %parallel_loop3A_230 = arith.constant 8 : i32
        %parallel_loop3A_231 = arith.addi %parallel_loop3A_229, %parallel_loop3A_230 : i32
        %parallel_loop3A_232 = arith.constant 16 : i32
        %parallel_loop3A_233 = arith.muli %parallel_loop3A_106, %parallel_loop3A_232 : i32
        %parallel_loop3A_234 = arith.index_cast %parallel_loop3A_231 : i32 to index
        %parallel_loop3A_235 = arith.index_cast %parallel_loop3A_233 : i32 to index
        %parallel_loop3A_236 = tpu.vector_load %arg9[%parallel_loop3A_234, %parallel_loop3A_235] {strides = array<i32>} : memref<64x128xf32, #tpu.memory_space<vmem>>, vector<16xf32>,
        tpu.vector_store %arg9[%parallel_loop3A_234, %parallel_loop3A_235], %parallel_loop3A_227 {strides = array<i32>} : memref<64x128xf32, #tpu.memory_space<vmem>>, vector<16xf32>,
        %parallel_loop3A_237 = arith.constant 288 : i32
        %parallel_loop3A_238 = vector.broadcast %parallel_loop3A_237 : i32 to vector<16xi32>
        %parallel_loop3A_239 = arith.addi %parallel_loop3A_119, %parallel_loop3A_238 : vector<16xi32>
        %parallel_loop3A_240 = tpu.vector_load_idx %arg7[%parallel_loop3A_239] : memref<16400xf32, #tpu.memory_space<vmem>>[vector<16xi32>], vector<16xf32>,
        %parallel_loop3A_241 = arith.constant 32 : i32
        %parallel_loop3A_242 = arith.muli %parallel_loop3A_90, %parallel_loop3A_241 : i32
        %parallel_loop3A_243 = arith.constant 9 : i32
        %parallel_loop3A_244 = arith.addi %parallel_loop3A_242, %parallel_loop3A_243 : i32
        %parallel_loop3A_245 = arith.constant 16 : i32
        %parallel_loop3A_246 = arith.muli %parallel_loop3A_106, %parallel_loop3A_245 : i32
        %parallel_loop3A_247 = arith.index_cast %parallel_loop3A_244 : i32 to index
        %parallel_loop3A_248 = arith.index_cast %parallel_loop3A_246 : i32 to index
        %parallel_loop3A_249 = tpu.vector_load %arg9[%parallel_loop3A_247, %parallel_loop3A_248] {strides = array<i32>} : memref<64x128xf32, #tpu.memory_space<vmem>>, vector<16xf32>,
        tpu.vector_store %arg9[%parallel_loop3A_247, %parallel_loop3A_248], %parallel_loop3A_240 {strides = array<i32>} : memref<64x128xf32, #tpu.memory_space<vmem>>, vector<16xf32>,
        %parallel_loop3A_250 = arith.constant 320 : i32
        %parallel_loop3A_251 = vector.broadcast %parallel_loop3A_250 : i32 to vector<16xi32>
        %parallel_loop3A_252 = arith.addi %parallel_loop3A_119, %parallel_loop3A_251 : vector<16xi32>
        %parallel_loop3A_253 = tpu.vector_load_idx %arg7[%parallel_loop3A_252] : memref<16400xf32, #tpu.memory_space<vmem>>[vector<16xi32>], vector<16xf32>,
        %parallel_loop3A_254 = arith.constant 32 : i32
        %parallel_loop3A_255 = arith.muli %parallel_loop3A_90, %parallel_loop3A_254 : i32
        %parallel_loop3A_256 = arith.constant 10 : i32
        %parallel_loop3A_257 = arith.addi %parallel_loop3A_255, %parallel_loop3A_256 : i32
        %parallel_loop3A_258 = arith.constant 16 : i32
        %parallel_loop3A_259 = arith.muli %parallel_loop3A_106, %parallel_loop3A_258 : i32
        %parallel_loop3A_260 = arith.index_cast %parallel_loop3A_257 : i32 to index
        %parallel_loop3A_261 = arith.index_cast %parallel_loop3A_259 : i32 to index
        %parallel_loop3A_262 = tpu.vector_load %arg9[%parallel_loop3A_260, %parallel_loop3A_261] {strides = array<i32>} : memref<64x128xf32, #tpu.memory_space<vmem>>, vector<16xf32>,
        tpu.vector_store %arg9[%parallel_loop3A_260, %parallel_loop3A_261], %parallel_loop3A_253 {strides = array<i32>} : memref<64x128xf32, #tpu.memory_space<vmem>>, vector<16xf32>,
        %parallel_loop3A_263 = arith.constant 352 : i32
        %parallel_loop3A_264 = vector.broadcast %parallel_loop3A_263 : i32 to vector<16xi32>
        %parallel_loop3A_265 = arith.addi %parallel_loop3A_119, %parallel_loop3A_264 : vector<16xi32>
        %parallel_loop3A_266 = tpu.vector_load_idx %arg7[%parallel_loop3A_265] : memref<16400xf32, #tpu.memory_space<vmem>>[vector<16xi32>], vector<16xf32>,
        %parallel_loop3A_267 = arith.constant 32 : i32
        %parallel_loop3A_268 = arith.muli %parallel_loop3A_90, %parallel_loop3A_267 : i32
        %parallel_loop3A_269 = arith.constant 11 : i32
        %parallel_loop3A_270 = arith.addi %parallel_loop3A_268, %parallel_loop3A_269 : i32
        %parallel_loop3A_271 = arith.constant 16 : i32
        %parallel_loop3A_272 = arith.muli %parallel_loop3A_106, %parallel_loop3A_271 : i32
        %parallel_loop3A_273 = arith.index_cast %parallel_loop3A_270 : i32 to index
        %parallel_loop3A_274 = arith.index_cast %parallel_loop3A_272 : i32 to index
        %parallel_loop3A_275 = tpu.vector_load %arg9[%parallel_loop3A_273, %parallel_loop3A_274] {strides = array<i32>} : memref<64x128xf32, #tpu.memory_space<vmem>>, vector<16xf32>,
        tpu.vector_store %arg9[%parallel_loop3A_273, %parallel_loop3A_274], %parallel_loop3A_266 {strides = array<i32>} : memref<64x128xf32, #tpu.memory_space<vmem>>, vector<16xf32>,
        %parallel_loop3A_276 = arith.constant 384 : i32
        %parallel_loop3A_277 = vector.broadcast %parallel_loop3A_276 : i32 to vector<16xi32>
        %parallel_loop3A_278 = arith.addi %parallel_loop3A_119, %parallel_loop3A_277 : vector<16xi32>
        %parallel_loop3A_279 = tpu.vector_load_idx %arg7[%parallel_loop3A_278] : memref<16400xf32, #tpu.memory_space<vmem>>[vector<16xi32>], vector<16xf32>,
        %parallel_loop3A_280 = arith.constant 32 : i32
        %parallel_loop3A_281 = arith.muli %parallel_loop3A_90, %parallel_loop3A_280 : i32
        %parallel_loop3A_282 = arith.constant 12 : i32
        %parallel_loop3A_283 = arith.addi %parallel_loop3A_281, %parallel_loop3A_282 : i32
        %parallel_loop3A_284 = arith.constant 16 : i32
        %parallel_loop3A_285 = arith.muli %parallel_loop3A_106, %parallel_loop3A_284 : i32
        %parallel_loop3A_286 = arith.index_cast %parallel_loop3A_283 : i32 to index
        %parallel_loop3A_287 = arith.index_cast %parallel_loop3A_285 : i32 to index
        %parallel_loop3A_288 = tpu.vector_load %arg9[%parallel_loop3A_286, %parallel_loop3A_287] {strides = array<i32>} : memref<64x128xf32, #tpu.memory_space<vmem>>, vector<16xf32>,
        tpu.vector_store %arg9[%parallel_loop3A_286, %parallel_loop3A_287], %parallel_loop3A_279 {strides = array<i32>} : memref<64x128xf32, #tpu.memory_space<vmem>>, vector<16xf32>,
        %parallel_loop3A_289 = arith.constant 416 : i32
        %parallel_loop3A_290 = vector.broadcast %parallel_loop3A_289 : i32 to vector<16xi32>
        %parallel_loop3A_291 = arith.addi %parallel_loop3A_119, %parallel_loop3A_290 : vector<16xi32>
        %parallel_loop3A_292 = tpu.vector_load_idx %arg7[%parallel_loop3A_291] : memref<16400xf32, #tpu.memory_space<vmem>>[vector<16xi32>], vector<16xf32>,
        %parallel_loop3A_293 = arith.constant 32 : i32
        %parallel_loop3A_294 = arith.muli %parallel_loop3A_90, %parallel_loop3A_293 : i32
        %parallel_loop3A_295 = arith.constant 13 : i32
        %parallel_loop3A_296 = arith.addi %parallel_loop3A_294, %parallel_loop3A_295 : i32
        %parallel_loop3A_297 = arith.constant 16 : i32
        %parallel_loop3A_298 = arith.muli %parallel_loop3A_106, %parallel_loop3A_297 : i32
        %parallel_loop3A_299 = arith.index_cast %parallel_loop3A_296 : i32 to index
        %parallel_loop3A_300 = arith.index_cast %parallel_loop3A_298 : i32 to index
        %parallel_loop3A_301 = tpu.vector_load %arg9[%parallel_loop3A_299, %parallel_loop3A_300] {strides = array<i32>} : memref<64x128xf32, #tpu.memory_space<vmem>>, vector<16xf32>,
        tpu.vector_store %arg9[%parallel_loop3A_299, %parallel_loop3A_300], %parallel_loop3A_292 {strides = array<i32>} : memref<64x128xf32, #tpu.memory_space<vmem>>, vector<16xf32>,
        %parallel_loop3A_302 = arith.constant 448 : i32
        %parallel_loop3A_303 = vector.broadcast %parallel_loop3A_302 : i32 to vector<16xi32>
        %parallel_loop3A_304 = arith.addi %parallel_loop3A_119, %parallel_loop3A_303 : vector<16xi32>
        %parallel_loop3A_305 = tpu.vector_load_idx %arg7[%parallel_loop3A_304] : memref<16400xf32, #tpu.memory_space<vmem>>[vector<16xi32>], vector<16xf32>,
        %parallel_loop3A_306 = arith.constant 32 : i32
        %parallel_loop3A_307 = arith.muli %parallel_loop3A_90, %parallel_loop3A_306 : i32
        %parallel_loop3A_308 = arith.constant 14 : i32
        %parallel_loop3A_309 = arith.addi %parallel_loop3A_307, %parallel_loop3A_308 : i32
        %parallel_loop3A_310 = arith.constant 16 : i32
        %parallel_loop3A_311 = arith.muli %parallel_loop3A_106, %parallel_loop3A_310 : i32
        %parallel_loop3A_312 = arith.index_cast %parallel_loop3A_309 : i32 to index
        %parallel_loop3A_313 = arith.index_cast %parallel_loop3A_311 : i32 to index
        %parallel_loop3A_314 = tpu.vector_load %arg9[%parallel_loop3A_312, %parallel_loop3A_313] {strides = array<i32>} : memref<64x128xf32, #tpu.memory_space<vmem>>, vector<16xf32>,
        tpu.vector_store %arg9[%parallel_loop3A_312, %parallel_loop3A_313], %parallel_loop3A_305 {strides = array<i32>} : memref<64x128xf32, #tpu.memory_space<vmem>>, vector<16xf32>,
        %parallel_loop3A_315 = arith.constant 480 : i32
        %parallel_loop3A_316 = vector.broadcast %parallel_loop3A_315 : i32 to vector<16xi32>
        %parallel_loop3A_317 = arith.addi %parallel_loop3A_119, %parallel_loop3A_316 : vector<16xi32>
        %parallel_loop3A_318 = tpu.vector_load_idx %arg7[%parallel_loop3A_317] : memref<16400xf32, #tpu.memory_space<vmem>>[vector<16xi32>], vector<16xf32>,
        %parallel_loop3A_319 = arith.constant 32 : i32
        %parallel_loop3A_320 = arith.muli %parallel_loop3A_90, %parallel_loop3A_319 : i32
        %parallel_loop3A_321 = arith.constant 15 : i32
        %parallel_loop3A_322 = arith.addi %parallel_loop3A_320, %parallel_loop3A_321 : i32
        %parallel_loop3A_323 = arith.constant 16 : i32
        %parallel_loop3A_324 = arith.muli %parallel_loop3A_106, %parallel_loop3A_323 : i32
        %parallel_loop3A_325 = arith.index_cast %parallel_loop3A_322 : i32 to index
        %parallel_loop3A_326 = arith.index_cast %parallel_loop3A_324 : i32 to index
        %parallel_loop3A_327 = tpu.vector_load %arg9[%parallel_loop3A_325, %parallel_loop3A_326] {strides = array<i32>} : memref<64x128xf32, #tpu.memory_space<vmem>>, vector<16xf32>,
        tpu.vector_store %arg9[%parallel_loop3A_325, %parallel_loop3A_326], %parallel_loop3A_318 {strides = array<i32>} : memref<64x128xf32, #tpu.memory_space<vmem>>, vector<16xf32>,
        %parallel_loop3A_328 = arith.constant 512 : i32
        %parallel_loop3A_329 = vector.broadcast %parallel_loop3A_328 : i32 to vector<16xi32>
        %parallel_loop3A_330 = arith.addi %parallel_loop3A_119, %parallel_loop3A_329 : vector<16xi32>
        %parallel_loop3A_331 = tpu.vector_load_idx %arg7[%parallel_loop3A_330] : memref<16400xf32, #tpu.memory_space<vmem>>[vector<16xi32>], vector<16xf32>,
        %parallel_loop3A_332 = arith.constant 32 : i32
        %parallel_loop3A_333 = arith.muli %parallel_loop3A_90, %parallel_loop3A_332 : i32
        %parallel_loop3A_334 = arith.constant 16 : i32
        %parallel_loop3A_335 = arith.addi %parallel_loop3A_333, %parallel_loop3A_334 : i32
        %parallel_loop3A_336 = arith.constant 16 : i32
        %parallel_loop3A_337 = arith.muli %parallel_loop3A_106, %parallel_loop3A_336 : i32
        %parallel_loop3A_338 = arith.index_cast %parallel_loop3A_335 : i32 to index
        %parallel_loop3A_339 = arith.index_cast %parallel_loop3A_337 : i32 to index
        %parallel_loop3A_340 = tpu.vector_load %arg9[%parallel_loop3A_338, %parallel_loop3A_339] {strides = array<i32>} : memref<64x128xf32, #tpu.memory_space<vmem>>, vector<16xf32>,
        tpu.vector_store %arg9[%parallel_loop3A_338, %parallel_loop3A_339], %parallel_loop3A_331 {strides = array<i32>} : memref<64x128xf32, #tpu.memory_space<vmem>>, vector<16xf32>,
        %parallel_loop3A_341 = arith.constant 544 : i32
        %parallel_loop3A_342 = vector.broadcast %parallel_loop3A_341 : i32 to vector<16xi32>
        %parallel_loop3A_343 = arith.addi %parallel_loop3A_119, %parallel_loop3A_342 : vector<16xi32>
        %parallel_loop3A_344 = tpu.vector_load_idx %arg7[%parallel_loop3A_343] : memref<16400xf32, #tpu.memory_space<vmem>>[vector<16xi32>], vector<16xf32>,
        %parallel_loop3A_345 = arith.constant 32 : i32
        %parallel_loop3A_346 = arith.muli %parallel_loop3A_90, %parallel_loop3A_345 : i32
        %parallel_loop3A_347 = arith.constant 17 : i32
        %parallel_loop3A_348 = arith.addi %parallel_loop3A_346, %parallel_loop3A_347 : i32
        %parallel_loop3A_349 = arith.constant 16 : i32
        %parallel_loop3A_350 = arith.muli %parallel_loop3A_106, %parallel_loop3A_349 : i32
        %parallel_loop3A_351 = arith.index_cast %parallel_loop3A_348 : i32 to index
        %parallel_loop3A_352 = arith.index_cast %parallel_loop3A_350 : i32 to index
        %parallel_loop3A_353 = tpu.vector_load %arg9[%parallel_loop3A_351, %parallel_loop3A_352] {strides = array<i32>} : memref<64x128xf32, #tpu.memory_space<vmem>>, vector<16xf32>,
        tpu.vector_store %arg9[%parallel_loop3A_351, %parallel_loop3A_352], %parallel_loop3A_344 {strides = array<i32>} : memref<64x128xf32, #tpu.memory_space<vmem>>, vector<16xf32>,
        %parallel_loop3A_354 = arith.constant 576 : i32
        %parallel_loop3A_355 = vector.broadcast %parallel_loop3A_354 : i32 to vector<16xi32>
        %parallel_loop3A_356 = arith.addi %parallel_loop3A_119, %parallel_loop3A_355 : vector<16xi32>
        %parallel_loop3A_357 = tpu.vector_load_idx %arg7[%parallel_loop3A_356] : memref<16400xf32, #tpu.memory_space<vmem>>[vector<16xi32>], vector<16xf32>,
        %parallel_loop3A_358 = arith.constant 32 : i32
        %parallel_loop3A_359 = arith.muli %parallel_loop3A_90, %parallel_loop3A_358 : i32
        %parallel_loop3A_360 = arith.constant 18 : i32
        %parallel_loop3A_361 = arith.addi %parallel_loop3A_359, %parallel_loop3A_360 : i32
        %parallel_loop3A_362 = arith.constant 16 : i32
        %parallel_loop3A_363 = arith.muli %parallel_loop3A_106, %parallel_loop3A_362 : i32
        %parallel_loop3A_364 = arith.index_cast %parallel_loop3A_361 : i32 to index
        %parallel_loop3A_365 = arith.index_cast %parallel_loop3A_363 : i32 to index
        %parallel_loop3A_366 = tpu.vector_load %arg9[%parallel_loop3A_364, %parallel_loop3A_365] {strides = array<i32>} : memref<64x128xf32, #tpu.memory_space<vmem>>, vector<16xf32>,
        tpu.vector_store %arg9[%parallel_loop3A_364, %parallel_loop3A_365], %parallel_loop3A_357 {strides = array<i32>} : memref<64x128xf32, #tpu.memory_space<vmem>>, vector<16xf32>,
        %parallel_loop3A_367 = arith.constant 608 : i32
        %parallel_loop3A_368 = vector.broadcast %parallel_loop3A_367 : i32 to vector<16xi32>
        %parallel_loop3A_369 = arith.addi %parallel_loop3A_119, %parallel_loop3A_368 : vector<16xi32>
        %parallel_loop3A_370 = tpu.vector_load_idx %arg7[%parallel_loop3A_369] : memref<16400xf32, #tpu.memory_space<vmem>>[vector<16xi32>], vector<16xf32>,
        %parallel_loop3A_371 = arith.constant 32 : i32
        %parallel_loop3A_372 = arith.muli %parallel_loop3A_90, %parallel_loop3A_371 : i32
        %parallel_loop3A_373 = arith.constant 19 : i32
        %parallel_loop3A_374 = arith.addi %parallel_loop3A_372, %parallel_loop3A_373 : i32
        %parallel_loop3A_375 = arith.constant 16 : i32
        %parallel_loop3A_376 = arith.muli %parallel_loop3A_106, %parallel_loop3A_375 : i32
        %parallel_loop3A_377 = arith.index_cast %parallel_loop3A_374 : i32 to index
        %parallel_loop3A_378 = arith.index_cast %parallel_loop3A_376 : i32 to index
        %parallel_loop3A_379 = tpu.vector_load %arg9[%parallel_loop3A_377, %parallel_loop3A_378] {strides = array<i32>} : memref<64x128xf32, #tpu.memory_space<vmem>>, vector<16xf32>,
        tpu.vector_store %arg9[%parallel_loop3A_377, %parallel_loop3A_378], %parallel_loop3A_370 {strides = array<i32>} : memref<64x128xf32, #tpu.memory_space<vmem>>, vector<16xf32>,
        %parallel_loop3A_380 = arith.constant 640 : i32
        %parallel_loop3A_381 = vector.broadcast %parallel_loop3A_380 : i32 to vector<16xi32>
        %parallel_loop3A_382 = arith.addi %parallel_loop3A_119, %parallel_loop3A_381 : vector<16xi32>
        %parallel_loop3A_383 = tpu.vector_load_idx %arg7[%parallel_loop3A_382] : memref<16400xf32, #tpu.memory_space<vmem>>[vector<16xi32>], vector<16xf32>,
        %parallel_loop3A_384 = arith.constant 32 : i32
        %parallel_loop3A_385 = arith.muli %parallel_loop3A_90, %parallel_loop3A_384 : i32
        %parallel_loop3A_386 = arith.constant 20 : i32
        %parallel_loop3A_387 = arith.addi %parallel_loop3A_385, %parallel_loop3A_386 : i32
        %parallel_loop3A_388 = arith.constant 16 : i32
        %parallel_loop3A_389 = arith.muli %parallel_loop3A_106, %parallel_loop3A_388 : i32
        %parallel_loop3A_390 = arith.index_cast %parallel_loop3A_387 : i32 to index
        %parallel_loop3A_391 = arith.index_cast %parallel_loop3A_389 : i32 to index
        %parallel_loop3A_392 = tpu.vector_load %arg9[%parallel_loop3A_390, %parallel_loop3A_391] {strides = array<i32>} : memref<64x128xf32, #tpu.memory_space<vmem>>, vector<16xf32>,
        tpu.vector_store %arg9[%parallel_loop3A_390, %parallel_loop3A_391], %parallel_loop3A_383 {strides = array<i32>} : memref<64x128xf32, #tpu.memory_space<vmem>>, vector<16xf32>,
        %parallel_loop3A_393 = arith.constant 672 : i32
        %parallel_loop3A_394 = vector.broadcast %parallel_loop3A_393 : i32 to vector<16xi32>
        %parallel_loop3A_395 = arith.addi %parallel_loop3A_119, %parallel_loop3A_394 : vector<16xi32>
        %parallel_loop3A_396 = tpu.vector_load_idx %arg7[%parallel_loop3A_395] : memref<16400xf32, #tpu.memory_space<vmem>>[vector<16xi32>], vector<16xf32>,
        %parallel_loop3A_397 = arith.constant 32 : i32
        %parallel_loop3A_398 = arith.muli %parallel_loop3A_90, %parallel_loop3A_397 : i32
        %parallel_loop3A_399 = arith.constant 21 : i32
        %parallel_loop3A_400 = arith.addi %parallel_loop3A_398, %parallel_loop3A_399 : i32
        %parallel_loop3A_401 = arith.constant 16 : i32
        %parallel_loop3A_402 = arith.muli %parallel_loop3A_106, %parallel_loop3A_401 : i32
        %parallel_loop3A_403 = arith.index_cast %parallel_loop3A_400 : i32 to index
        %parallel_loop3A_404 = arith.index_cast %parallel_loop3A_402 : i32 to index
        %parallel_loop3A_405 = tpu.vector_load %arg9[%parallel_loop3A_403, %parallel_loop3A_404] {strides = array<i32>} : memref<64x128xf32, #tpu.memory_space<vmem>>, vector<16xf32>,
        tpu.vector_store %arg9[%parallel_loop3A_403, %parallel_loop3A_404], %parallel_loop3A_396 {strides = array<i32>} : memref<64x128xf32, #tpu.memory_space<vmem>>, vector<16xf32>,
        %parallel_loop3A_406 = arith.constant 704 : i32
        %parallel_loop3A_407 = vector.broadcast %parallel_loop3A_406 : i32 to vector<16xi32>
        %parallel_loop3A_408 = arith.addi %parallel_loop3A_119, %parallel_loop3A_407 : vector<16xi32>
        %parallel_loop3A_409 = tpu.vector_load_idx %arg7[%parallel_loop3A_408] : memref<16400xf32, #tpu.memory_space<vmem>>[vector<16xi32>], vector<16xf32>,
        %parallel_loop3A_410 = arith.constant 32 : i32
        %parallel_loop3A_411 = arith.muli %parallel_loop3A_90, %parallel_loop3A_410 : i32
        %parallel_loop3A_412 = arith.constant 22 : i32
        %parallel_loop3A_413 = arith.addi %parallel_loop3A_411, %parallel_loop3A_412 : i32
        %parallel_loop3A_414 = arith.constant 16 : i32
        %parallel_loop3A_415 = arith.muli %parallel_loop3A_106, %parallel_loop3A_414 : i32
        %parallel_loop3A_416 = arith.index_cast %parallel_loop3A_413 : i32 to index
        %parallel_loop3A_417 = arith.index_cast %parallel_loop3A_415 : i32 to index
        %parallel_loop3A_418 = tpu.vector_load %arg9[%parallel_loop3A_416, %parallel_loop3A_417] {strides = array<i32>} : memref<64x128xf32, #tpu.memory_space<vmem>>, vector<16xf32>,
        tpu.vector_store %arg9[%parallel_loop3A_416, %parallel_loop3A_417], %parallel_loop3A_409 {strides = array<i32>} : memref<64x128xf32, #tpu.memory_space<vmem>>, vector<16xf32>,
        %parallel_loop3A_419 = arith.constant 736 : i32
        %parallel_loop3A_420 = vector.broadcast %parallel_loop3A_419 : i32 to vector<16xi32>
        %parallel_loop3A_421 = arith.addi %parallel_loop3A_119, %parallel_loop3A_420 : vector<16xi32>
        %parallel_loop3A_422 = tpu.vector_load_idx %arg7[%parallel_loop3A_421] : memref<16400xf32, #tpu.memory_space<vmem>>[vector<16xi32>], vector<16xf32>,
        %parallel_loop3A_423 = arith.constant 32 : i32
        %parallel_loop3A_424 = arith.muli %parallel_loop3A_90, %parallel_loop3A_423 : i32
        %parallel_loop3A_425 = arith.constant 23 : i32
        %parallel_loop3A_426 = arith.addi %parallel_loop3A_424, %parallel_loop3A_425 : i32
        %parallel_loop3A_427 = arith.constant 16 : i32
        %parallel_loop3A_428 = arith.muli %parallel_loop3A_106, %parallel_loop3A_427 : i32
        %parallel_loop3A_429 = arith.index_cast %parallel_loop3A_426 : i32 to index
        %parallel_loop3A_430 = arith.index_cast %parallel_loop3A_428 : i32 to index
        %parallel_loop3A_431 = tpu.vector_load %arg9[%parallel_loop3A_429, %parallel_loop3A_430] {strides = array<i32>} : memref<64x128xf32, #tpu.memory_space<vmem>>, vector<16xf32>,
        tpu.vector_store %arg9[%parallel_loop3A_429, %parallel_loop3A_430], %parallel_loop3A_422 {strides = array<i32>} : memref<64x128xf32, #tpu.memory_space<vmem>>, vector<16xf32>,
        %parallel_loop3A_432 = arith.constant 768 : i32
        %parallel_loop3A_433 = vector.broadcast %parallel_loop3A_432 : i32 to vector<16xi32>
        %parallel_loop3A_434 = arith.addi %parallel_loop3A_119, %parallel_loop3A_433 : vector<16xi32>
        %parallel_loop3A_435 = tpu.vector_load_idx %arg7[%parallel_loop3A_434] : memref<16400xf32, #tpu.memory_space<vmem>>[vector<16xi32>], vector<16xf32>,
        %parallel_loop3A_436 = arith.constant 32 : i32
        %parallel_loop3A_437 = arith.muli %parallel_loop3A_90, %parallel_loop3A_436 : i32
        %parallel_loop3A_438 = arith.constant 24 : i32
        %parallel_loop3A_439 = arith.addi %parallel_loop3A_437, %parallel_loop3A_438 : i32
        %parallel_loop3A_440 = arith.constant 16 : i32
        %parallel_loop3A_441 = arith.muli %parallel_loop3A_106, %parallel_loop3A_440 : i32
        %parallel_loop3A_442 = arith.index_cast %parallel_loop3A_439 : i32 to index
        %parallel_loop3A_443 = arith.index_cast %parallel_loop3A_441 : i32 to index
        %parallel_loop3A_444 = tpu.vector_load %arg9[%parallel_loop3A_442, %parallel_loop3A_443] {strides = array<i32>} : memref<64x128xf32, #tpu.memory_space<vmem>>, vector<16xf32>,
        tpu.vector_store %arg9[%parallel_loop3A_442, %parallel_loop3A_443], %parallel_loop3A_435 {strides = array<i32>} : memref<64x128xf32, #tpu.memory_space<vmem>>, vector<16xf32>,
        %parallel_loop3A_445 = arith.constant 800 : i32
        %parallel_loop3A_446 = vector.broadcast %parallel_loop3A_445 : i32 to vector<16xi32>
        %parallel_loop3A_447 = arith.addi %parallel_loop3A_119, %parallel_loop3A_446 : vector<16xi32>
        %parallel_loop3A_448 = tpu.vector_load_idx %arg7[%parallel_loop3A_447] : memref<16400xf32, #tpu.memory_space<vmem>>[vector<16xi32>], vector<16xf32>,
        %parallel_loop3A_449 = arith.constant 32 : i32
        %parallel_loop3A_450 = arith.muli %parallel_loop3A_90, %parallel_loop3A_449 : i32
        %parallel_loop3A_451 = arith.constant 25 : i32
        %parallel_loop3A_452 = arith.addi %parallel_loop3A_450, %parallel_loop3A_451 : i32
        %parallel_loop3A_453 = arith.constant 16 : i32
        %parallel_loop3A_454 = arith.muli %parallel_loop3A_106, %parallel_loop3A_453 : i32
        %parallel_loop3A_455 = arith.index_cast %parallel_loop3A_452 : i32 to index
        %parallel_loop3A_456 = arith.index_cast %parallel_loop3A_454 : i32 to index
        %parallel_loop3A_457 = tpu.vector_load %arg9[%parallel_loop3A_455, %parallel_loop3A_456] {strides = array<i32>} : memref<64x128xf32, #tpu.memory_space<vmem>>, vector<16xf32>,
        tpu.vector_store %arg9[%parallel_loop3A_455, %parallel_loop3A_456], %parallel_loop3A_448 {strides = array<i32>} : memref<64x128xf32, #tpu.memory_space<vmem>>, vector<16xf32>,
        %parallel_loop3A_458 = arith.constant 832 : i32
        %parallel_loop3A_459 = vector.broadcast %parallel_loop3A_458 : i32 to vector<16xi32>
        %parallel_loop3A_460 = arith.addi %parallel_loop3A_119, %parallel_loop3A_459 : vector<16xi32>
        %parallel_loop3A_461 = tpu.vector_load_idx %arg7[%parallel_loop3A_460] : memref<16400xf32, #tpu.memory_space<vmem>>[vector<16xi32>], vector<16xf32>,
        %parallel_loop3A_462 = arith.constant 32 : i32
        %parallel_loop3A_463 = arith.muli %parallel_loop3A_90, %parallel_loop3A_462 : i32
        %parallel_loop3A_464 = arith.constant 26 : i32
        %parallel_loop3A_465 = arith.addi %parallel_loop3A_463, %parallel_loop3A_464 : i32
        %parallel_loop3A_466 = arith.constant 16 : i32
        %parallel_loop3A_467 = arith.muli %parallel_loop3A_106, %parallel_loop3A_466 : i32
        %parallel_loop3A_468 = arith.index_cast %parallel_loop3A_465 : i32 to index
        %parallel_loop3A_469 = arith.index_cast %parallel_loop3A_467 : i32 to index
        %parallel_loop3A_470 = tpu.vector_load %arg9[%parallel_loop3A_468, %parallel_loop3A_469] {strides = array<i32>} : memref<64x128xf32, #tpu.memory_space<vmem>>, vector<16xf32>,
        tpu.vector_store %arg9[%parallel_loop3A_468, %parallel_loop3A_469], %parallel_loop3A_461 {strides = array<i32>} : memref<64x128xf32, #tpu.memory_space<vmem>>, vector<16xf32>,
        %parallel_loop3A_471 = arith.constant 864 : i32
        %parallel_loop3A_472 = vector.broadcast %parallel_loop3A_471 : i32 to vector<16xi32>
        %parallel_loop3A_473 = arith.addi %parallel_loop3A_119, %parallel_loop3A_472 : vector<16xi32>
        %parallel_loop3A_474 = tpu.vector_load_idx %arg7[%parallel_loop3A_473] : memref<16400xf32, #tpu.memory_space<vmem>>[vector<16xi32>], vector<16xf32>,
        %parallel_loop3A_475 = arith.constant 32 : i32
        %parallel_loop3A_476 = arith.muli %parallel_loop3A_90, %parallel_loop3A_475 : i32
        %parallel_loop3A_477 = arith.constant 27 : i32
        %parallel_loop3A_478 = arith.addi %parallel_loop3A_476, %parallel_loop3A_477 : i32
        %parallel_loop3A_479 = arith.constant 16 : i32
        %parallel_loop3A_480 = arith.muli %parallel_loop3A_106, %parallel_loop3A_479 : i32
        %parallel_loop3A_481 = arith.index_cast %parallel_loop3A_478 : i32 to index
        %parallel_loop3A_482 = arith.index_cast %parallel_loop3A_480 : i32 to index
        %parallel_loop3A_483 = tpu.vector_load %arg9[%parallel_loop3A_481, %parallel_loop3A_482] {strides = array<i32>} : memref<64x128xf32, #tpu.memory_space<vmem>>, vector<16xf32>,
        tpu.vector_store %arg9[%parallel_loop3A_481, %parallel_loop3A_482], %parallel_loop3A_474 {strides = array<i32>} : memref<64x128xf32, #tpu.memory_space<vmem>>, vector<16xf32>,
        %parallel_loop3A_484 = arith.constant 896 : i32
        %parallel_loop3A_485 = vector.broadcast %parallel_loop3A_484 : i32 to vector<16xi32>
        %parallel_loop3A_486 = arith.addi %parallel_loop3A_119, %parallel_loop3A_485 : vector<16xi32>
        %parallel_loop3A_487 = tpu.vector_load_idx %arg7[%parallel_loop3A_486] : memref<16400xf32, #tpu.memory_space<vmem>>[vector<16xi32>], vector<16xf32>,
        %parallel_loop3A_488 = arith.constant 32 : i32
        %parallel_loop3A_489 = arith.muli %parallel_loop3A_90, %parallel_loop3A_488 : i32
        %parallel_loop3A_490 = arith.constant 28 : i32
        %parallel_loop3A_491 = arith.addi %parallel_loop3A_489, %parallel_loop3A_490 : i32
        %parallel_loop3A_492 = arith.constant 16 : i32
        %parallel_loop3A_493 = arith.muli %parallel_loop3A_106, %parallel_loop3A_492 : i32
        %parallel_loop3A_494 = arith.index_cast %parallel_loop3A_491 : i32 to index
        %parallel_loop3A_495 = arith.index_cast %parallel_loop3A_493 : i32 to index
        %parallel_loop3A_496 = tpu.vector_load %arg9[%parallel_loop3A_494, %parallel_loop3A_495] {strides = array<i32>} : memref<64x128xf32, #tpu.memory_space<vmem>>, vector<16xf32>,
        tpu.vector_store %arg9[%parallel_loop3A_494, %parallel_loop3A_495], %parallel_loop3A_487 {strides = array<i32>} : memref<64x128xf32, #tpu.memory_space<vmem>>, vector<16xf32>,
        %parallel_loop3A_497 = arith.constant 928 : i32
        %parallel_loop3A_498 = vector.broadcast %parallel_loop3A_497 : i32 to vector<16xi32>
        %parallel_loop3A_499 = arith.addi %parallel_loop3A_119, %parallel_loop3A_498 : vector<16xi32>
        %parallel_loop3A_500 = tpu.vector_load_idx %arg7[%parallel_loop3A_499] : memref<16400xf32, #tpu.memory_space<vmem>>[vector<16xi32>], vector<16xf32>,
        %parallel_loop3A_501 = arith.constant 32 : i32
        %parallel_loop3A_502 = arith.muli %parallel_loop3A_90, %parallel_loop3A_501 : i32
        %parallel_loop3A_503 = arith.constant 29 : i32
        %parallel_loop3A_504 = arith.addi %parallel_loop3A_502, %parallel_loop3A_503 : i32
        %parallel_loop3A_505 = arith.constant 16 : i32
        %parallel_loop3A_506 = arith.muli %parallel_loop3A_106, %parallel_loop3A_505 : i32
        %parallel_loop3A_507 = arith.index_cast %parallel_loop3A_504 : i32 to index
        %parallel_loop3A_508 = arith.index_cast %parallel_loop3A_506 : i32 to index
        %parallel_loop3A_509 = tpu.vector_load %arg9[%parallel_loop3A_507, %parallel_loop3A_508] {strides = array<i32>} : memref<64x128xf32, #tpu.memory_space<vmem>>, vector<16xf32>,
        tpu.vector_store %arg9[%parallel_loop3A_507, %parallel_loop3A_508], %parallel_loop3A_500 {strides = array<i32>} : memref<64x128xf32, #tpu.memory_space<vmem>>, vector<16xf32>,
        %parallel_loop3A_510 = arith.constant 960 : i32
        %parallel_loop3A_511 = vector.broadcast %parallel_loop3A_510 : i32 to vector<16xi32>
        %parallel_loop3A_512 = arith.addi %parallel_loop3A_119, %parallel_loop3A_511 : vector<16xi32>
        %parallel_loop3A_513 = tpu.vector_load_idx %arg7[%parallel_loop3A_512] : memref<16400xf32, #tpu.memory_space<vmem>>[vector<16xi32>], vector<16xf32>,
        %parallel_loop3A_514 = arith.constant 32 : i32
        %parallel_loop3A_515 = arith.muli %parallel_loop3A_90, %parallel_loop3A_514 : i32
        %parallel_loop3A_516 = arith.constant 30 : i32
        %parallel_loop3A_517 = arith.addi %parallel_loop3A_515, %parallel_loop3A_516 : i32
        %parallel_loop3A_518 = arith.constant 16 : i32
        %parallel_loop3A_519 = arith.muli %parallel_loop3A_106, %parallel_loop3A_518 : i32
        %parallel_loop3A_520 = arith.index_cast %parallel_loop3A_517 : i32 to index
        %parallel_loop3A_521 = arith.index_cast %parallel_loop3A_519 : i32 to index
        %parallel_loop3A_522 = tpu.vector_load %arg9[%parallel_loop3A_520, %parallel_loop3A_521] {strides = array<i32>} : memref<64x128xf32, #tpu.memory_space<vmem>>, vector<16xf32>,
        tpu.vector_store %arg9[%parallel_loop3A_520, %parallel_loop3A_521], %parallel_loop3A_513 {strides = array<i32>} : memref<64x128xf32, #tpu.memory_space<vmem>>, vector<16xf32>,
        %parallel_loop3A_523 = arith.constant 992 : i32
        %parallel_loop3A_524 = vector.broadcast %parallel_loop3A_523 : i32 to vector<16xi32>
        %parallel_loop3A_525 = arith.addi %parallel_loop3A_119, %parallel_loop3A_524 : vector<16xi32>
        %parallel_loop3A_526 = tpu.vector_load_idx %arg7[%parallel_loop3A_525] : memref<16400xf32, #tpu.memory_space<vmem>>[vector<16xi32>], vector<16xf32>,
        %parallel_loop3A_527 = arith.constant 32 : i32
        %parallel_loop3A_528 = arith.muli %parallel_loop3A_90, %parallel_loop3A_527 : i32
        %parallel_loop3A_529 = arith.constant 31 : i32
        %parallel_loop3A_530 = arith.addi %parallel_loop3A_528, %parallel_loop3A_529 : i32
        %parallel_loop3A_531 = arith.constant 16 : i32
        %parallel_loop3A_532 = arith.muli %parallel_loop3A_106, %parallel_loop3A_531 : i32
        %parallel_loop3A_533 = arith.index_cast %parallel_loop3A_530 : i32 to index
        %parallel_loop3A_534 = arith.index_cast %parallel_loop3A_532 : i32 to index
        %parallel_loop3A_535 = tpu.vector_load %arg9[%parallel_loop3A_533, %parallel_loop3A_534] {strides = array<i32>} : memref<64x128xf32, #tpu.memory_space<vmem>>, vector<16xf32>,
        tpu.vector_store %arg9[%parallel_loop3A_533, %parallel_loop3A_534], %parallel_loop3A_526 {strides = array<i32>} : memref<64x128xf32, #tpu.memory_space<vmem>>, vector<16xf32>,
      } {sc.loop_unroll_factor = 2 : i64, sc.parallel_access}
      %mul3A_62 = arith.constant 32 : i32
      %mul3A_63 = arith.muli %mul3A_53, %mul3A_62 : i32
      %dma_start3A_64 = tpu.memref_slice %arg4[%mul3A_63, %mul3A_2] : memref<6400x4096xf32, #tpu.memory_space<hbm>> -> memref<64x128xf32, #tpu.memory_space<hbm>>
      %dma_start3A_65 = tpu.memref_slice %arg4[%mul3A_63, %mul3A_2] : memref<6400x4096xf32, #tpu.memory_space<hbm>> -> memref<64x128xf32, #tpu.memory_space<hbm>>
      tpu.enqueue_dma source(%arg9 : memref<64x128xf32, #tpu.memory_space<vmem>>) target(%dma_start3A_65 : memref<64x128xf32, #tpu.memory_space<hbm>>) target_semaphore(%arg11 : memref<!tpu.dma_semaphore, #tpu.memory_space<semaphore_mem>>)
    }
    %scan3A_24 = arith.constant 50 : i32
    %dma_wait3A_25 = arith.constant 0 : i32
    %dma_wait3A_26 = tpu.memref_slice %arg4[%dma_wait3A_25, %mul3A_2] : memref<6400x4096xf32, #tpu.memory_space<hbm>> -> memref<64x128xf32, #tpu.memory_space<hbm>>
    %dma_wait3A_27 = arith.constant 0 : i32
    %dma_wait3A_28 = tpu.memref_slice %arg4[%dma_wait3A_27, %mul3A_2] : memref<6400x4096xf32, #tpu.memory_space<hbm>> -> memref<64x128xf32, #tpu.memory_space<hbm>>
    tpu.wait_dma2 semaphore(%arg10 : memref<!tpu.dma_semaphore, #tpu.memory_space<semaphore_mem>>) src(%arg8 : memref<64x128xf32, #tpu.memory_space<vmem>>) dst(%dma_wait3A_28 : memref<64x128xf32, #tpu.memory_space<hbm>>)
    %dma_wait3A_29 = arith.constant 0 : i32
    %dma_wait3A_30 = tpu.memref_slice %arg4[%dma_wait3A_29, %mul3A_2] : memref<6400x4096xf32, #tpu.memory_space<hbm>> -> memref<64x128xf32, #tpu.memory_space<hbm>>
    %dma_wait3A_31 = arith.constant 0 : i32
    %dma_wait3A_32 = tpu.memref_slice %arg4[%dma_wait3A_31, %mul3A_2] : memref<6400x4096xf32, #tpu.memory_space<hbm>> -> memref<64x128xf32, #tpu.memory_space<hbm>>
    tpu.wait_dma2 semaphore(%arg11 : memref<!tpu.dma_semaphore, #tpu.memory_space<semaphore_mem>>) src(%arg9 : memref<64x128xf32, #tpu.memory_space<vmem>>) dst(%dma_wait3A_32 : memref<64x128xf32, #tpu.memory_space<hbm>>)
    return
  }
}

</mosaic_0001>

<sc_bundles>
// kernel: kernel.3.cloned.1.call-start
scs
__scs_entry_jumppad:
0x0: {  	(pc) =	sbr.rel $0x88, $3  }
0x1: {  	(tag) =	ssettag $0x0;
	lr =	simm.s32 $0x1  }
0x2: {  	[smem:$0x3F9F] =	sst lr;
	_ =	strace $0xD0000000  }
0x3: {  	_ = 	snop  }
0x4: {  	_ = 	snop  }
0x5: {  	_ = 	snop  }
0x6: {  	_ = 	snop  }
0x7: {  	_ = 	snop  }
__scs_overlays_trampoline_lowered:
0x8: {  	[smem:$0x3FAE] =	sst s0  }
0x9: {  	[smem:$0x3FAF] =	sst s1  }
0xa: {  	[smem:$0x3FB0] =	sst s2  }
0xb: {  	[smem:$0x3FB1] =	sst s3  }
0xc: {  	[smem:$0x3FB2] =	sst s4  }
0xd: {  	[smem:$0x3FB3] =	sst s5  }
0xe: {  	[smem:$0x3FB4] =	sst s6  }
0xf: {  	[smem:$0x3FB5] =	sst s7  }
0x10: {  	[smem:$0x3FB6] =	sst s8  }
0x11: {  	[smem:$0x3FB7] =	sst s9;
	s0 =	simm.s32 @!p0 $0x0  }
0x12: {  	s1 =	sld [smem:$0x3F9D];
	s0 =	simm.s32 @p0 $0x1  }
0x13: {  	[smem:$0x3FB8] =	sst s0;
	s0 =	simm.s32 @!p1 $0x0  }
0x14: {  	s2 =	sld [smem:$0x3F9C];
	s0 =	simm.s32 @p1 $0x1  }
0x15: {  	[smem:$0x3FB9] =	sst s0;
	s0 =	simm.s32 @!p2 $0x0  }
0x16: {  	s3 =	sld [smem:$0x3FDB];
	s0 =	simm.s32 @p2 $0x1  }
0x17: {  	s4 =	simm.s32 $0x1BF5;
	[smem:$0x3FBB] =	sst s0  }
0x18: {  	s0 =	sld [smem:$0x3F9E];
	_ =	swait.ge [sflag:s4], $0x0  }
0x19: {  	s7 =	sld [smem:$0x3F9F]  }
0x1a: {  	s8 =	sadd.s32 $0xFFFFE003, lr  }
0x1b: {  	s9 =	sadd.s32 $0xFFFFFEF7, lr;
	s5 =	simm.s32 $0xFFFFFFFF;
	p2 =	slt.u32 s8, $0xFFFFF086  }
0x1c: {  	p1 =	slt.u32 s9, $0xF7A;
	s5 =	simm.s32 @!p2 $0x0  }
0x1d: {  	s5 =	simm.s32 @p1 $0x1;
	p0 =	seq.s32 s7, s2  }
0x1e: {  	s7 =	smul.u32 @!p0 $0xF7A, s2;
	p2 =	seq.s32 @!p0 s5, $0x0  }
0x1f: {  	s9 =	smul.u32 $0xF7A, s1;
	s8 =	simm.s32 @!p0 $0x1BF5;
	p2 =	por !p2, p0  }
0x20: {  	[sflag:s8] =	ssyncset.s32 @!p0 $0xFFFFF086;
	s6 =	sadd.s32 @!p0 s3, s7;
	s7 =	simm.s32 @!p0 $0x108  }
0x21: {  	s3 =	sadd.s32 s3, s9;
	s6 =	sadd.s32 @!p0 $0x88, s6;
	s7 =	simm.s32 @p2 $0x1082  }
0x22: {  	[simem:s7], [sflag:s8] =	dma.local @!p0 [hbm:s6], $0xF7A  }
0x23: {  	s9 =	sor.u32 $0xD0000000, s2;
	s6 =	simm.s32 $0x108;
	_ =	swait.ge @!p0 [sflag:s8], $0x0  }
0x24: {  	s3 =	sadd.s32 $0x88, s3;
	s6 =	simm.s32 @!p1 $0x1082;
	[sflag:s4] =	ssyncset.s32 $0xFFFFF086  }
0x25: {  	[simem:s6], [sflag:s4] =	dma.local [hbm:s3], $0xF7A  }
0x26: {  	[smem:$0x3F9F] =	sst s1;
	(tag) =	ssettag s2;
	_ =	strace s9  }
0x27: {  	s1 =	sld [smem:$0x3FAF]  }
0x28: {  	s2 =	sld [smem:$0x3FB0]  }
0x29: {  	s4 =	sld [smem:$0x3FB2]  }
0x2a: {  	p0 =	seq.s32 s5, $0x0;
	s5 =	sld [smem:$0x3FB3]  }
0x2b: {  	s6 =	sld [smem:$0x3FB4]  }
0x2c: {  	s7 =	sld [smem:$0x3FB5]  }
0x2d: {  	s3 =	simm.s32 $0x108;
	s8 =	sld [smem:$0x3FB6]  }
0x2e: {  	s3 =	simm.s32 @!p0 $0x1082;
	s9 =	sld [smem:$0x3FB7]  }
0x2f: {  	lr =	sadd.s32 s0, s3;
	s0 =	sld [smem:$0x3FAE]  }
0x30: {  	s3 =	sld [smem:$0x3FB1]  }
0x31: {  	[smem:$0x3FBA] =	sst s10  }
0x32: {  	s10 =	sld [smem:$0x3FB8];
	_ =	sdelay $0x3  }
0x33: {  	p0 =	seq.s32 s10, $0x1;
	s10 =	sld [smem:$0x3FBA];
	_ =	sdelay $0x3  }
0x34: {  	[smem:$0x3FBA] =	sst s10  }
0x35: {  	s10 =	sld [smem:$0x3FB9];
	_ =	sdelay $0x3  }
0x36: {  	p1 =	seq.s32 s10, $0x1;
	s10 =	sld [smem:$0x3FBA];
	_ =	sdelay $0x3  }
0x37: {  	[smem:$0x3FBA] =	sst s10  }
0x38: {  	s10 =	sld [smem:$0x3FBB]  }
0x39: {  	_ = 	snop;
	(pc) =	sbr.ind lr, $3  }
0x3a: {  	_ = 	snop  }
0x3b: {  	_ = 	snop  }
0x3c: {  	p2 =	seq.s32 s10, $0x1;
	s10 =	sld [smem:$0x3FBA]  }
0x3d: {  	_ =	shalt  }
0x3e: {  	_ =	shalt  }
0x3f: {  	_ =	shalt  }
0x40: {  	_ =	shalt  }
0x41: {  	_ =	shalt  }
0x42: {  	_ =	shalt  }
0x43: {  	_ =	shalt  }
0x44: {  	_ =	shalt  }
0x45: {  	_ =	shalt  }
0x46: {  	_ =	shalt  }
0x47: {  	_ =	shalt  }
0x48: {  	_ =	shalt  }
0x49: {  	_ =	shalt  }
0x4a: {  	_ =	shalt  }
0x4b: {  	_ =	shalt  }
0x4c: {  	_ =	shalt  }
0x4d: {  	_ =	shalt  }
0x4e: {  	_ =	shalt  }
0x4f: {  	_ =	shalt  }
0x50: {  	_ =	shalt  }
0x51: {  	_ =	shalt  }
0x52: {  	_ =	shalt  }
0x53: {  	_ =	shalt  }
0x54: {  	_ =	shalt  }
0x55: {  	_ =	shalt  }
0x56: {  	_ =	shalt  }
0x57: {  	_ =	shalt  }
0x58: {  	_ =	shalt  }
0x59: {  	_ =	shalt  }
0x5a: {  	_ =	shalt  }
0x5b: {  	_ =	shalt  }
0x5c: {  	_ =	shalt  }
0x5d: {  	_ =	shalt  }
0x5e: {  	_ =	shalt  }
0x5f: {  	_ =	shalt  }
0x60: {  	_ =	shalt  }
0x61: {  	_ =	shalt  }
0x62: {  	_ =	shalt  }
0x63: {  	_ =	shalt  }
0x64: {  	_ =	shalt  }
0x65: {  	_ =	shalt  }
0x66: {  	_ =	shalt  }
0x67: {  	_ =	shalt  }
0x68: {  	_ =	shalt  }
0x69: {  	_ =	shalt  }
0x6a: {  	_ =	shalt  }
0x6b: {  	_ =	shalt  }
0x6c: {  	_ =	shalt  }
0x6d: {  	_ =	shalt  }
0x6e: {  	_ =	shalt  }
0x6f: {  	_ =	shalt  }
0x70: {  	_ =	shalt  }
0x71: {  	_ =	shalt  }
0x72: {  	_ =	shalt  }
0x73: {  	_ =	shalt  }
0x74: {  	_ =	shalt  }
0x75: {  	_ =	shalt  }
0x76: {  	_ =	shalt  }
0x77: {  	_ =	shalt  }
0x78: {  	_ =	shalt  }
0x79: {  	_ =	shalt  }
0x7a: {  	_ =	shalt  }
0x7b: {  	_ =	shalt  }
0x7c: {  	_ =	shalt  }
0x7d: {  	_ =	shalt  }
0x7e: {  	_ =	shalt  }
0x7f: {  	_ =	shalt  }
0x80: {  	_ =	shalt  }
0x81: {  	_ =	shalt  }
0x82: {  	_ =	shalt  }
0x83: {  	_ =	shalt  }
0x84: {  	_ =	shalt  }
0x85: {  	_ =	shalt  }
0x86: {  	_ =	shalt  }
0x87: {  	_ =	shalt  }
.Lfunc_end0:
.L_simem_size_0:
called_computation_lowered:
.L_overlay_start_0:
0x88: {  	s2 =	sld [smem:$0x3FD9]  }
0x89: {  	s3 =	sld [smem:$0x3FFE];
	_ =	sdelay $0x1  }
0x8a: {  	s1 =	srdreg.scid  }
0x8b: {  	s0 =	sand.u32 $0x1, s1  }
0x8c: {  	s17 =	sshll.u32 s0, $0xA;
	s2 =	sadd.s32 s3, s2  }
0x8d: {  	s2 =	sadd.s32 s2, s17  }
0x8e: {  	[smem:$0x3FC6] =	sst s2  }
0x8f: {  	_ = 	snop  }
0x90: {  	s2 =	sld [smem:$0x3FC9]  }
0x91: {  	s18 =	sld [smem:$0x3FD0];
	(tm) =	ssettm $0x1  }
0x92: {  	s4 =	sld [smem:$0x3FFB];
	_ =	sdelay $0x3  }
0x93: {  	_ =	strace s4  }
0x94: {  	s4 =	sld [smem:$0x3FFC];
	_ =	sdelay $0x3  }
0x95: {  	_ =	strace s4  }
0x96: {  	s4 =	sld [smem:$0x3FFD];
	_ =	sdelay $0x3  }
0x97: {  	_ =	strace s4  }
0x98: {  	_ =	strace $0x8FFFFFFF  }
0x99: {  	s19 =	sld [smem:$0x3FDB];
	_ =	sdelay $0x1  }
0x9a: {  	s5 =	simm.s32 $_scs_section_size  }
0x9b: {  	s6 =	simm.s32 $_size__tile_overlayer_lowered;
	s7 =	simm.s32 $_tile_overlayer_lowered  }
0x9c: {  	s22 =	simm.s32 $0x1BFF;
	s21 =	sshll.u32 s7, $0x1;
	s4 =	sadd.s32 s5, s19  }
0x9d: {  	s8 =	simm.s32 $0x0;
	s20 =	sshll.u32 s6, $0x1;
	s6 =	sadd.s32 s21, s4  }
0x9e: {  	[timem:s8], [sflag:s22] =	dma.local [hbm:s6], s20  }
0x9f: {  	_ =	swait.ge [sflag:s22], s20  }
0xa0: {  	s5 =	ssub.s32 $0x0, s20;
	[sflag:s22] =	ssyncset.done $0x0  }
0xa1: {  	[sflag:s22] =	ssyncadd.s32 s5;
	_ =	sdelay $0x1  }
0xa2: {  	s23 =	simm.s32 $0x1B8B  }
0xa3: {  	_ =	swait.ge [sflag:s23], $0x1  }
0xa4: {  	[sflag:s23] =	ssyncset.done $0x0  }
0xa5: {  	s25 =	simm.s32 $0x1B8E;
	s24 =	sld [smem:$0x3FFE];
	[sflag:s23] =	ssyncadd.s32 $0xFFFFFFFF  }
0xa6: {  	s26 =	simm.s32 $execute0_lowered;
	[smem:$0x3FD2] =	sst s25  }
0xa7: {  	s6 =	sshll.u32 s26, $0x1;
	_ =	strace $0x80000046;
	[dreg:$0x1] =	wrdreg $0xFFFFFFFF  }
0xa8: {  	s28 =	simm.s32 $_size_execute0_lowered;
	s4 =	sadd.s32 s4, s6;
	[dreg:$0x0] =	wrdreg $0x0  }
0xa9: {  	s6 =	sshll.u32 s28, $0x1;
	[dreg:$0x2] =	wrdreg s4  }
0xaa: {  	[dreg:$0x3] =	wrdreg s6  }
0xab: {  	[dreg:$0x4] =	wrdreg $0xC0  }
0xac: {  	_ =	task [dreg:s8], $0x5FFFF  }
0xad: {  	[dreg:$0x1] =	wrdreg $0xFFFFFFFF  }
0xae: {  	[dreg:$0x0] =	wrdreg $0x60  }
0xaf: {  	[dreg:$0x2] =	wrdreg s2  }
0xb0: {  	[dreg:$0x3] =	wrdreg s24  }
0xb1: {  	[dreg:$0x4] =	wrdreg s18  }
0xb2: {  	[dreg:$0x5] =	wrdreg $0x9  }
0xb3: {  	_ =	task.clear_ibuf [dreg:s8], $0x6FFFF;
	_ =	strace $0x90000046  }
0xb4: {  	s29 =	simm.s32 $0x9;
	_ =	strace $0x80000048  }
0xb5: {  	_ =	swait.ge [sflag:s29], $0x1  }
0xb6: {  	[sflag:s29] =	ssyncadd.s32 $0xFFFFFFFF  }
0xb7: {  	_ =	strace $0x90000048  }
0xb8: {  	_ =	sfence  }
0xb9: {  	s30 =	sld [smem:$0x0];
	_ =	sdelay $0x2  }
0xba: {  	s31 =	sshll.u32 s1, $0xD;
	s1 =	sshrl.u32 s1, $0x2  }
0xbb: {  	s3 =	sand.u32 $0x4000, s31;
	s1 =	sadd.s32 s1, s30  }
0xbc: {  	s0 =	sor.u32 s3, s0;
	s1 =	sshll.u32 s1, $0x11  }
0xbd: {  	s0 =	sor.u32 s1, s0  }
0xbe: {  	s0 =	sadd.s32 $0x8F2B, s0  }
0xbf: {  	[sflag:s0] =	ssyncadd.remote.s32 $0x1  }
0xc0: {  	_ =	sfence.sel $0xFFFF  }
0xc1: {  	[dreg:$0x0] =	wrdreg $0xFFFFFFFF;
	(pc) =	sbr.abs _section_cstart, $3  }
0xc2: {  	[dreg:$0x1] =	wrdreg $0xFFFFFFFF  }
0xc3: {  	_ =	task.clear_ibuf [dreg:s8], $0x2FFFF;
	_ =	strace $0x9FFFFFFF  }
0xc4: {  	(tm) =	ssettm $0x7FFFFFFF  }
0xc5: {  	_ =	shalt  }
tec
execute0_lowered:
.L_overlay_start_1:
0x0: {  	(tag) =	ssettag $0x1  }
0x1: {  	v0 =	vlaneseq.u32  }
0x2: {  	s0 =	rddreg [dreg:$0x0];
	v0 =	vmul.u32 $0x401, v0  }
0x3: {  	s2 =	rddreg [dreg:$0x1]  }
0x4: {  	s1 =	rddreg [dreg:$0x2];
	v1 =	vadd.s32 $0x20, v0  }
0x5: {  	s3 =	srdreg.scid;
	s4 =	stileid.u32;
	s6 =	simm.s32 $0x0;
	v2 =	vadd.s32 $0x40, v0;
	v3 =	vadd.s32 $0x60, v0;
	v4 =	vadd.s32 $0x80, v0  }
0x6: {  	s8 =	simm.s32 $0x400;
	s9 =	simm.s32 $0x8000;
	s11 =	simm.s32 $0x4;
	v5 =	vadd.s32 $0xA0, v0;
	v6 =	vadd.s32 $0xC0, v0;
	v7 =	vadd.s32 $0xE0, v0  }
0x7: {  	s12 =	simm.s32 $0x3;
	s13 =	simm.s32 $0x6800;
	s14 =	simm.s32 $0xA880;
	v8 =	vadd.s32 $0x100, v0;
	v9 =	vadd.s32 $0x120, v0;
	v10 =	vadd.s32 $0x140, v0  }
0x8: {  	s15 =	simm.s32 $0xC880;
	s16 =	simm.s32 $0x1;
	s3 =	sand.u32 $0x1, s3;
	v11 =	vadd.s32 $0x160, v0;
	v12 =	vadd.s32 $0x180, v0;
	v13 =	vadd.s32 $0x1A0, v0  }
0x9: {  	s4 =	sshll.u32 s4, $0xB;
	[smem:$0x7FF] =	sst s6;
	s5 =	sshll.u32 s3, $0xA;
	v14 =	vadd.s32 $0x1C0, v0;
	v15 =	vadd.s32 $0x1E0, v0;
	v16 =	vadd.s32 $0x200, v0  }
0xa: {  	s2 =	sadd.s32 $0x400, s2;
	s3 =	ssub.s32 $0x2, s3;
	s4 =	sor.u32 s5, s4;
	v17 =	vadd.s32 $0x220, v0;
	v18 =	vadd.s32 $0x240, v0;
	v19 =	vadd.s32 $0x260, v0  }
0xb: {  	_ =	strace $0x80000047;
	s28 =	sshrl.u32 s3, $0x1;
	v20 =	vadd.s32 $0x280, v0;
	v21 =	vadd.s32 $0x2A0, v0;
	v22 =	vadd.s32 $0x2C0, v0;
	s29 =	sshrl.u32 s4, $0x3  }
0xc: {  	[dreg:$0x4] =	wrdreg s2;
	v23 =	vadd.s32 $0x2E0, v0;
	v24 =	vadd.s32 $0x300, v0;
	v25 =	vadd.s32 $0x320, v0;
	s30 =	ssub.s32 s3, s28;
	s0 =	sadd.s32 s0, s29  }
0xd: {  	s17 =	simm.s32 $0x2;
	v26 =	vadd.s32 $0x340, v0;
	v27 =	vadd.s32 $0x360, v0;
	v28 =	vadd.s32 $0x380, v0;
	s31 =	smax.u32 s30, $0x1;
	[dreg:$0x5] =	wrdreg s0  }
0xe: {  	s18 =	simm.s32 $0x0;
	s19 =	simm.s32 $0x0;
	v29 =	vadd.s32 $0x3A0, v0;
	v30 =	vadd.s32 $0x3C0, v0;
	v31 =	vadd.s32 $0x3E0, v0;
	[dreg:$0x6] =	wrdreg s31  }
.LBB2_1:
0xf: {  	s0 =	simm.s32 $0x0;
	s2 =	rddreg [dreg:$0x5]  }
0x10: {  	[tilespmem:s0], [sflag:$0x3] =	stream.strided.gather [hbm4b:s2+s8], $0x6400, s9, s8, $0x38;
	[tilespmem:$0xE880] =	vst v63  }
0x11: {  	s31 =	rddreg [dreg:$0x4];
	s3 =	simm.s32 $0x6400  }
0x12: {  	[tilespmem:s3], [sflag:$0x4] =	stream.linear.gather [hbm4b:s31+s0], $0x400, $0x38;
	[tilespmem:$0xE880] =	vst v63  }
0x13: {  	_ =	swait.ge [sflag:s11], $0x400  }
0x14: {  	[sflag:s11] =	ssyncset.done $0x0  }
0x15: {  	s0 =	simm.s32 $0x0;
	[sflag:s11] =	ssyncadd.s32 $0xFFFFFC00  }
0x16: {  	v32 =	vld [tilespmem:s0+$0x6400];
	_ =	sdelay $0x4  }
0x17: {  	[tilespmem:s0+$0xA40F] =	vst v32  }
0x18: {  	[tilespmem:s0+$0x6800] =	vst v32  }
0x19: {  	[tilespmem:s0+$0x6C01] =	vst v32  }
0x1a: {  	[tilespmem:s0+$0x7002] =	vst v32  }
0x1b: {  	[tilespmem:s0+$0x7403] =	vst v32  }
0x1c: {  	[tilespmem:s0+$0x7804] =	vst v32  }
0x1d: {  	[tilespmem:s0+$0x7C05] =	vst v32  }
0x1e: {  	[tilespmem:s0+$0x8006] =	vst v32  }
0x1f: {  	[tilespmem:s0+$0x8407] =	vst v32  }
0x20: {  	[tilespmem:s0+$0x8808] =	vst v32  }
0x21: {  	s2 =	simm.s32 $0x10;
	s3 =	simm.s32 $0x80;
	[tilespmem:s0+$0x8C09] =	vst v32  }
.LBB2_2:
0x22: {  	p0 =	sne.s32 s3, $0xFC0;
	v33 =	vld [tilespmem:s2+$0x6400];
	[tilespmem:s0+$0x900A] =	vst v32  }
0x23: {  	[tilespmem:s0+$0x940B] =	vst v32  }
0x24: {  	[tilespmem:s0+$0x980C] =	vst v32  }
0x25: {  	[tilespmem:s0+$0x9C0D] =	vst v32  }
0x26: {  	[tilespmem:s0+$0xA00E] =	vst v32;
	s0 =	smov.u32 s2  }
0x27: {  	[tilespmem:s0+$0xA40F] =	vst v33;
	v32 =	vmov v33  }
0x28: {  	[tilespmem:s0+$0x6800] =	vst v32  }
0x29: {  	[tilespmem:s0+$0x6C01] =	vst v32  }
0x2a: {  	[tilespmem:s0+$0x7002] =	vst v32  }
0x2b: {  	[tilespmem:s0+$0x7403] =	vst v32  }
0x2c: {  	[tilespmem:s0+$0x7804] =	vst v32  }
.Ltmp0:
0x2d: {  	[tilespmem:s0+$0x7C05] =	vst v32;
	(pc) =	sbr.rel @p0 .LBB2_2-.Ltmp0, $4  }
0x2e: {  	[tilespmem:s0+$0x8006] =	vst v32  }
0x2f: {  	[tilespmem:s0+$0x8407] =	vst v32  }
0x30: {  	[tilespmem:s0+$0x8808] =	vst v32  }
0x31: {  	s2 =	sshra.s32 s3, $0x2;
	s3 =	sadd.s32 $0x40, s3;
	[tilespmem:s0+$0x8C09] =	vst v32  }
0x32: {  	v33 =	vld [tilespmem:s2+$0x6400];
	[tilespmem:s0+$0x900A] =	vst v32  }
0x33: {  	[tilespmem:s0+$0x940B] =	vst v32  }
0x34: {  	[tilespmem:s0+$0x980C] =	vst v32  }
0x35: {  	[tilespmem:s0+$0x9C0D] =	vst v32  }
0x36: {  	[tilespmem:s0+$0xA00E] =	vst v32  }
0x37: {  	[tilespmem:s2+$0xA40F] =	vst v33  }
0x38: {  	[tilespmem:s2+$0x6800] =	vst v33  }
0x39: {  	[tilespmem:s2+$0x6C01] =	vst v33  }
0x3a: {  	[tilespmem:s2+$0x7002] =	vst v33  }
0x3b: {  	[tilespmem:s2+$0x7403] =	vst v33  }
0x3c: {  	[tilespmem:s2+$0x7804] =	vst v33  }
0x3d: {  	[tilespmem:s2+$0x7C05] =	vst v33  }
0x3e: {  	[tilespmem:s2+$0x8006] =	vst v33  }
0x3f: {  	[tilespmem:s2+$0x8407] =	vst v33  }
0x40: {  	[tilespmem:s2+$0x8808] =	vst v33  }
0x41: {  	[tilespmem:s2+$0x8C09] =	vst v33  }
0x42: {  	[tilespmem:s2+$0x900A] =	vst v33  }
0x43: {  	[tilespmem:s2+$0x940B] =	vst v33  }
0x44: {  	[tilespmem:s2+$0x980C] =	vst v33  }
0x45: {  	[tilespmem:s2+$0x9C0D] =	vst v33  }
0x46: {  	[tilespmem:s2+$0xA00E] =	vst v33  }
0x47: {  	_ =	swait.ge [sflag:s12], $0x6400  }
0x48: {  	[sflag:s12] =	ssyncset.done $0x0  }
0x49: {  	s20 =	simm.s32 $0x0;
	[sflag:s12] =	ssyncadd.s32 $0xFFFF9C00  }
.LBB2_4:
0x4a: {  	p0 =	seq.s32 s20, $0x0;
	s2 =	sshll.u32 s20, $0x9  }
0x4b: {  	s3 =	simm.s32 $0x0;
	s0 =	simm.s32 @!p0 $0x1;
	s28 =	sand.u32 $0x3FFFFE00, s2  }
0x4c: {  	s25 =	sand.u32 $0x60, s19;
	s24 =	sand.u32 $0x3FFFFF80, s3;
	_ =	swait.ge @!p0 [sflag:s0], $0x2000  }
0x4d: {  	s5 =	sor.u32 $0x10, s25;
	s2 =	sadd.s32 s24, s28;
	[sflag:s0] =	ssyncset.done @!p0 $0x0  }
0x4e: {  	s26 =	sadd.s32 s5, s2;
	[sflag:s0] =	ssyncadd.s32 @!p0 $0xFFFFE000  }
0x4f: {  	v32 =	vld [tilespmem:s26+$0x0];
	_ =	sdelay $0x2  }
0x50: {  	s6 =	sadd.s32 s25, s2  }
0x51: {  	v61 =	vld [tilespmem:s6+$0x0]  }
0x52: {  	vm0 =	vgt.s32 v32, $0x0  }
0x53: {  	v32 =	vnsel vm0, $0x0, v32  }
0x54: {  	v36 =	vmin.u32 v32, $0x1F  }
0x55: {  	v33 =	vadd.s32 v0, v36  }
0x56: {  	vm9 =	vgt.s32 v61, $0x0  }
0x57: {  	v32 =	vnsel vm9, $0x0, v61  }
0x58: {  	v37 =	vmin.u32 v32, $0x1F  }
0x59: {  	v32 =	vadd.s32 v0, v37  }
0x5a: {  	v33 =	vld.idx.msk [tilespmem:v33+s13+$0x0], $0xffff  }
0x5b: {  	s7 =	simm.s32 $0x0;
	v34 =	vadd.s32 v1, v36  }
0x5c: {  	s0 =	sand.u32 $0x3FFFF000, s7  }
0x5d: {  	s0 =	sadd.s32 $0xA880, s0  }
0x5e: {  	s24 =	sor.u32 s5, s0;
	v32 =	vld.idx.msk [tilespmem:v32+s13+$0x0], $0xffff  }
0x5f: {  	v35 =	vadd.s32 v1, v37;
	[tilespmem:s24+$0x0] =	vst v33  }
0x60: {  	v33 =	vld.idx.msk [tilespmem:v34+s13+$0x0], $0xffff  }
0x61: {  	v62 =	vadd.s32 v2, v36  }
0x62: {  	s23 =	sor.u32 s25, s0  }
0x63: {  	[tilespmem:s23+$0x0] =	vst v32  }
0x64: {  	v38 =	vld.idx.msk [tilespmem:v35+s13+$0x0], $0xffff  }
0x65: {  	v39 =	vadd.s32 v2, v37;
	[tilespmem:s24+$0x80] =	vst v33  }
0x66: {  	v33 =	vld.idx.msk [tilespmem:v62+s13+$0x0], $0xffff  }
0x67: {  	v63 =	vadd.s32 v3, v36;
	_ =	sdelay $0x1  }
0x68: {  	[tilespmem:s23+$0x80] =	vst v38  }
0x69: {  	v34 =	vld.idx.msk [tilespmem:v39+s13+$0x0], $0xffff  }
0x6a: {  	v41 =	vadd.s32 v3, v37;
	[tilespmem:s24+$0x100] =	vst v33  }
0x6b: {  	v32 =	vld.idx.msk [tilespmem:v63+s13+$0x0], $0xffff  }
0x6c: {  	v40 =	vadd.s32 v4, v36;
	_ =	sdelay $0x1  }
0x6d: {  	[tilespmem:s23+$0x100] =	vst v34  }
0x6e: {  	v34 =	vld.idx.msk [tilespmem:v41+s13+$0x0], $0xffff  }
0x6f: {  	v43 =	vadd.s32 v4, v37;
	[tilespmem:s24+$0x180] =	vst v32  }
0x70: {  	v32 =	vld.idx.msk [tilespmem:v40+s13+$0x0], $0xffff  }
0x71: {  	v42 =	vadd.s32 v5, v36;
	_ =	sdelay $0x1  }
0x72: {  	[tilespmem:s23+$0x180] =	vst v34  }
0x73: {  	v34 =	vld.idx.msk [tilespmem:v43+s13+$0x0], $0xffff  }
0x74: {  	v45 =	vadd.s32 v5, v37;
	[tilespmem:s24+$0x200] =	vst v32  }
0x75: {  	v32 =	vld.idx.msk [tilespmem:v42+s13+$0x0], $0xffff  }
0x76: {  	v44 =	vadd.s32 v6, v36;
	_ =	sdelay $0x1  }
0x77: {  	[tilespmem:s23+$0x200] =	vst v34  }
0x78: {  	v34 =	vld.idx.msk [tilespmem:v45+s13+$0x0], $0xffff  }
0x79: {  	s10 =	simm.s32 $0x20;
	s21 =	simm.s32 $0x20;
	v47 =	vadd.s32 v6, v37;
	[tilespmem:s24+$0x280] =	vst v32  }
0x7a: {  	s2 =	sand.u32 $0x60, s21;
	s0 =	sand.u32 $0x3FFFFF80, s10;
	v32 =	vld.idx.msk [tilespmem:v44+s13+$0x0], $0xffff  }
0x7b: {  	s22 =	sor.u32 $0x10, s2;
	s0 =	sadd.s32 s0, s28;
	v46 =	vadd.s32 v7, v36  }
0x7c: {  	s25 =	sadd.s32 s22, s0  }
0x7d: {  	v38 =	vld [tilespmem:s25+$0x0];
	[tilespmem:s23+$0x280] =	vst v34  }
0x7e: {  	v34 =	vld.idx.msk [tilespmem:v47+s13+$0x0], $0xffff  }
0x7f: {  	v49 =	vadd.s32 v7, v37;
	[tilespmem:s24+$0x300] =	vst v32  }
0x80: {  	v32 =	vld.idx.msk [tilespmem:v46+s13+$0x0], $0xffff;
	_ =	sdelay $0x1  }
0x81: {  	v48 =	vadd.s32 v8, v36  }
0x82: {  	vm10 =	vgt.s32 v38, $0x0;
	[tilespmem:s23+$0x300] =	vst v34  }
0x83: {  	s0 =	sadd.s32 s2, s0;
	v38 =	vnsel vm10, $0x0, v38;
	v34 =	vld.idx.msk [tilespmem:v49+s13+$0x0], $0xffff  }
0x84: {  	v50 =	vadd.s32 v8, v37;
	v39 =	vld [tilespmem:s0+$0x0];
	[tilespmem:s24+$0x380] =	vst v32;
	v32 =	vmin.u32 v38, $0x1F  }
0x85: {  	v38 =	vadd.s32 v0, v32  }
0x86: {  	v33 =	vld.idx.msk [tilespmem:v48+s13+$0x0], $0xffff  }
0x87: {  	v40 =	vadd.s32 v9, v36  }
0x88: {  	[tilespmem:s23+$0x380] =	vst v34  }
0x89: {  	vm11 =	vgt.s32 v39, $0x0;
	v35 =	vld.idx.msk [tilespmem:v50+s13+$0x0], $0xffff  }
0x8a: {  	v51 =	vnsel vm11, $0x0, v39;
	v42 =	vadd.s32 v9, v37;
	v38 =	vld.idx.msk [tilespmem:v38+s13+$0x0], $0xffff  }
0x8b: {  	s26 =	simm.s32 $0x400;
	v53 =	vadd.s32 v1, v32;
	[tilespmem:s24+$0x400] =	vst v33;
	v33 =	vmin.u32 v51, $0x1F  }
0x8c: {  	s0 =	sand.u32 $0x3FFFF000, s26;
	v52 =	vld.idx.msk [tilespmem:v40+s13+$0x0], $0xffff;
	v54 =	vadd.s32 v0, v33  }
0x8d: {  	s0 =	sadd.s32 $0xA880, s0;
	v41 =	vadd.s32 v10, v36  }
0x8e: {  	s21 =	sor.u32 s22, s0;
	[tilespmem:s23+$0x400] =	vst v35  }
0x8f: {  	v42 =	vld.idx.msk [tilespmem:v42+s13+$0x0], $0xffff;
	[tilespmem:s21+$0x0] =	vst v38  }
0x90: {  	v43 =	vadd.s32 v10, v37;
	v38 =	vld.idx.msk [tilespmem:v53+s13+$0x0], $0xffff  }
0x91: {  	v55 =	vadd.s32 v2, v32;
	[tilespmem:s24+$0x480] =	vst v52;
	v34 =	vld.idx.msk [tilespmem:v54+s13+$0x0], $0xffff  }
0x92: {  	v57 =	vadd.s32 v1, v33;
	v39 =	vld.idx.msk [tilespmem:v41+s13+$0x0], $0xffff  }
0x93: {  	v56 =	vadd.s32 v11, v36  }
0x94: {  	[tilespmem:s23+$0x480] =	vst v42  }
0x95: {  	s22 =	sor.u32 s2, s0;
	v42 =	vld.idx.msk [tilespmem:v43+s13+$0x0], $0xffff;
	[tilespmem:s21+$0x80] =	vst v38  }
0x96: {  	v62 =	vadd.s32 v11, v37;
	[tilespmem:s22+$0x0] =	vst v34;
	v38 =	vld.idx.msk [tilespmem:v55+s13+$0x0], $0xffff  }
0x97: {  	v59 =	vadd.s32 v3, v32;
	[tilespmem:s24+$0x500] =	vst v39;
	v35 =	vld.idx.msk [tilespmem:v57+s13+$0x0], $0xffff  }
0x98: {  	v61 =	vadd.s32 v2, v33;
	v58 =	vld.idx.msk [tilespmem:v56+s13+$0x0], $0xffff  }
0x99: {  	v60 =	vadd.s32 v12, v36  }
0x9a: {  	[tilespmem:s23+$0x500] =	vst v42  }
0x9b: {  	v42 =	vld.idx.msk [tilespmem:v62+s13+$0x0], $0xffff;
	[tilespmem:s21+$0x100] =	vst v38  }
0x9c: {  	v48 =	vadd.s32 v12, v37;
	[tilespmem:s22+$0x80] =	vst v35;
	v38 =	vld.idx.msk [tilespmem:v59+s13+$0x0], $0xffff  }
0x9d: {  	v63 =	vadd.s32 v4, v32;
	[tilespmem:s24+$0x580] =	vst v58;
	v45 =	vld.idx.msk [tilespmem:v61+s13+$0x0], $0xffff  }
0x9e: {  	v47 =	vadd.s32 v3, v33;
	v34 =	vld.idx.msk [tilespmem:v60+s13+$0x0], $0xffff  }
0x9f: {  	v46 =	vadd.s32 v13, v36  }
0xa0: {  	[tilespmem:s23+$0x580] =	vst v42  }
0xa1: {  	v42 =	vld.idx.msk [tilespmem:v48+s13+$0x0], $0xffff;
	[tilespmem:s21+$0x180] =	vst v38  }
0xa2: {  	v52 =	vadd.s32 v13, v37;
	[tilespmem:s22+$0x100] =	vst v45;
	v35 =	vld.idx.msk [tilespmem:v63+s13+$0x0], $0xffff  }
0xa3: {  	v49 =	vadd.s32 v5, v32;
	[tilespmem:s24+$0x600] =	vst v34;
	v39 =	vld.idx.msk [tilespmem:v47+s13+$0x0], $0xffff  }
0xa4: {  	v51 =	vadd.s32 v4, v33;
	v34 =	vld.idx.msk [tilespmem:v46+s13+$0x0], $0xffff  }
0xa5: {  	v50 =	vadd.s32 v14, v36  }
0xa6: {  	[tilespmem:s23+$0x600] =	vst v42  }
0xa7: {  	v42 =	vld.idx.msk [tilespmem:v52+s13+$0x0], $0xffff;
	[tilespmem:s21+$0x200] =	vst v35  }
0xa8: {  	s3 =	simm.s32 $0x40;
	s2 =	simm.s32 $0x40;
	v56 =	vadd.s32 v14, v37;
	[tilespmem:s22+$0x180] =	vst v39;
	v35 =	vld.idx.msk [tilespmem:v49+s13+$0x0], $0xffff  }
0xa9: {  	s6 =	sand.u32 $0x60, s3;
	s5 =	sand.u32 $0x3FFFFF80, s2;
	v53 =	vadd.s32 v6, v32;
	[tilespmem:s24+$0x680] =	vst v34;
	v39 =	vld.idx.msk [tilespmem:v51+s13+$0x0], $0xffff  }
0xaa: {  	s10 =	sor.u32 $0x10, s6;
	s7 =	sadd.s32 s5, s28;
	v55 =	vadd.s32 v5, v33;
	v34 =	vld.idx.msk [tilespmem:v50+s13+$0x0], $0xffff  }
0xab: {  	s25 =	sadd.s32 s10, s7;
	v54 =	vadd.s32 v15, v36  }
0xac: {  	v60 =	vld [tilespmem:s25+$0x0];
	[tilespmem:s23+$0x680] =	vst v42  }
0xad: {  	v59 =	vld.idx.msk [tilespmem:v56+s13+$0x0], $0xffff;
	[tilespmem:s21+$0x280] =	vst v35  }
0xae: {  	v61 =	vadd.s32 v15, v37;
	[tilespmem:s22+$0x200] =	vst v39;
	v35 =	vld.idx.msk [tilespmem:v53+s13+$0x0], $0xffff  }
0xaf: {  	v57 =	vadd.s32 v7, v32;
	[tilespmem:s24+$0x700] =	vst v34;
	v39 =	vld.idx.msk [tilespmem:v55+s13+$0x0], $0xffff  }
0xb0: {  	s2 =	sadd.s32 s6, s7;
	v44 =	vadd.s32 v6, v33;
	v34 =	vld.idx.msk [tilespmem:v54+s13+$0x0], $0xffff  }
0xb1: {  	v62 =	vld [tilespmem:s2+$0x0];
	v58 =	vadd.s32 v16, v36  }
0xb2: {  	[tilespmem:s23+$0x700] =	vst v59  }
0xb3: {  	v51 =	vld.idx.msk [tilespmem:v61+s13+$0x0], $0xffff;
	[tilespmem:s21+$0x300] =	vst v35  }
0xb4: {  	v53 =	vadd.s32 v16, v37;
	[tilespmem:s22+$0x280] =	vst v39;
	v63 =	vld.idx.msk [tilespmem:v57+s13+$0x0], $0xffff  }
0xb5: {  	vm12 =	vgt.s32 v60, $0x0;
	v49 =	vadd.s32 v8, v32;
	[tilespmem:s24+$0x780] =	vst v34;
	v52 =	vld.idx.msk [tilespmem:v44+s13+$0x0], $0xffff  }
0xb6: {  	vm13 =	vgt.s32 v62, $0x0;
	v42 =	vnsel vm12, $0x0, v60;
	v54 =	vadd.s32 v7, v33;
	v48 =	vld.idx.msk [tilespmem:v58+s13+$0x0], $0xffff  }
0xb7: {  	v50 =	vadd.s32 v17, v36;
	v35 =	vnsel vm13, $0x0, v62;
	v34 =	vmin.u32 v42, $0x1F  }
0xb8: {  	v35 =	vmin.u32 v35, $0x1F;
	v56 =	vadd.s32 v0, v34;
	[tilespmem:s23+$0x780] =	vst v51  }
0xb9: {  	v46 =	vadd.s32 v0, v35;
	v58 =	vld.idx.msk [tilespmem:v53+s13+$0x0], $0xffff;
	[tilespmem:s21+$0x380] =	vst v63  }
0xba: {  	v59 =	vadd.s32 v17, v37;
	[tilespmem:s22+$0x300] =	vst v52;
	v55 =	vld.idx.msk [tilespmem:v49+s13+$0x0], $0xffff  }
0xbb: {  	v45 =	vadd.s32 v9, v32;
	[tilespmem:s24+$0x800] =	vst v48;
	v42 =	vld.idx.msk [tilespmem:v54+s13+$0x0], $0xffff  }
0xbc: {  	v61 =	vadd.s32 v8, v33;
	v41 =	vld.idx.msk [tilespmem:v50+s13+$0x0], $0xffff  }
0xbd: {  	v57 =	vadd.s32 v18, v36;
	v60 =	vld.idx.msk [tilespmem:v56+s13+$0x0], $0xffff  }
0xbe: {  	s26 =	simm.s32 $0x800;
	v63 =	vadd.s32 v1, v34;
	v46 =	vld.idx.msk [tilespmem:v46+s13+$0x0], $0xffff;
	[tilespmem:s23+$0x800] =	vst v58  }
0xbf: {  	s2 =	sand.u32 $0x3FFFF000, s26;
	v48 =	vadd.s32 v1, v35;
	v53 =	vld.idx.msk [tilespmem:v59+s13+$0x0], $0xffff;
	[tilespmem:s21+$0x400] =	vst v55  }
0xc0: {  	s2 =	sadd.s32 $0xA880, s2;
	v54 =	vadd.s32 v18, v37;
	[tilespmem:s22+$0x380] =	vst v42;
	v62 =	vld.idx.msk [tilespmem:v45+s13+$0x0], $0xffff  }
0xc1: {  	s25 =	sor.u32 s10, s2;
	v47 =	vadd.s32 v10, v32;
	[tilespmem:s24+$0x880] =	vst v41;
	v40 =	vld.idx.msk [tilespmem:v61+s13+$0x0], $0xffff  }
0xc2: {  	s26 =	sor.u32 s6, s2;
	v56 =	vadd.s32 v9, v33;
	[tilespmem:s25+$0x0] =	vst v60;
	v39 =	vld.idx.msk [tilespmem:v57+s13+$0x0], $0xffff  }
0xc3: {  	v52 =	vadd.s32 v19, v36;
	[tilespmem:s26+$0x0] =	vst v46;
	v55 =	vld.idx.msk [tilespmem:v63+s13+$0x0], $0xffff  }
0xc4: {  	v46 =	vld.idx.msk [tilespmem:v48+s13+$0x0], $0xffff;
	v57 =	vadd.s32 v2, v34;
	[tilespmem:s23+$0x880] =	vst v53  }
0xc5: {  	v60 =	vadd.s32 v2, v35;
	v38 =	vld.idx.msk [tilespmem:v54+s13+$0x0], $0xffff;
	[tilespmem:s21+$0x480] =	vst v62  }
0xc6: {  	v61 =	vadd.s32 v19, v37;
	[tilespmem:s22+$0x400] =	vst v40;
	v41 =	vld.idx.msk [tilespmem:v47+s13+$0x0], $0xffff  }
0xc7: {  	v58 =	vadd.s32 v11, v32;
	[tilespmem:s24+$0x900] =	vst v39;
	v40 =	vld.idx.msk [tilespmem:v56+s13+$0x0], $0xffff  }
0xc8: {  	v63 =	vadd.s32 v10, v33;
	[tilespmem:s25+$0x80] =	vst v55;
	v43 =	vld.idx.msk [tilespmem:v52+s13+$0x0], $0xffff  }
0xc9: {  	v59 =	vadd.s32 v20, v36;
	[tilespmem:s26+$0x80] =	vst v46;
	v62 =	vld.idx.msk [tilespmem:v57+s13+$0x0], $0xffff  }
0xca: {  	v46 =	vld.idx.msk [tilespmem:v60+s13+$0x0], $0xffff;
	v52 =	vadd.s32 v3, v34;
	[tilespmem:s23+$0x900] =	vst v38  }
0xcb: {  	v55 =	vadd.s32 v3, v35;
	v56 =	vld.idx.msk [tilespmem:v61+s13+$0x0], $0xffff;
	[tilespmem:s21+$0x500] =	vst v41  }
0xcc: {  	[tilespmem:s22+$0x480] =	vst v40;
	v39 =	vld.idx.msk [tilespmem:v58+s13+$0x0], $0xffff;
	v58 =	vadd.s32 v20, v37  }
0xcd: {  	v53 =	vadd.s32 v12, v32;
	[tilespmem:s24+$0x980] =	vst v43;
	v57 =	vld.idx.msk [tilespmem:v63+s13+$0x0], $0xffff  }
0xce: {  	[tilespmem:s25+$0x100] =	vst v62;
	v42 =	vld.idx.msk [tilespmem:v59+s13+$0x0], $0xffff;
	v59 =	vadd.s32 v11, v33  }
0xcf: {  	v54 =	vadd.s32 v21, v36;
	[tilespmem:s26+$0x100] =	vst v46;
	v41 =	vld.idx.msk [tilespmem:v52+s13+$0x0], $0xffff  }
0xd0: {  	v60 =	vadd.s32 v4, v34;
	v46 =	vld.idx.msk [tilespmem:v55+s13+$0x0], $0xffff;
	[tilespmem:s23+$0x980] =	vst v56  }
0xd1: {  	[tilespmem:s21+$0x580] =	vst v39;
	v52 =	vld.idx.msk [tilespmem:v58+s13+$0x0], $0xffff  }
0xd2: {  	v63 =	vadd.s32 v4, v35;
	[tilespmem:s22+$0x500] =	vst v57;
	v39 =	vld.idx.msk [tilespmem:v53+s13+$0x0], $0xffff  }
0xd3: {  	v61 =	vadd.s32 v13, v32;
	[tilespmem:s24+$0xA00] =	vst v42;
	v53 =	vld.idx.msk [tilespmem:v59+s13+$0x0], $0xffff  }
0xd4: {  	[tilespmem:s25+$0x180] =	vst v41;
	v38 =	vld.idx.msk [tilespmem:v54+s13+$0x0], $0xffff;
	v54 =	vadd.s32 v21, v37  }
0xd5: {  	v55 =	vadd.s32 v12, v33;
	v43 =	vld.idx.msk [tilespmem:v60+s13+$0x0], $0xffff  }
0xd6: {  	v56 =	vadd.s32 v5, v34;
	[tilespmem:s26+$0x180] =	vst v46  }
0xd7: {  	v62 =	vadd.s32 v22, v36;
	v46 =	vld.idx.msk [tilespmem:v63+s13+$0x0], $0xffff;
	[tilespmem:s21+$0x600] =	vst v39  }
0xd8: {  	[tilespmem:s23+$0xA00] =	vst v52;
	v39 =	vld.idx.msk [tilespmem:v61+s13+$0x0], $0xffff  }
0xd9: {  	s3 =	simm.s32 $0x60;
	v57 =	vadd.s32 v14, v32;
	[tilespmem:s22+$0x580] =	vst v53;
	v41 =	vld.idx.msk [tilespmem:v54+s13+$0x0], $0xffff  }
0xda: {  	s31 =	simm.s32 $0x60;
	s0 =	sand.u32 $0x3FFFFF80, s3;
	v60 =	vadd.s32 v22, v37;
	[tilespmem:s25+$0x200] =	vst v43;
	v45 =	vld.idx.msk [tilespmem:v55+s13+$0x0], $0xffff  }
0xdb: {  	s5 =	sand.u32 $0x60, s31;
	s6 =	sadd.s32 s0, s28;
	[tilespmem:s24+$0xA80] =	vst v38;
	v42 =	vld.idx.msk [tilespmem:v56+s13+$0x0], $0xffff;
	v61 =	vadd.s32 v13, v33  }
0xdc: {  	s0 =	sadd.s32 s5, s6;
	v40 =	vld.idx.msk [tilespmem:v62+s13+$0x0], $0xffff;
	v62 =	vadd.s32 v6, v34  }
0xdd: {  	v58 =	vadd.s32 v23, v36;
	v53 =	vld [tilespmem:s0+$0x0];
	[tilespmem:s21+$0x680] =	vst v39  }
0xde: {  	v59 =	vadd.s32 v5, v35;
	[tilespmem:s23+$0xA80] =	vst v41;
	v38 =	vld.idx.msk [tilespmem:v57+s13+$0x0], $0xffff  }
0xdf: {  	v63 =	vadd.s32 v15, v32;
	[tilespmem:s22+$0x600] =	vst v45;
	v43 =	vld.idx.msk [tilespmem:v60+s13+$0x0], $0xffff  }
0xe0: {  	v49 =	vadd.s32 v23, v37;
	[tilespmem:s25+$0x280] =	vst v42;
	v45 =	vld.idx.msk [tilespmem:v61+s13+$0x0], $0xffff  }
0xe1: {  	v50 =	vadd.s32 v14, v33;
	[tilespmem:s24+$0xB00] =	vst v40;
	v39 =	vld.idx.msk [tilespmem:v62+s13+$0x0], $0xffff  }
0xe2: {  	v51 =	vadd.s32 v7, v34;
	[tilespmem:s26+$0x200] =	vst v46;
	v44 =	vld.idx.msk [tilespmem:v58+s13+$0x0], $0xffff  }
0xe3: {  	v48 =	vadd.s32 v24, v36;
	v46 =	vld.idx.msk [tilespmem:v59+s13+$0x0], $0xffff;
	[tilespmem:s21+$0x700] =	vst v38  }
0xe4: {  	[tilespmem:s23+$0xB00] =	vst v43;
	v38 =	vld.idx.msk [tilespmem:v63+s13+$0x0], $0xffff  }
0xe5: {  	v56 =	vadd.s32 v6, v35;
	[tilespmem:s22+$0x680] =	vst v45;
	v42 =	vld.idx.msk [tilespmem:v49+s13+$0x0], $0xffff  }
0xe6: {  	v52 =	vadd.s32 v16, v32;
	[tilespmem:s25+$0x300] =	vst v39;
	v47 =	vld.idx.msk [tilespmem:v50+s13+$0x0], $0xffff  }
0xe7: {  	s7 =	sor.u32 $0x10, s5;
	v55 =	vadd.s32 v24, v37;
	[tilespmem:s24+$0xB80] =	vst v44;
	v40 =	vld.idx.msk [tilespmem:v51+s13+$0x0], $0xffff  }
0xe8: {  	s3 =	sadd.s32 s7, s6;
	vm14 =	vgt.s32 v53, $0x0;
	v50 =	vadd.s32 v15, v33;
	v41 =	vld.idx.msk [tilespmem:v48+s13+$0x0], $0xffff  }
0xe9: {  	v54 =	vadd.s32 v25, v36;
	[tilespmem:s26+$0x280] =	vst v46;
	v58 =	vnsel vm14, $0x0, v53;
	v49 =	vld [tilespmem:s3+$0x0]  }
0xea: {  	v57 =	vadd.s32 v8, v34;
	v48 =	vld.idx.msk [tilespmem:v56+s13+$0x0], $0xffff;
	[tilespmem:s21+$0x780] =	vst v38;
	v38 =	vmin.u32 v58, $0x1F  }
0xeb: {  	[tilespmem:s23+$0xB80] =	vst v42;
	v44 =	vld.idx.msk [tilespmem:v52+s13+$0x0], $0xffff;
	v62 =	vadd.s32 v0, v38  }
0xec: {  	v59 =	vadd.s32 v17, v32;
	[tilespmem:s22+$0x700] =	vst v47;
	v60 =	vld.idx.msk [tilespmem:v55+s13+$0x0], $0xffff  }
0xed: {  	[tilespmem:s24+$0xC00] =	vst v41;
	v63 =	vld.idx.msk [tilespmem:v50+s13+$0x0], $0xffff;
	v52 =	vadd.s32 v25, v37  }
0xee: {  	[tilespmem:s25+$0x380] =	vst v40;
	v45 =	vld.idx.msk [tilespmem:v54+s13+$0x0], $0xffff;
	v54 =	vadd.s32 v7, v35  }
0xef: {  	v61 =	vadd.s32 v26, v36;
	vm15 =	vgt.s32 v49, $0x0;
	v41 =	vld.idx.msk [tilespmem:v57+s13+$0x0], $0xffff  }
0xf0: {  	v53 =	vnsel vm15, $0x0, v49;
	v55 =	vadd.s32 v16, v33;
	[tilespmem:s21+$0x800] =	vst v44;
	v57 =	vld.idx.msk [tilespmem:v62+s13+$0x0], $0xffff  }
0xf1: {  	v58 =	vadd.s32 v9, v34;
	v39 =	vmin.u32 v53, $0x1F;
	[tilespmem:s23+$0xC00] =	vst v60;
	v42 =	vld.idx.msk [tilespmem:v59+s13+$0x0], $0xffff  }
0xf2: {  	s10 =	simm.s32 $0xC00;
	[tilespmem:s26+$0x300] =	vst v48;
	v56 =	vadd.s32 v0, v39;
	v59 =	vld.idx.msk [tilespmem:v52+s13+$0x0], $0xffff  }
0xf3: {  	s3 =	sand.u32 $0x3FFFF000, s10;
	v51 =	vadd.s32 v1, v38;
	[tilespmem:s24+$0xC80] =	vst v45;
	v44 =	vld.idx.msk [tilespmem:v54+s13+$0x0], $0xffff  }
0xf4: {  	s3 =	sadd.s32 $0xA880, s3;
	[tilespmem:s22+$0x780] =	vst v63;
	v46 =	vld.idx.msk [tilespmem:v61+s13+$0x0], $0xffff;
	v61 =	vadd.s32 v18, v32  }
0xf5: {  	s29 =	sor.u32 s5, s3;
	[tilespmem:s25+$0x400] =	vst v41;
	v63 =	vadd.s32 v8, v35;
	v40 =	vld.idx.msk [tilespmem:v55+s13+$0x0], $0xffff  }
0xf6: {  	v60 =	vadd.s32 v27, v36;
	v54 =	vld.idx.msk [tilespmem:v58+s13+$0x0], $0xffff;
	[tilespmem:s29+$0x0] =	vst v57  }
0xf7: {  	v55 =	vadd.s32 v17, v33;
	v62 =	vld.idx.msk [tilespmem:v56+s13+$0x0], $0xffff;
	[tilespmem:s21+$0x880] =	vst v42  }
0xf8: {  	v58 =	vadd.s32 v10, v34;
	v57 =	vld.idx.msk [tilespmem:v51+s13+$0x0], $0xffff;
	[tilespmem:s23+$0xC80] =	vst v59  }
0xf9: {  	v56 =	vadd.s32 v1, v39;
	[tilespmem:s26+$0x380] =	vst v44;
	v41 =	vld.idx.msk [tilespmem:v61+s13+$0x0], $0xffff  }
0xfa: {  	v59 =	vadd.s32 v26, v37;
	[tilespmem:s24+$0xD00] =	vst v46;
	v49 =	vld.idx.msk [tilespmem:v63+s13+$0x0], $0xffff  }
0xfb: {  	[tilespmem:s22+$0x800] =	vst v40;
	v46 =	vld.idx.msk [tilespmem:v60+s13+$0x0], $0xffff;
	v60 =	vadd.s32 v2, v38  }
0xfc: {  	s30 =	sor.u32 s7, s3;
	[tilespmem:s25+$0x480] =	vst v54;
	v40 =	vld.idx.msk [tilespmem:v55+s13+$0x0], $0xffff;
	v61 =	vadd.s32 v19, v32  }
0xfd: {  	[tilespmem:s30+$0x0] =	vst v62;
	v62 =	vadd.s32 v9, v35;
	v42 =	vld.idx.msk [tilespmem:v58+s13+$0x0], $0xffff  }
0xfe: {  	v63 =	vadd.s32 v18, v33;
	v43 =	vld.idx.msk [tilespmem:v56+s13+$0x0], $0xffff;
	[tilespmem:s29+$0x80] =	vst v57  }
0xff: {  	v55 =	vadd.s32 v11, v34;
	v44 =	vld.idx.msk [tilespmem:v59+s13+$0x0], $0xffff;
	[tilespmem:s21+$0x900] =	vst v41  }
0x100: {  	v54 =	vadd.s32 v2, v39;
	[tilespmem:s26+$0x400] =	vst v49;
	v48 =	vld.idx.msk [tilespmem:v60+s13+$0x0], $0xffff  }
0x101: {  	v56 =	vadd.s32 v27, v37;
	[tilespmem:s22+$0x880] =	vst v40;
	v41 =	vld.idx.msk [tilespmem:v61+s13+$0x0], $0xffff  }
0x102: {  	v57 =	vadd.s32 v3, v38;
	[tilespmem:s25+$0x500] =	vst v42;
	v47 =	vld.idx.msk [tilespmem:v62+s13+$0x0], $0xffff  }
0x103: {  	v58 =	vadd.s32 v20, v32;
	[tilespmem:s24+$0xD80] =	vst v46;
	v40 =	vld.idx.msk [tilespmem:v63+s13+$0x0], $0xffff  }
0x104: {  	[tilespmem:s30+$0x80] =	vst v43;
	v42 =	vld.idx.msk [tilespmem:v55+s13+$0x0], $0xffff;
	v60 =	vadd.s32 v19, v33  }
0x105: {  	v59 =	vadd.s32 v10, v35;
	v46 =	vld.idx.msk [tilespmem:v54+s13+$0x0], $0xffff;
	[tilespmem:s23+$0xD00] =	vst v44  }
0x106: {  	v62 =	vadd.s32 v12, v34;
	v45 =	vld.idx.msk [tilespmem:v56+s13+$0x0], $0xffff;
	[tilespmem:s29+$0x100] =	vst v48  }
0x107: {  	v61 =	vadd.s32 v3, v39;
	[tilespmem:s21+$0x980] =	vst v41;
	v48 =	vld.idx.msk [tilespmem:v57+s13+$0x0], $0xffff  }
0x108: {  	v63 =	vadd.s32 v28, v37;
	[tilespmem:s22+$0x900] =	vst v40;
	v41 =	vld.idx.msk [tilespmem:v58+s13+$0x0], $0xffff  }
0x109: {  	[tilespmem:s26+$0x480] =	vst v47;
	v40 =	vld.idx.msk [tilespmem:v60+s13+$0x0], $0xffff;
	v60 =	vadd.s32 v28, v36  }
0x10a: {  	v54 =	vadd.s32 v4, v38;
	[tilespmem:s25+$0x580] =	vst v42;
	v51 =	vld.idx.msk [tilespmem:v59+s13+$0x0], $0xffff  }
0x10b: {  	[tilespmem:s30+$0x100] =	vst v46;
	v42 =	vld.idx.msk [tilespmem:v62+s13+$0x0], $0xffff;
	v57 =	vadd.s32 v20, v33  }
0x10c: {  	v55 =	vadd.s32 v21, v32;
	v44 =	vld.idx.msk [tilespmem:v61+s13+$0x0], $0xffff;
	[tilespmem:s23+$0xD80] =	vst v45  }
0x10d: {  	v56 =	vadd.s32 v11, v35;
	v43 =	vld.idx.msk [tilespmem:v63+s13+$0x0], $0xffff;
	[tilespmem:s29+$0x180] =	vst v48  }
0x10e: {  	v59 =	vadd.s32 v13, v34;
	[tilespmem:s21+$0xA00] =	vst v41;
	v46 =	vld.idx.msk [tilespmem:v60+s13+$0x0], $0xffff  }
0x10f: {  	v58 =	vadd.s32 v4, v39;
	[tilespmem:s22+$0x980] =	vst v40;
	v47 =	vld.idx.msk [tilespmem:v54+s13+$0x0], $0xffff  }
0x110: {  	[tilespmem:s26+$0x500] =	vst v51;
	v40 =	vld.idx.msk [tilespmem:v57+s13+$0x0], $0xffff;
	v57 =	vadd.s32 v29, v36  }
0x111: {  	v61 =	vadd.s32 v5, v38;
	[tilespmem:s25+$0x600] =	vst v42;
	v41 =	vld.idx.msk [tilespmem:v55+s13+$0x0], $0xffff  }
0x112: {  	v62 =	vadd.s32 v22, v32;
	v50 =	vld.idx.msk [tilespmem:v56+s13+$0x0], $0xffff;
	[tilespmem:s30+$0x180] =	vst v44  }
0x113: {  	v63 =	vadd.s32 v12, v35;
	v42 =	vld.idx.msk [tilespmem:v59+s13+$0x0], $0xffff;
	[tilespmem:s23+$0xE00] =	vst v43  }
0x114: {  	v54 =	vadd.s32 v21, v33;
	v45 =	vld.idx.msk [tilespmem:v58+s13+$0x0], $0xffff;
	[tilespmem:s24+$0xE00] =	vst v46  }
0x115: {  	v56 =	vadd.s32 v14, v34;
	[tilespmem:s29+$0x200] =	vst v47;
	v53 =	vld.idx.msk [tilespmem:v57+s13+$0x0], $0xffff  }
0x116: {  	v55 =	vadd.s32 v5, v39;
	[tilespmem:s21+$0xA80] =	vst v41;
	v47 =	vld.idx.msk [tilespmem:v61+s13+$0x0], $0xffff  }
0x117: {  	v58 =	vadd.s32 v29, v37;
	[tilespmem:s26+$0x580] =	vst v50;
	v41 =	vld.idx.msk [tilespmem:v62+s13+$0x0], $0xffff  }
0x118: {  	v59 =	vadd.s32 v23, v32;
	[tilespmem:s22+$0xA00] =	vst v40;
	v49 =	vld.idx.msk [tilespmem:v63+s13+$0x0], $0xffff  }
0x119: {  	v60 =	vadd.s32 v13, v35;
	[tilespmem:s25+$0x680] =	vst v42;
	v40 =	vld.idx.msk [tilespmem:v54+s13+$0x0], $0xffff  }
0x11a: {  	[tilespmem:s30+$0x200] =	vst v45;
	v51 =	vld.idx.msk [tilespmem:v56+s13+$0x0], $0xffff;
	v61 =	vadd.s32 v22, v33  }
0x11b: {  	v63 =	vadd.s32 v15, v34;
	v52 =	vld.idx.msk [tilespmem:v55+s13+$0x0], $0xffff;
	[tilespmem:s24+$0xE80] =	vst v53  }
0x11c: {  	v62 =	vadd.s32 v6, v39;
	v48 =	vld.idx.msk [tilespmem:v58+s13+$0x0], $0xffff;
	[tilespmem:s21+$0xB00] =	vst v41  }
0x11d: {  	v50 =	vadd.s32 v30, v36;
	[tilespmem:s26+$0x600] =	vst v49;
	v45 =	vld.idx.msk [tilespmem:v59+s13+$0x0], $0xffff  }
0x11e: {  	v44 =	vadd.s32 v30, v37;
	[tilespmem:s22+$0xA80] =	vst v40;
	v43 =	vld.idx.msk [tilespmem:v60+s13+$0x0], $0xffff  }
0x11f: {  	v49 =	vadd.s32 v24, v32;
	[tilespmem:s25+$0x700] =	vst v51;
	v41 =	vld.idx.msk [tilespmem:v61+s13+$0x0], $0xffff  }
0x120: {  	v46 =	vadd.s32 v14, v35;
	[tilespmem:s30+$0x280] =	vst v52;
	v40 =	vld.idx.msk [tilespmem:v63+s13+$0x0], $0xffff  }
0x121: {  	s0 =	simm.s32 $0x6;
	[tilespmem:s29+$0x280] =	vst v47;
	v47 =	vadd.s32 v23, v33;
	v42 =	vld.idx.msk [tilespmem:v62+s13+$0x0], $0xffff  }
.LBB2_5:
0x122: {  	s0 =	sadd.s32 $0x2, s0;
	[tilespmem:s23+$0xE80] =	vst v48;
	v48 =	vld.idx.msk [tilespmem:v50+s13+$0x0], $0xffff  }
0x123: {  	v50 =	vadd.s32 v7, v39;
	s2 =	sshll.u32 s0, $0x4;
	s3 =	sshll.u32 s0, $0x9;
	p1 =	slt.u32 s0, $0xE;
	[tilespmem:s21+$0xB80] =	vst v45;
	v44 =	vld.idx.msk [tilespmem:v44+s13+$0x0], $0xffff  }
0x124: {  	s31 =	sadd.s32 $0x20, s31;
	s2 =	sand.u32 $0x3FFFFF80, s2;
	s5 =	sand.u32 $0x3FFFF000, s3;
	[tilespmem:s26+$0x680] =	vst v43;
	v43 =	vld.idx.msk [tilespmem:v49+s13+$0x0], $0xffff  }
0x125: {  	s3 =	sand.u32 $0x60, s31;
	s6 =	sadd.s32 s2, s28;
	s2 =	sadd.s32 $0xA880, s5;
	v45 =	vld.idx.msk [tilespmem:v46+s13+$0x0], $0xffff;
	v46 =	vadd.s32 v16, v34;
	[tilespmem:s22+$0xB00] =	vst v41  }
0x126: {  	s10 =	sor.u32 $0x10, s3;
	s5 =	sadd.s32 s3, s6;
	[tilespmem:s30+$0x300] =	vst v42;
	v41 =	vld.idx.msk [tilespmem:v47+s13+$0x0], $0xffff;
	v42 =	vadd.s32 v25, v32  }
0x127: {  	v47 =	vld [tilespmem:s5+$0x0];
	s5 =	sadd.s32 s10, s6;
	[tilespmem:s25+$0x780] =	vst v40;
	v40 =	vadd.s32 v31, v36;
	v36 =	vmovc v32;
	v32 =	vmov v34;
	v34 =	vmov v39  }
0x128: {  	v49 =	vadd.s32 v24, v33;
	v39 =	vld.idx.msk [tilespmem:v50+s13+$0x0], $0xffff;
	v50 =	vadd.s32 v31, v37;
	[tilespmem:s24+$0xF00] =	vst v48;
	v37 =	vmov v33  }
0x129: {  	v33 =	vmov v35;
	v35 =	vmov v38;
	v48 =	vld [tilespmem:s5+$0x0];
	[tilespmem:s23+$0xF00] =	vst v44  }
0x12a: {  	v44 =	vadd.s32 v6, v35;
	v46 =	vld.idx.msk [tilespmem:v46+s13+$0x0], $0xffff;
	[tilespmem:s21+$0xC00] =	vst v43  }
0x12b: {  	v43 =	vadd.s32 v15, v33;
	[tilespmem:s26+$0x700] =	vst v45;
	v42 =	vld.idx.msk [tilespmem:v42+s13+$0x0], $0xffff  }
0x12c: {  	v45 =	vadd.s32 v8, v34;
	vm0 =	vgt.s32 v47, $0x0;
	[tilespmem:s22+$0xB80] =	vst v41;
	v40 =	vld.idx.msk [tilespmem:v40+s13+$0x0], $0xffff  }
0x12d: {  	v41 =	vadd.s32 v17, v32;
	v38 =	vnsel vm0, $0x0, v47;
	v47 =	vld.idx.msk [tilespmem:v49+s13+$0x0], $0xffff  }
0x12e: {  	v49 =	vadd.s32 v26, v36;
	v38 =	vmin.u32 v38, $0x1F;
	vm0 =	vgt.s32 v48, $0x0;
	[tilespmem:s30+$0x380] =	vst v39;
	v50 =	vld.idx.msk [tilespmem:v50+s13+$0x0], $0xffff  }
0x12f: {  	v51 =	vadd.s32 v0, v38;
	v39 =	vnsel vm0, $0x0, v48;
	v44 =	vld.idx.msk [tilespmem:v44+s13+$0x0], $0xffff  }
0x130: {  	v39 =	vmin.u32 v39, $0x1F;
	v43 =	vld.idx.msk [tilespmem:v43+s13+$0x0], $0xffff;
	[tilespmem:s25+$0x800] =	vst v46;
	v46 =	vadd.s32 v25, v37  }
0x131: {  	v48 =	vadd.s32 v7, v35;
	v45 =	vld.idx.msk [tilespmem:v45+s13+$0x0], $0xffff;
	[tilespmem:s21+$0xC80] =	vst v42  }
0x132: {  	v42 =	vadd.s32 v16, v33;
	v41 =	vld.idx.msk [tilespmem:v41+s13+$0x0], $0xffff;
	[tilespmem:s24+$0xF80] =	vst v40;
	s24 =	smov.u32 s21;
	s21 =	smov.u32 s25;
	s25 =	smov.u32 s30  }
0x133: {  	v40 =	vadd.s32 v0, v39;
	[tilespmem:s22+$0xC00] =	vst v47;
	v47 =	vld.idx.msk [tilespmem:v49+s13+$0x0], $0xffff  }
0x134: {  	v49 =	vld.idx.msk [tilespmem:v51+s13+$0x0], $0xffff;
	v51 =	vadd.s32 v9, v34;
	[tilespmem:s23+$0xF80] =	vst v50;
	s23 =	smov.u32 s22;
	s22 =	smov.u32 s26;
	s26 =	smov.u32 s29  }
0x135: {  	[tilespmem:s26+$0x300] =	vst v44;
	v44 =	vld.idx.msk [tilespmem:v46+s13+$0x0], $0xffff;
	v46 =	vadd.s32 v27, v36  }
0x136: {  	v50 =	vadd.s32 v1, v38;
	v48 =	vld.idx.msk [tilespmem:v48+s13+$0x0], $0xffff;
	[tilespmem:s22+$0x780] =	vst v43  }
0x137: {  	v43 =	vadd.s32 v18, v32;
	[tilespmem:s25+$0x400] =	vst v45;
	v42 =	vld.idx.msk [tilespmem:v42+s13+$0x0], $0xffff  }
0x138: {  	v45 =	vadd.s32 v8, v35;
	v40 =	vld.idx.msk [tilespmem:v40+s13+$0x0], $0xffff;
	[tilespmem:s21+$0x880] =	vst v41  }
0x139: {  	s29 =	sor.u32 s3, s2;
	v41 =	vld.idx.msk [tilespmem:v51+s13+$0x0], $0xffff;
	v51 =	vadd.s32 v17, v33;
	[tilespmem:s24+$0xD00] =	vst v47  }
0x13a: {  	v47 =	vadd.s32 v1, v39;
	[tilespmem:s29+$0x0] =	vst v49;
	v46 =	vld.idx.msk [tilespmem:v46+s13+$0x0], $0xffff  }
0x13b: {  	v49 =	vld.idx.msk [tilespmem:v50+s13+$0x0], $0xffff;
	v50 =	vadd.s32 v10, v34;
	[tilespmem:s23+$0xC80] =	vst v44  }
0x13c: {  	v44 =	vadd.s32 v26, v37;
	[tilespmem:s26+$0x380] =	vst v48;
	v43 =	vld.idx.msk [tilespmem:v43+s13+$0x0], $0xffff  }
0x13d: {  	s30 =	sor.u32 s10, s2;
	v48 =	vadd.s32 v2, v38;
	v45 =	vld.idx.msk [tilespmem:v45+s13+$0x0], $0xffff;
	[tilespmem:s22+$0x800] =	vst v42  }
0x13e: {  	v42 =	vadd.s32 v19, v32;
	[tilespmem:s30+$0x0] =	vst v40;
	v40 =	vld.idx.msk [tilespmem:v51+s13+$0x0], $0xffff  }
0x13f: {  	v51 =	vadd.s32 v9, v35;
	v47 =	vld.idx.msk [tilespmem:v47+s13+$0x0], $0xffff;
	[tilespmem:s25+$0x480] =	vst v41  }
0x140: {  	v41 =	vld.idx.msk [tilespmem:v50+s13+$0x0], $0xffff;
	v50 =	vadd.s32 v18, v33;
	[tilespmem:s24+$0xD80] =	vst v46  }
0x141: {  	v46 =	vadd.s32 v2, v39;
	[tilespmem:s29+$0x80] =	vst v49;
	v44 =	vld.idx.msk [tilespmem:v44+s13+$0x0], $0xffff  }
0x142: {  	v49 =	vadd.s32 v11, v34;
	v48 =	vld.idx.msk [tilespmem:v48+s13+$0x0], $0xffff;
	[tilespmem:s21+$0x900] =	vst v43  }
0x143: {  	v43 =	vadd.s32 v27, v37;
	[tilespmem:s26+$0x400] =	vst v45;
	v42 =	vld.idx.msk [tilespmem:v42+s13+$0x0], $0xffff  }
0x144: {  	v45 =	vadd.s32 v3, v38;
	v51 =	vld.idx.msk [tilespmem:v51+s13+$0x0], $0xffff;
	[tilespmem:s22+$0x880] =	vst v40  }
0x145: {  	[tilespmem:s30+$0x80] =	vst v47;
	v40 =	vld.idx.msk [tilespmem:v50+s13+$0x0], $0xffff;
	v47 =	vadd.s32 v20, v32  }
0x146: {  	v50 =	vadd.s32 v10, v35;
	v46 =	vld.idx.msk [tilespmem:v46+s13+$0x0], $0xffff;
	[tilespmem:s25+$0x500] =	vst v41  }
0x147: {  	v41 =	vld.idx.msk [tilespmem:v49+s13+$0x0], $0xffff;
	v49 =	vadd.s32 v19, v33;
	[tilespmem:s23+$0xD00] =	vst v44  }
0x148: {  	v44 =	vadd.s32 v3, v39;
	[tilespmem:s29+$0x100] =	vst v48;
	v43 =	vld.idx.msk [tilespmem:v43+s13+$0x0], $0xffff  }
0x149: {  	v48 =	vadd.s32 v12, v34;
	v45 =	vld.idx.msk [tilespmem:v45+s13+$0x0], $0xffff;
	[tilespmem:s21+$0x980] =	vst v42  }
0x14a: {  	[tilespmem:s26+$0x480] =	vst v51;
	v42 =	vld.idx.msk [tilespmem:v47+s13+$0x0], $0xffff;
	v47 =	vadd.s32 v28, v37  }
0x14b: {  	v51 =	vadd.s32 v4, v38;
	v50 =	vld.idx.msk [tilespmem:v50+s13+$0x0], $0xffff;
	[tilespmem:s22+$0x900] =	vst v40  }
0x14c: {  	[tilespmem:s30+$0x100] =	vst v46;
	v40 =	vld.idx.msk [tilespmem:v49+s13+$0x0], $0xffff;
	v46 =	vadd.s32 v21, v32  }
0x14d: {  	v49 =	vadd.s32 v11, v35;
	v44 =	vld.idx.msk [tilespmem:v44+s13+$0x0], $0xffff;
	[tilespmem:s25+$0x580] =	vst v41  }
0x14e: {  	v41 =	vld.idx.msk [tilespmem:v48+s13+$0x0], $0xffff;
	v48 =	vadd.s32 v20, v33;
	[tilespmem:s23+$0xD80] =	vst v43  }
0x14f: {  	v43 =	vadd.s32 v4, v39;
	[tilespmem:s29+$0x180] =	vst v45;
	v45 =	vld.idx.msk [tilespmem:v47+s13+$0x0], $0xffff  }
0x150: {  	v47 =	vld.idx.msk [tilespmem:v51+s13+$0x0], $0xffff;
	v51 =	vadd.s32 v13, v34;
	[tilespmem:s21+$0xA00] =	vst v42  }
0x151: {  	[tilespmem:s26+$0x500] =	vst v50;
	v42 =	vld.idx.msk [tilespmem:v46+s13+$0x0], $0xffff;
	v46 =	vadd.s32 v28, v36  }
0x152: {  	v50 =	vadd.s32 v5, v38;
	v49 =	vld.idx.msk [tilespmem:v49+s13+$0x0], $0xffff;
	[tilespmem:s22+$0x980] =	vst v40  }
0x153: {  	[tilespmem:s30+$0x180] =	vst v44;
	v40 =	vld.idx.msk [tilespmem:v48+s13+$0x0], $0xffff;
	v44 =	vadd.s32 v22, v32  }
0x154: {  	v48 =	vadd.s32 v12, v35;
	v43 =	vld.idx.msk [tilespmem:v43+s13+$0x0], $0xffff;
	[tilespmem:s25+$0x600] =	vst v41  }
0x155: {  	v41 =	vld.idx.msk [tilespmem:v51+s13+$0x0], $0xffff;
	v51 =	vadd.s32 v21, v33;
	[tilespmem:s23+$0xE00] =	vst v45  }
0x156: {  	v45 =	vadd.s32 v5, v39;
	[tilespmem:s29+$0x200] =	vst v47;
	v46 =	vld.idx.msk [tilespmem:v46+s13+$0x0], $0xffff  }
0x157: {  	v47 =	vld.idx.msk [tilespmem:v50+s13+$0x0], $0xffff;
	v50 =	vadd.s32 v14, v34;
	[tilespmem:s21+$0xA80] =	vst v42  }
0x158: {  	[tilespmem:s26+$0x580] =	vst v49;
	v42 =	vld.idx.msk [tilespmem:v44+s13+$0x0], $0xffff;
	v44 =	vadd.s32 v29, v37;
	v49 =	vadd.s32 v29, v36  }
0x159: {  	v52 =	vld.idx.msk [tilespmem:v48+s13+$0x0], $0xffff;
	[tilespmem:s22+$0xA00] =	vst v40  }
0x15a: {  	[tilespmem:s30+$0x200] =	vst v43;
	v40 =	vld.idx.msk [tilespmem:v51+s13+$0x0], $0xffff;
	v43 =	vadd.s32 v23, v32  }
0x15b: {  	v53 =	vadd.s32 v13, v35;
	v51 =	vld.idx.msk [tilespmem:v45+s13+$0x0], $0xffff;
	[tilespmem:s25+$0x680] =	vst v41  }
0x15c: {  	v41 =	vadd.s32 v22, v33;
	v54 =	vld.idx.msk [tilespmem:v50+s13+$0x0], $0xffff;
	[tilespmem:s24+$0xE00] =	vst v46  }
0x15d: {  	v46 =	vadd.s32 v6, v39;
	[tilespmem:s29+$0x280] =	vst v47;
	v55 =	vld.idx.msk [tilespmem:v49+s13+$0x0], $0xffff  }
0x15e: {  	v47 =	vadd.s32 v15, v34;
	[tilespmem:s21+$0xB00] =	vst v42;
	v48 =	vld.idx.msk [tilespmem:v44+s13+$0x0], $0xffff  }
.Ltmp1:
0x15f: {  	v50 =	vadd.s32 v30, v36;
	v44 =	vadd.s32 v30, v37;
	[tilespmem:s26+$0x600] =	vst v52;
	v45 =	vld.idx.msk [tilespmem:v43+s13+$0x0], $0xffff;
	(pc) =	sbr.rel @p1 .LBB2_5-.Ltmp1, $4  }
0x160: {  	v43 =	vld.idx.msk [tilespmem:v53+s13+$0x0], $0xffff;
	[tilespmem:s22+$0xA80] =	vst v40  }
0x161: {  	v49 =	vadd.s32 v24, v32;
	[tilespmem:s30+$0x280] =	vst v51;
	v41 =	vld.idx.msk [tilespmem:v41+s13+$0x0], $0xffff  }
0x162: {  	v42 =	vld.idx.msk [tilespmem:v46+s13+$0x0], $0xffff;
	v46 =	vadd.s32 v14, v35;
	[tilespmem:s25+$0x700] =	vst v54  }
0x163: {  	v40 =	vld.idx.msk [tilespmem:v47+s13+$0x0], $0xffff;
	v47 =	vadd.s32 v23, v33;
	[tilespmem:s24+$0xE80] =	vst v55  }
0x164: {  	_ =	sdelay $0x2  }
0x165: {  	[tilespmem:s23+$0xE80] =	vst v48  }
0x166: {  	v61 =	vld.idx.msk [tilespmem:v50+s13+$0x0], $0xffff;
	v62 =	vadd.s32 v7, v39;
	[tilespmem:s21+$0xB80] =	vst v45  }
0x167: {  	v52 =	vadd.s32 v16, v34;
	[tilespmem:s26+$0x680] =	vst v43;
	v63 =	vld.idx.msk [tilespmem:v49+s13+$0x0], $0xffff  }
0x168: {  	v36 =	vadd.s32 v31, v36;
	v44 =	vld.idx.msk [tilespmem:v44+s13+$0x0], $0xffff;
	[tilespmem:s22+$0xB00] =	vst v41  }
0x169: {  	v53 =	vadd.s32 v25, v32;
	v46 =	vld.idx.msk [tilespmem:v46+s13+$0x0], $0xffff;
	[tilespmem:s30+$0x300] =	vst v42  }
0x16a: {  	v57 =	vadd.s32 v31, v37;
	v54 =	vld.idx.msk [tilespmem:v47+s13+$0x0], $0xffff;
	[tilespmem:s25+$0x780] =	vst v40  }
0x16b: {  	v55 =	vadd.s32 v24, v33;
	v56 =	vld.idx.msk [tilespmem:v62+s13+$0x0], $0xffff;
	[tilespmem:s24+$0xF00] =	vst v61  }
0x16c: {  	v58 =	vadd.s32 v6, v38;
	v45 =	vld.idx.msk [tilespmem:v52+s13+$0x0], $0xffff;
	[tilespmem:s21+$0xC00] =	vst v63  }
0x16d: {  	[tilespmem:s23+$0xF00] =	vst v44;
	v40 =	vld.idx.msk [tilespmem:v36+s13+$0x0], $0xffff  }
0x16e: {  	v41 =	vld.idx.msk [tilespmem:v53+s13+$0x0], $0xffff;
	[tilespmem:s26+$0x700] =	vst v46  }
0x16f: {  	v36 =	vld.idx.msk [tilespmem:v57+s13+$0x0], $0xffff;
	[tilespmem:s22+$0xB80] =	vst v54  }
0x170: {  	v37 =	vld.idx.msk [tilespmem:v55+s13+$0x0], $0xffff;
	[tilespmem:s30+$0x380] =	vst v56  }
0x171: {  	v42 =	vld.idx.msk [tilespmem:v58+s13+$0x0], $0xffff  }
0x172: {  	v59 =	vadd.s32 v7, v38;
	_ =	sdelay $0x3  }
0x173: {  	[tilespmem:s29+$0x300] =	vst v42  }
0x174: {  	v60 =	vadd.s32 v8, v39;
	v43 =	vld.idx.msk [tilespmem:v59+s13+$0x0], $0xffff  }
0x175: {  	v61 =	vadd.s32 v8, v38;
	_ =	sdelay $0x3  }
0x176: {  	v42 =	vld.idx.msk [tilespmem:v60+s13+$0x0], $0xffff;
	[tilespmem:s29+$0x380] =	vst v43  }
0x177: {  	v62 =	vadd.s32 v9, v39;
	v44 =	vld.idx.msk [tilespmem:v61+s13+$0x0], $0xffff  }
0x178: {  	v63 =	vadd.s32 v9, v38;
	_ =	sdelay $0x2  }
0x179: {  	[tilespmem:s30+$0x400] =	vst v42  }
0x17a: {  	v42 =	vld.idx.msk [tilespmem:v62+s13+$0x0], $0xffff;
	[tilespmem:s29+$0x400] =	vst v44  }
0x17b: {  	v48 =	vadd.s32 v10, v39;
	v44 =	vld.idx.msk [tilespmem:v63+s13+$0x0], $0xffff  }
0x17c: {  	v49 =	vadd.s32 v10, v38;
	_ =	sdelay $0x2  }
0x17d: {  	[tilespmem:s30+$0x480] =	vst v42  }
0x17e: {  	v42 =	vld.idx.msk [tilespmem:v48+s13+$0x0], $0xffff;
	[tilespmem:s29+$0x480] =	vst v44  }
0x17f: {  	v50 =	vadd.s32 v11, v39;
	v44 =	vld.idx.msk [tilespmem:v49+s13+$0x0], $0xffff  }
0x180: {  	v51 =	vadd.s32 v11, v38;
	_ =	sdelay $0x2  }
0x181: {  	[tilespmem:s30+$0x500] =	vst v42  }
0x182: {  	v42 =	vld.idx.msk [tilespmem:v50+s13+$0x0], $0xffff;
	[tilespmem:s29+$0x500] =	vst v44  }
0x183: {  	v52 =	vadd.s32 v12, v39;
	v44 =	vld.idx.msk [tilespmem:v51+s13+$0x0], $0xffff  }
0x184: {  	v53 =	vadd.s32 v12, v38;
	_ =	sdelay $0x2  }
0x185: {  	[tilespmem:s30+$0x580] =	vst v42  }
0x186: {  	v42 =	vld.idx.msk [tilespmem:v52+s13+$0x0], $0xffff;
	[tilespmem:s29+$0x580] =	vst v44  }
0x187: {  	v54 =	vadd.s32 v13, v39;
	v44 =	vld.idx.msk [tilespmem:v53+s13+$0x0], $0xffff  }
0x188: {  	v55 =	vadd.s32 v13, v38;
	_ =	sdelay $0x2  }
0x189: {  	[tilespmem:s30+$0x600] =	vst v42  }
0x18a: {  	v42 =	vld.idx.msk [tilespmem:v54+s13+$0x0], $0xffff;
	[tilespmem:s29+$0x600] =	vst v44  }
0x18b: {  	v56 =	vadd.s32 v14, v39;
	v44 =	vld.idx.msk [tilespmem:v55+s13+$0x0], $0xffff  }
0x18c: {  	v57 =	vadd.s32 v14, v38;
	_ =	sdelay $0x2  }
0x18d: {  	v58 =	vadd.s32 v15, v35;
	[tilespmem:s30+$0x680] =	vst v42  }
0x18e: {  	v43 =	vld.idx.msk [tilespmem:v56+s13+$0x0], $0xffff;
	[tilespmem:s29+$0x680] =	vst v44  }
0x18f: {  	v59 =	vadd.s32 v15, v39;
	v46 =	vld.idx.msk [tilespmem:v57+s13+$0x0], $0xffff  }
0x190: {  	v60 =	vadd.s32 v15, v38;
	_ =	sdelay $0x1  }
0x191: {  	v42 =	vld.idx.msk [tilespmem:v58+s13+$0x0], $0xffff  }
0x192: {  	v61 =	vadd.s32 v16, v35;
	[tilespmem:s30+$0x700] =	vst v43  }
0x193: {  	v44 =	vld.idx.msk [tilespmem:v59+s13+$0x0], $0xffff;
	[tilespmem:s29+$0x700] =	vst v46  }
0x194: {  	v62 =	vadd.s32 v16, v39;
	v47 =	vld.idx.msk [tilespmem:v60+s13+$0x0], $0xffff  }
0x195: {  	v63 =	vadd.s32 v16, v38  }
0x196: {  	[tilespmem:s26+$0x780] =	vst v42  }
0x197: {  	v43 =	vld.idx.msk [tilespmem:v61+s13+$0x0], $0xffff  }
0x198: {  	v53 =	vadd.s32 v17, v35;
	[tilespmem:s30+$0x780] =	vst v44  }
0x199: {  	v52 =	vadd.s32 v17, v34;
	v46 =	vld.idx.msk [tilespmem:v62+s13+$0x0], $0xffff;
	[tilespmem:s29+$0x780] =	vst v47  }
0x19a: {  	v54 =	vadd.s32 v17, v39;
	v48 =	vld.idx.msk [tilespmem:v63+s13+$0x0], $0xffff  }
0x19b: {  	v55 =	vadd.s32 v17, v38  }
0x19c: {  	[tilespmem:s26+$0x800] =	vst v43  }
0x19d: {  	[tilespmem:s25+$0x800] =	vst v45;
	v44 =	vld.idx.msk [tilespmem:v53+s13+$0x0], $0xffff  }
0x19e: {  	v42 =	vld.idx.msk [tilespmem:v52+s13+$0x0], $0xffff;
	v57 =	vadd.s32 v18, v35;
	[tilespmem:s30+$0x800] =	vst v46  }
0x19f: {  	v56 =	vadd.s32 v18, v34;
	v46 =	vld.idx.msk [tilespmem:v54+s13+$0x0], $0xffff;
	[tilespmem:s29+$0x800] =	vst v48  }
0x1a0: {  	v58 =	vadd.s32 v18, v39;
	v48 =	vld.idx.msk [tilespmem:v55+s13+$0x0], $0xffff  }
0x1a1: {  	v59 =	vadd.s32 v18, v38  }
0x1a2: {  	[tilespmem:s26+$0x880] =	vst v44  }
0x1a3: {  	[tilespmem:s25+$0x880] =	vst v42;
	v44 =	vld.idx.msk [tilespmem:v57+s13+$0x0], $0xffff  }
0x1a4: {  	v61 =	vadd.s32 v19, v35;
	v42 =	vld.idx.msk [tilespmem:v56+s13+$0x0], $0xffff;
	[tilespmem:s30+$0x880] =	vst v46  }
0x1a5: {  	v60 =	vadd.s32 v19, v34;
	v46 =	vld.idx.msk [tilespmem:v58+s13+$0x0], $0xffff;
	[tilespmem:s29+$0x880] =	vst v48  }
0x1a6: {  	v62 =	vadd.s32 v19, v39;
	v48 =	vld.idx.msk [tilespmem:v59+s13+$0x0], $0xffff  }
0x1a7: {  	v63 =	vadd.s32 v19, v38  }
0x1a8: {  	[tilespmem:s26+$0x900] =	vst v44  }
0x1a9: {  	[tilespmem:s25+$0x900] =	vst v42;
	v44 =	vld.idx.msk [tilespmem:v61+s13+$0x0], $0xffff  }
0x1aa: {  	v53 =	vadd.s32 v20, v35;
	v42 =	vld.idx.msk [tilespmem:v60+s13+$0x0], $0xffff;
	[tilespmem:s30+$0x900] =	vst v46  }
0x1ab: {  	v52 =	vadd.s32 v20, v34;
	v46 =	vld.idx.msk [tilespmem:v62+s13+$0x0], $0xffff;
	[tilespmem:s29+$0x900] =	vst v48  }
0x1ac: {  	v54 =	vadd.s32 v20, v39;
	v48 =	vld.idx.msk [tilespmem:v63+s13+$0x0], $0xffff  }
0x1ad: {  	v55 =	vadd.s32 v20, v38  }
0x1ae: {  	[tilespmem:s26+$0x980] =	vst v44  }
0x1af: {  	[tilespmem:s25+$0x980] =	vst v42;
	v44 =	vld.idx.msk [tilespmem:v53+s13+$0x0], $0xffff  }
0x1b0: {  	v57 =	vadd.s32 v21, v35;
	v42 =	vld.idx.msk [tilespmem:v52+s13+$0x0], $0xffff;
	[tilespmem:s30+$0x980] =	vst v46  }
0x1b1: {  	v56 =	vadd.s32 v21, v34;
	v46 =	vld.idx.msk [tilespmem:v54+s13+$0x0], $0xffff;
	[tilespmem:s29+$0x980] =	vst v48  }
0x1b2: {  	v58 =	vadd.s32 v21, v39;
	v48 =	vld.idx.msk [tilespmem:v55+s13+$0x0], $0xffff  }
0x1b3: {  	v59 =	vadd.s32 v21, v38  }
0x1b4: {  	[tilespmem:s26+$0xA00] =	vst v44  }
0x1b5: {  	[tilespmem:s25+$0xA00] =	vst v42;
	v44 =	vld.idx.msk [tilespmem:v57+s13+$0x0], $0xffff  }
0x1b6: {  	v61 =	vadd.s32 v22, v35;
	v42 =	vld.idx.msk [tilespmem:v56+s13+$0x0], $0xffff;
	[tilespmem:s30+$0xA00] =	vst v46  }
0x1b7: {  	v60 =	vadd.s32 v22, v34;
	v46 =	vld.idx.msk [tilespmem:v58+s13+$0x0], $0xffff;
	[tilespmem:s29+$0xA00] =	vst v48  }
0x1b8: {  	v62 =	vadd.s32 v22, v39;
	v48 =	vld.idx.msk [tilespmem:v59+s13+$0x0], $0xffff  }
0x1b9: {  	v63 =	vadd.s32 v22, v38  }
0x1ba: {  	[tilespmem:s26+$0xA80] =	vst v44  }
0x1bb: {  	[tilespmem:s25+$0xA80] =	vst v42;
	v44 =	vld.idx.msk [tilespmem:v61+s13+$0x0], $0xffff  }
0x1bc: {  	v53 =	vadd.s32 v23, v35;
	v42 =	vld.idx.msk [tilespmem:v60+s13+$0x0], $0xffff;
	[tilespmem:s30+$0xA80] =	vst v46  }
0x1bd: {  	v52 =	vadd.s32 v23, v34;
	v46 =	vld.idx.msk [tilespmem:v62+s13+$0x0], $0xffff;
	[tilespmem:s29+$0xA80] =	vst v48  }
0x1be: {  	v54 =	vadd.s32 v23, v39;
	v48 =	vld.idx.msk [tilespmem:v63+s13+$0x0], $0xffff  }
0x1bf: {  	v55 =	vadd.s32 v23, v38  }
0x1c0: {  	[tilespmem:s26+$0xB00] =	vst v44  }
0x1c1: {  	[tilespmem:s25+$0xB00] =	vst v42;
	v44 =	vld.idx.msk [tilespmem:v53+s13+$0x0], $0xffff  }
0x1c2: {  	v57 =	vadd.s32 v24, v35;
	v42 =	vld.idx.msk [tilespmem:v52+s13+$0x0], $0xffff;
	[tilespmem:s30+$0xB00] =	vst v46  }
0x1c3: {  	v56 =	vadd.s32 v24, v34;
	v46 =	vld.idx.msk [tilespmem:v54+s13+$0x0], $0xffff;
	[tilespmem:s29+$0xB00] =	vst v48  }
0x1c4: {  	v58 =	vadd.s32 v24, v39;
	v48 =	vld.idx.msk [tilespmem:v55+s13+$0x0], $0xffff  }
0x1c5: {  	[tilespmem:s24+$0xF80] =	vst v40;
	v59 =	vadd.s32 v24, v38  }
0x1c6: {  	[tilespmem:s26+$0xB80] =	vst v44  }
0x1c7: {  	v60 =	vadd.s32 v25, v33;
	[tilespmem:s25+$0xB80] =	vst v42;
	v45 =	vld.idx.msk [tilespmem:v57+s13+$0x0], $0xffff  }
0x1c8: {  	v43 =	vld.idx.msk [tilespmem:v56+s13+$0x0], $0xffff;
	v62 =	vadd.s32 v25, v35;
	[tilespmem:s30+$0xB80] =	vst v46  }
0x1c9: {  	v61 =	vadd.s32 v25, v34;
	v47 =	vld.idx.msk [tilespmem:v58+s13+$0x0], $0xffff;
	[tilespmem:s29+$0xB80] =	vst v48  }
0x1ca: {  	[tilespmem:s21+$0xC80] =	vst v41;
	v63 =	vadd.s32 v25, v39;
	v41 =	vld.idx.msk [tilespmem:v59+s13+$0x0], $0xffff  }
0x1cb: {  	[tilespmem:s22+$0xC00] =	vst v37;
	v52 =	vadd.s32 v25, v38  }
0x1cc: {  	v53 =	vadd.s32 v26, v32;
	v42 =	vld.idx.msk [tilespmem:v60+s13+$0x0], $0xffff;
	[tilespmem:s26+$0xC00] =	vst v45  }
0x1cd: {  	[tilespmem:s25+$0xC00] =	vst v43;
	v54 =	vadd.s32 v26, v33;
	v46 =	vld.idx.msk [tilespmem:v62+s13+$0x0], $0xffff  }
0x1ce: {  	v56 =	vadd.s32 v26, v35;
	v44 =	vld.idx.msk [tilespmem:v61+s13+$0x0], $0xffff;
	[tilespmem:s30+$0xC00] =	vst v47  }
0x1cf: {  	v55 =	vadd.s32 v26, v34;
	v40 =	vld.idx.msk [tilespmem:v63+s13+$0x0], $0xffff;
	[tilespmem:s29+$0xC00] =	vst v41  }
0x1d0: {  	[tilespmem:s23+$0xF80] =	vst v36;
	v57 =	vadd.s32 v26, v39;
	v37 =	vld.idx.msk [tilespmem:v52+s13+$0x0], $0xffff  }
0x1d1: {  	[tilespmem:s22+$0xC80] =	vst v42;
	v58 =	vld.idx.msk [tilespmem:v53+s13+$0x0], $0xffff;
	v59 =	vadd.s32 v26, v38  }
0x1d2: {  	v60 =	vadd.s32 v27, v32;
	v43 =	vld.idx.msk [tilespmem:v54+s13+$0x0], $0xffff;
	[tilespmem:s26+$0xC80] =	vst v46  }
0x1d3: {  	v61 =	vadd.s32 v27, v33;
	[tilespmem:s25+$0xC80] =	vst v44;
	v47 =	vld.idx.msk [tilespmem:v56+s13+$0x0], $0xffff  }
0x1d4: {  	v45 =	vld.idx.msk [tilespmem:v55+s13+$0x0], $0xffff;
	v63 =	vadd.s32 v27, v35;
	[tilespmem:s30+$0xC80] =	vst v40  }
0x1d5: {  	v62 =	vadd.s32 v27, v34;
	v36 =	vld.idx.msk [tilespmem:v57+s13+$0x0], $0xffff;
	[tilespmem:s29+$0xC80] =	vst v37  }
0x1d6: {  	[tilespmem:s21+$0xD00] =	vst v58;
	v52 =	vadd.s32 v27, v39;
	v53 =	vld.idx.msk [tilespmem:v59+s13+$0x0], $0xffff  }
0x1d7: {  	[tilespmem:s22+$0xD00] =	vst v43;
	v54 =	vld.idx.msk [tilespmem:v60+s13+$0x0], $0xffff;
	v55 =	vadd.s32 v27, v38  }
0x1d8: {  	v44 =	vld.idx.msk [tilespmem:v61+s13+$0x0], $0xffff;
	v56 =	vadd.s32 v28, v32;
	[tilespmem:s26+$0xD00] =	vst v47  }
0x1d9: {  	[tilespmem:s25+$0xD00] =	vst v45;
	v40 =	vld.idx.msk [tilespmem:v63+s13+$0x0], $0xffff;
	v57 =	vadd.s32 v28, v33  }
0x1da: {  	v46 =	vld.idx.msk [tilespmem:v62+s13+$0x0], $0xffff;
	[tilespmem:s30+$0xD00] =	vst v36;
	v59 =	vadd.s32 v28, v35  }
0x1db: {  	v58 =	vadd.s32 v28, v34;
	v37 =	vld.idx.msk [tilespmem:v52+s13+$0x0], $0xffff;
	[tilespmem:s29+$0xD00] =	vst v53  }
0x1dc: {  	v60 =	vadd.s32 v28, v39;
	[tilespmem:s21+$0xD80] =	vst v54;
	v41 =	vld.idx.msk [tilespmem:v55+s13+$0x0], $0xffff  }
0x1dd: {  	[tilespmem:s22+$0xD80] =	vst v44;
	v61 =	vld.idx.msk [tilespmem:v56+s13+$0x0], $0xffff;
	v62 =	vadd.s32 v28, v38  }
0x1de: {  	v63 =	vadd.s32 v29, v32;
	[tilespmem:s26+$0xD80] =	vst v40;
	v45 =	vld.idx.msk [tilespmem:v57+s13+$0x0], $0xffff  }
0x1df: {  	v51 =	vadd.s32 v29, v33;
	[tilespmem:s25+$0xD80] =	vst v46;
	v36 =	vld.idx.msk [tilespmem:v59+s13+$0x0], $0xffff  }
0x1e0: {  	v54 =	vadd.s32 v29, v35;
	v52 =	vld.idx.msk [tilespmem:v58+s13+$0x0], $0xffff;
	[tilespmem:s30+$0xD80] =	vst v37  }
0x1e1: {  	v53 =	vadd.s32 v29, v34;
	v55 =	vld.idx.msk [tilespmem:v60+s13+$0x0], $0xffff;
	[tilespmem:s29+$0xD80] =	vst v41  }
0x1e2: {  	[tilespmem:s21+$0xE00] =	vst v61;
	v57 =	vadd.s32 v29, v39;
	v56 =	vld.idx.msk [tilespmem:v62+s13+$0x0], $0xffff  }
0x1e3: {  	v58 =	vld.idx.msk [tilespmem:v63+s13+$0x0], $0xffff;
	[tilespmem:s22+$0xE00] =	vst v45;
	v59 =	vadd.s32 v29, v38  }
0x1e4: {  	v46 =	vld.idx.msk [tilespmem:v51+s13+$0x0], $0xffff;
	v60 =	vadd.s32 v30, v32;
	[tilespmem:s26+$0xE00] =	vst v36  }
0x1e5: {  	v61 =	vadd.s32 v30, v33;
	[tilespmem:s25+$0xE00] =	vst v52;
	v37 =	vld.idx.msk [tilespmem:v54+s13+$0x0], $0xffff  }
0x1e6: {  	v49 =	vadd.s32 v30, v35;
	[tilespmem:s30+$0xE00] =	vst v55;
	v62 =	vld.idx.msk [tilespmem:v53+s13+$0x0], $0xffff  }
0x1e7: {  	v63 =	vadd.s32 v30, v34;
	v50 =	vld.idx.msk [tilespmem:v57+s13+$0x0], $0xffff;
	[tilespmem:s29+$0xE00] =	vst v56  }
0x1e8: {  	[tilespmem:s21+$0xE80] =	vst v58;
	v52 =	vadd.s32 v30, v39;
	v51 =	vld.idx.msk [tilespmem:v59+s13+$0x0], $0xffff  }
0x1e9: {  	[tilespmem:s22+$0xE80] =	vst v46;
	v54 =	vadd.s32 v30, v38;
	v53 =	vld.idx.msk [tilespmem:v60+s13+$0x0], $0xffff  }
0x1ea: {  	v40 =	vld.idx.msk [tilespmem:v61+s13+$0x0], $0xffff;
	v55 =	vadd.s32 v31, v32;
	[tilespmem:s26+$0xE80] =	vst v37  }
0x1eb: {  	[tilespmem:s25+$0xE80] =	vst v62;
	v56 =	vadd.s32 v31, v33;
	v37 =	vld.idx.msk [tilespmem:v49+s13+$0x0], $0xffff  }
0x1ec: {  	v58 =	vadd.s32 v31, v35;
	[tilespmem:s30+$0xE80] =	vst v50;
	v36 =	vld.idx.msk [tilespmem:v63+s13+$0x0], $0xffff  }
0x1ed: {  	v57 =	vadd.s32 v31, v34;
	v59 =	vld.idx.msk [tilespmem:v52+s13+$0x0], $0xffff;
	[tilespmem:s29+$0xE80] =	vst v51  }
0x1ee: {  	v61 =	vadd.s32 v31, v39;
	[tilespmem:s21+$0xF00] =	vst v53;
	v60 =	vld.idx.msk [tilespmem:v54+s13+$0x0], $0xffff  }
0x1ef: {  	[tilespmem:s22+$0xF00] =	vst v40;
	v62 =	vadd.s32 v31, v38;
	v32 =	vld.idx.msk [tilespmem:v55+s13+$0x0], $0xffff  }
0x1f0: {  	v33 =	vld.idx.msk [tilespmem:v56+s13+$0x0], $0xffff;
	[tilespmem:s26+$0xF00] =	vst v37  }
0x1f1: {  	[tilespmem:s25+$0xF00] =	vst v36;
	v35 =	vld.idx.msk [tilespmem:v58+s13+$0x0], $0xffff  }
0x1f2: {  	[tilespmem:s30+$0xF00] =	vst v59;
	v34 =	vld.idx.msk [tilespmem:v57+s13+$0x0], $0xffff  }
0x1f3: {  	v63 =	vld.idx.msk [tilespmem:v61+s13+$0x0], $0xffff;
	[tilespmem:s29+$0xF00] =	vst v60  }
0x1f4: {  	[tilespmem:s21+$0xF80] =	vst v32;
	v38 =	vld.idx.msk [tilespmem:v62+s13+$0x0], $0xffff  }
0x1f5: {  	[tilespmem:s22+$0xF80] =	vst v33  }
0x1f6: {  	s0 =	sshll.u32 s20, $0x13;
	[tilespmem:s26+$0xF80] =	vst v35  }
0x1f7: {  	s0 =	sor.u32 s4, s0;
	[tilespmem:s25+$0xF80] =	vst v34  }
0x1f8: {  	s3 =	simm.s32 $0x0;
	s0 =	sshrl.u32 s0, $0x3;
	[tilespmem:s30+$0xF80] =	vst v63  }
0x1f9: {  	s5 =	simm.s32 $0x0;
	s0 =	sadd.s32 s1, s0;
	s21 =	sshllo.u32 s20, $0x1;
	[tilespmem:s29+$0xF80] =	vst v38  }
0x1fa: {  	[hbm4b:s0+s8] =	stream.strided.scatter [tilespmem:s14], [sflag:$0x1], $0x2000, s9, s8, $0x38;
	[tilespmem:$0xE880] =	vst v63  }
0x1fb: {  	s24 =	sand.u32 $0x3FFFFF80, s5;
	s2 =	sshll.u32 s21, $0x8;
	s0 =	simm.s32 @!p0 $0x2  }
0x1fc: {  	s3 =	sand.u32 $0x60, s3;
	s29 =	sand.u32 $0x3FFFFF00, s2;
	_ =	swait.ge @!p0 [sflag:s0], $0x2000  }
0x1fd: {  	s25 =	sor.u32 $0x10, s3;
	s2 =	sadd.s32 s24, s29;
	[sflag:s0] =	ssyncset.done @!p0 $0x0  }
0x1fe: {  	s26 =	sadd.s32 s25, s2;
	[sflag:s0] =	ssyncadd.s32 @!p0 $0xFFFFE000  }
0x1ff: {  	v39 =	vld [tilespmem:s26+$0x0];
	_ =	sdelay $0x3  }
0x200: {  	s2 =	sadd.s32 s3, s2  }
0x201: {  	v40 =	vld [tilespmem:s2+$0x0];
	vm0 =	vgt.s32 v39, $0x0  }
0x202: {  	v32 =	vnsel vm0, $0x0, v39  }
0x203: {  	v35 =	vmin.u32 v32, $0x1F  }
0x204: {  	v41 =	vadd.s32 v0, v35;
	_ =	sdelay $0x1  }
0x205: {  	vm9 =	vgt.s32 v40, $0x0  }
0x206: {  	v32 =	vnsel vm9, $0x0, v40  }
0x207: {  	v34 =	vmin.u32 v32, $0x1F  }
0x208: {  	v32 =	vadd.s32 v0, v34;
	v33 =	vld.idx.msk [tilespmem:v41+s13+$0x0], $0xffff  }
0x209: {  	s6 =	simm.s32 $0x0;
	v42 =	vadd.s32 v1, v35  }
0x20a: {  	s0 =	sand.u32 $0x3FFFF000, s6  }
0x20b: {  	s0 =	sadd.s32 $0xC880, s0  }
0x20c: {  	s25 =	sor.u32 s25, s0  }
0x20d: {  	v32 =	vld.idx.msk [tilespmem:v32+s13+$0x0], $0xffff;
	[tilespmem:s25+$0x0] =	vst v33  }
0x20e: {  	v44 =	vadd.s32 v1, v34;
	v33 =	vld.idx.msk [tilespmem:v42+s13+$0x0], $0xffff  }
0x20f: {  	v43 =	vadd.s32 v2, v35;
	_ =	sdelay $0x1  }
0x210: {  	s24 =	sor.u32 s3, s0  }
0x211: {  	[tilespmem:s24+$0x0] =	vst v32  }
0x212: {  	v46 =	vld.idx.msk [tilespmem:v44+s13+$0x0], $0xffff;
	[tilespmem:s25+$0x80] =	vst v33  }
0x213: {  	v47 =	vadd.s32 v2, v34;
	v33 =	vld.idx.msk [tilespmem:v43+s13+$0x0], $0xffff  }
0x214: {  	v45 =	vadd.s32 v3, v35;
	_ =	sdelay $0x2  }
0x215: {  	[tilespmem:s24+$0x80] =	vst v46  }
0x216: {  	v36 =	vld.idx.msk [tilespmem:v47+s13+$0x0], $0xffff;
	[tilespmem:s25+$0x100] =	vst v33  }
0x217: {  	v49 =	vadd.s32 v3, v34;
	v32 =	vld.idx.msk [tilespmem:v45+s13+$0x0], $0xffff  }
0x218: {  	v48 =	vadd.s32 v4, v35;
	_ =	sdelay $0x2  }
0x219: {  	[tilespmem:s24+$0x100] =	vst v36  }
0x21a: {  	v36 =	vld.idx.msk [tilespmem:v49+s13+$0x0], $0xffff;
	[tilespmem:s25+$0x180] =	vst v32  }
0x21b: {  	v51 =	vadd.s32 v4, v34;
	v32 =	vld.idx.msk [tilespmem:v48+s13+$0x0], $0xffff  }
0x21c: {  	v50 =	vadd.s32 v5, v35;
	_ =	sdelay $0x2  }
0x21d: {  	[tilespmem:s24+$0x180] =	vst v36  }
0x21e: {  	v36 =	vld.idx.msk [tilespmem:v51+s13+$0x0], $0xffff;
	[tilespmem:s25+$0x200] =	vst v32  }
0x21f: {  	v53 =	vadd.s32 v5, v34;
	v32 =	vld.idx.msk [tilespmem:v50+s13+$0x0], $0xffff  }
0x220: {  	v52 =	vadd.s32 v6, v35;
	_ =	sdelay $0x2  }
0x221: {  	[tilespmem:s24+$0x200] =	vst v36  }
0x222: {  	v36 =	vld.idx.msk [tilespmem:v53+s13+$0x0], $0xffff;
	[tilespmem:s25+$0x280] =	vst v32  }
0x223: {  	s7 =	simm.s32 $0x20;
	s10 =	simm.s32 $0x20;
	v55 =	vadd.s32 v6, v34;
	v32 =	vld.idx.msk [tilespmem:v52+s13+$0x0], $0xffff  }
0x224: {  	s2 =	sand.u32 $0x60, s10;
	s0 =	sand.u32 $0x3FFFFF80, s7;
	v54 =	vadd.s32 v7, v35  }
0x225: {  	s22 =	sor.u32 $0x10, s2;
	s0 =	sadd.s32 s0, s29  }
0x226: {  	s23 =	sadd.s32 s22, s0  }
0x227: {  	v56 =	vld [tilespmem:s23+$0x0];
	[tilespmem:s24+$0x280] =	vst v36  }
0x228: {  	v36 =	vld.idx.msk [tilespmem:v55+s13+$0x0], $0xffff;
	[tilespmem:s25+$0x300] =	vst v32  }
0x229: {  	v32 =	vld.idx.msk [tilespmem:v54+s13+$0x0], $0xffff  }
0x22a: {  	v58 =	vadd.s32 v7, v34;
	_ =	sdelay $0x1  }
0x22b: {  	v57 =	vadd.s32 v8, v35;
	vm10 =	vgt.s32 v56, $0x0  }
0x22c: {  	s0 =	sadd.s32 s2, s0;
	v38 =	vnsel vm10, $0x0, v56;
	[tilespmem:s24+$0x300] =	vst v36  }
0x22d: {  	v59 =	vld [tilespmem:s0+$0x0];
	[tilespmem:s25+$0x380] =	vst v32;
	v32 =	vmin.u32 v38, $0x1F  }
0x22e: {  	v36 =	vld.idx.msk [tilespmem:v58+s13+$0x0], $0xffff;
	v38 =	vadd.s32 v0, v32  }
0x22f: {  	v61 =	vadd.s32 v8, v34  }
0x230: {  	v33 =	vld.idx.msk [tilespmem:v57+s13+$0x0], $0xffff  }
0x231: {  	v60 =	vadd.s32 v9, v35;
	_ =	sdelay $0x1  }
0x232: {  	vm11 =	vgt.s32 v59, $0x0;
	[tilespmem:s24+$0x380] =	vst v36;
	v38 =	vld.idx.msk [tilespmem:v38+s13+$0x0], $0xffff  }
0x233: {  	s26 =	simm.s32 $0x400;
	v62 =	vnsel vm11, $0x0, v59;
	v45 =	vadd.s32 v1, v32;
	v37 =	vld.idx.msk [tilespmem:v61+s13+$0x0], $0xffff  }
0x234: {  	s0 =	sand.u32 $0x3FFFF000, s26;
	v48 =	vadd.s32 v9, v34;
	[tilespmem:s25+$0x400] =	vst v33;
	v33 =	vmin.u32 v62, $0x1F  }
0x235: {  	s0 =	sadd.s32 $0xC880, s0;
	v63 =	vld.idx.msk [tilespmem:v60+s13+$0x0], $0xffff;
	v47 =	vadd.s32 v0, v33  }
0x236: {  	s22 =	sor.u32 s22, s0;
	v46 =	vadd.s32 v10, v35  }
0x237: {  	[tilespmem:s22+$0x0] =	vst v38  }
0x238: {  	[tilespmem:s24+$0x400] =	vst v37;
	v38 =	vld.idx.msk [tilespmem:v45+s13+$0x0], $0xffff  }
0x239: {  	v49 =	vadd.s32 v2, v32;
	v42 =	vld.idx.msk [tilespmem:v48+s13+$0x0], $0xffff  }
0x23a: {  	v52 =	vadd.s32 v10, v34;
	[tilespmem:s25+$0x480] =	vst v63;
	v36 =	vld.idx.msk [tilespmem:v47+s13+$0x0], $0xffff  }
0x23b: {  	v51 =	vadd.s32 v1, v33;
	v39 =	vld.idx.msk [tilespmem:v46+s13+$0x0], $0xffff  }
0x23c: {  	v50 =	vadd.s32 v11, v35  }
0x23d: {  	[tilespmem:s22+$0x80] =	vst v38  }
0x23e: {  	s23 =	sor.u32 s2, s0;
	[tilespmem:s24+$0x480] =	vst v42;
	v38 =	vld.idx.msk [tilespmem:v49+s13+$0x0], $0xffff  }
0x23f: {  	v54 =	vadd.s32 v3, v32;
	v42 =	vld.idx.msk [tilespmem:v52+s13+$0x0], $0xffff;
	[tilespmem:s23+$0x0] =	vst v36  }
0x240: {  	v57 =	vadd.s32 v11, v34;
	[tilespmem:s25+$0x500] =	vst v39;
	v37 =	vld.idx.msk [tilespmem:v51+s13+$0x0], $0xffff  }
0x241: {  	v56 =	vadd.s32 v2, v33;
	v53 =	vld.idx.msk [tilespmem:v50+s13+$0x0], $0xffff  }
0x242: {  	v55 =	vadd.s32 v12, v35  }
0x243: {  	[tilespmem:s22+$0x100] =	vst v38  }
0x244: {  	[tilespmem:s24+$0x500] =	vst v42;
	v38 =	vld.idx.msk [tilespmem:v54+s13+$0x0], $0xffff  }
0x245: {  	v58 =	vadd.s32 v4, v32;
	v42 =	vld.idx.msk [tilespmem:v57+s13+$0x0], $0xffff;
	[tilespmem:s23+$0x80] =	vst v37  }
0x246: {  	v62 =	vadd.s32 v12, v34;
	[tilespmem:s25+$0x580] =	vst v53;
	v59 =	vld.idx.msk [tilespmem:v56+s13+$0x0], $0xffff  }
0x247: {  	v61 =	vadd.s32 v3, v33;
	v36 =	vld.idx.msk [tilespmem:v55+s13+$0x0], $0xffff  }
0x248: {  	v60 =	vadd.s32 v13, v35  }
0x249: {  	[tilespmem:s22+$0x180] =	vst v38  }
0x24a: {  	[tilespmem:s24+$0x580] =	vst v42;
	v37 =	vld.idx.msk [tilespmem:v58+s13+$0x0], $0xffff  }
0x24b: {  	v63 =	vadd.s32 v5, v32;
	v42 =	vld.idx.msk [tilespmem:v62+s13+$0x0], $0xffff;
	[tilespmem:s23+$0x100] =	vst v59  }
0x24c: {  	v47 =	vadd.s32 v13, v34;
	[tilespmem:s25+$0x600] =	vst v36;
	v39 =	vld.idx.msk [tilespmem:v61+s13+$0x0], $0xffff  }
0x24d: {  	v46 =	vadd.s32 v4, v33;
	v36 =	vld.idx.msk [tilespmem:v60+s13+$0x0], $0xffff  }
0x24e: {  	v45 =	vadd.s32 v14, v35  }
0x24f: {  	[tilespmem:s22+$0x200] =	vst v37  }
0x250: {  	[tilespmem:s24+$0x600] =	vst v42;
	v37 =	vld.idx.msk [tilespmem:v63+s13+$0x0], $0xffff  }
0x251: {  	s3 =	simm.s32 $0x40;
	s2 =	simm.s32 $0x40;
	v48 =	vadd.s32 v6, v32;
	v42 =	vld.idx.msk [tilespmem:v47+s13+$0x0], $0xffff;
	[tilespmem:s23+$0x180] =	vst v39  }
0x252: {  	s0 =	sand.u32 $0x60, s3;
	s5 =	sand.u32 $0x3FFFFF80, s2;
	v51 =	vadd.s32 v14, v34;
	[tilespmem:s25+$0x680] =	vst v36;
	v39 =	vld.idx.msk [tilespmem:v46+s13+$0x0], $0xffff  }
0x253: {  	s7 =	sor.u32 $0x10, s0;
	s6 =	sadd.s32 s5, s29;
	v50 =	vadd.s32 v5, v33;
	v36 =	vld.idx.msk [tilespmem:v45+s13+$0x0], $0xffff  }
0x254: {  	s10 =	sadd.s32 s7, s6;
	v49 =	vadd.s32 v15, v35  }
0x255: {  	v55 =	vld [tilespmem:s10+$0x0];
	[tilespmem:s22+$0x280] =	vst v37  }
0x256: {  	[tilespmem:s24+$0x680] =	vst v42;
	v37 =	vld.idx.msk [tilespmem:v48+s13+$0x0], $0xffff  }
0x257: {  	v52 =	vadd.s32 v7, v32;
	v54 =	vld.idx.msk [tilespmem:v51+s13+$0x0], $0xffff;
	[tilespmem:s23+$0x200] =	vst v39  }
0x258: {  	v56 =	vadd.s32 v15, v34;
	[tilespmem:s25+$0x700] =	vst v36;
	v39 =	vld.idx.msk [tilespmem:v50+s13+$0x0], $0xffff  }
0x259: {  	s2 =	sadd.s32 s0, s6;
	v58 =	vadd.s32 v6, v33;
	v36 =	vld.idx.msk [tilespmem:v49+s13+$0x0], $0xffff  }
0x25a: {  	v57 =	vld [tilespmem:s2+$0x0];
	v53 =	vadd.s32 v16, v35  }
0x25b: {  	[tilespmem:s22+$0x300] =	vst v37  }
0x25c: {  	[tilespmem:s24+$0x700] =	vst v54;
	v59 =	vld.idx.msk [tilespmem:v52+s13+$0x0], $0xffff  }
0x25d: {  	v61 =	vadd.s32 v8, v32;
	v63 =	vld.idx.msk [tilespmem:v56+s13+$0x0], $0xffff;
	[tilespmem:s23+$0x280] =	vst v39  }
0x25e: {  	vm12 =	vgt.s32 v55, $0x0;
	v49 =	vadd.s32 v16, v34;
	[tilespmem:s25+$0x780] =	vst v36;
	v48 =	vld.idx.msk [tilespmem:v58+s13+$0x0], $0xffff  }
0x25f: {  	vm13 =	vgt.s32 v57, $0x0;
	v42 =	vnsel vm12, $0x0, v55;
	v50 =	vadd.s32 v7, v33;
	v60 =	vld.idx.msk [tilespmem:v53+s13+$0x0], $0xffff  }
0x260: {  	v62 =	vadd.s32 v17, v35;
	v37 =	vnsel vm13, $0x0, v57;
	v36 =	vmin.u32 v42, $0x1F  }
0x261: {  	v37 =	vmin.u32 v37, $0x1F;
	v52 =	vadd.s32 v0, v36;
	[tilespmem:s22+$0x380] =	vst v59  }
0x262: {  	[tilespmem:s24+$0x780] =	vst v63;
	v55 =	vadd.s32 v0, v37;
	v51 =	vld.idx.msk [tilespmem:v61+s13+$0x0], $0xffff  }
0x263: {  	v53 =	vadd.s32 v9, v32;
	v56 =	vld.idx.msk [tilespmem:v49+s13+$0x0], $0xffff;
	[tilespmem:s23+$0x300] =	vst v48  }
0x264: {  	v57 =	vadd.s32 v17, v34;
	[tilespmem:s25+$0x800] =	vst v60;
	v42 =	vld.idx.msk [tilespmem:v50+s13+$0x0], $0xffff  }
0x265: {  	v59 =	vadd.s32 v8, v33;
	v41 =	vld.idx.msk [tilespmem:v62+s13+$0x0], $0xffff  }
0x266: {  	v54 =	vadd.s32 v18, v35;
	v58 =	vld.idx.msk [tilespmem:v52+s13+$0x0], $0xffff  }
0x267: {  	v46 =	vld.idx.msk [tilespmem:v55+s13+$0x0], $0xffff;
	[tilespmem:s22+$0x400] =	vst v51  }
0x268: {  	s26 =	simm.s32 $0x800;
	v61 =	vadd.s32 v1, v36;
	[tilespmem:s24+$0x800] =	vst v56;
	v60 =	vld.idx.msk [tilespmem:v53+s13+$0x0], $0xffff  }
0x269: {  	s2 =	sand.u32 $0x3FFFF000, s26;
	v52 =	vadd.s32 v1, v37;
	[tilespmem:s23+$0x380] =	vst v42;
	v53 =	vld.idx.msk [tilespmem:v57+s13+$0x0], $0xffff  }
0x26a: {  	s2 =	sadd.s32 $0xC880, s2;
	v62 =	vadd.s32 v10, v32;
	[tilespmem:s25+$0x880] =	vst v41;
	v40 =	vld.idx.msk [tilespmem:v59+s13+$0x0], $0xffff  }
0x26b: {  	s26 =	sor.u32 s7, s2;
	v39 =	vld.idx.msk [tilespmem:v54+s13+$0x0], $0xffff;
	v54 =	vadd.s32 v18, v34  }
0x26c: {  	s28 =	sor.u32 s0, s2;
	v56 =	vadd.s32 v9, v33;
	[tilespmem:s26+$0x0] =	vst v58  }
0x26d: {  	v63 =	vadd.s32 v19, v35;
	[tilespmem:s28+$0x0] =	vst v46;
	v55 =	vld.idx.msk [tilespmem:v61+s13+$0x0], $0xffff  }
0x26e: {  	v57 =	vadd.s32 v2, v36;
	v46 =	vld.idx.msk [tilespmem:v52+s13+$0x0], $0xffff;
	[tilespmem:s22+$0x480] =	vst v60  }
0x26f: {  	[tilespmem:s24+$0x880] =	vst v53;
	v60 =	vadd.s32 v2, v37;
	v41 =	vld.idx.msk [tilespmem:v62+s13+$0x0], $0xffff  }
0x270: {  	v58 =	vadd.s32 v11, v32;
	[tilespmem:s23+$0x400] =	vst v40;
	v38 =	vld.idx.msk [tilespmem:v54+s13+$0x0], $0xffff  }
0x271: {  	v61 =	vadd.s32 v19, v34;
	[tilespmem:s25+$0x900] =	vst v39;
	v40 =	vld.idx.msk [tilespmem:v56+s13+$0x0], $0xffff  }
0x272: {  	[tilespmem:s26+$0x80] =	vst v55;
	v43 =	vld.idx.msk [tilespmem:v63+s13+$0x0], $0xffff;
	v63 =	vadd.s32 v10, v33  }
0x273: {  	v59 =	vadd.s32 v20, v35;
	[tilespmem:s28+$0x80] =	vst v46;
	v62 =	vld.idx.msk [tilespmem:v57+s13+$0x0], $0xffff  }
0x274: {  	v52 =	vadd.s32 v3, v36;
	v46 =	vld.idx.msk [tilespmem:v60+s13+$0x0], $0xffff;
	[tilespmem:s22+$0x500] =	vst v41  }
0x275: {  	v55 =	vadd.s32 v3, v37;
	[tilespmem:s24+$0x900] =	vst v38;
	v39 =	vld.idx.msk [tilespmem:v58+s13+$0x0], $0xffff  }
0x276: {  	v53 =	vadd.s32 v12, v32;
	[tilespmem:s23+$0x480] =	vst v40;
	v56 =	vld.idx.msk [tilespmem:v61+s13+$0x0], $0xffff  }
0x277: {  	[tilespmem:s25+$0x980] =	vst v43;
	v57 =	vld.idx.msk [tilespmem:v63+s13+$0x0], $0xffff;
	v58 =	vadd.s32 v20, v34  }
0x278: {  	[tilespmem:s26+$0x100] =	vst v62;
	v42 =	vld.idx.msk [tilespmem:v59+s13+$0x0], $0xffff;
	v59 =	vadd.s32 v11, v33  }
0x279: {  	v54 =	vadd.s32 v21, v35;
	v41 =	vld.idx.msk [tilespmem:v52+s13+$0x0], $0xffff;
	[tilespmem:s28+$0x100] =	vst v46  }
0x27a: {  	v60 =	vadd.s32 v4, v36;
	v46 =	vld.idx.msk [tilespmem:v55+s13+$0x0], $0xffff;
	[tilespmem:s22+$0x580] =	vst v39  }
0x27b: {  	[tilespmem:s24+$0x980] =	vst v56;
	v39 =	vld.idx.msk [tilespmem:v53+s13+$0x0], $0xffff  }
0x27c: {  	v63 =	vadd.s32 v4, v37;
	[tilespmem:s23+$0x500] =	vst v57;
	v52 =	vld.idx.msk [tilespmem:v58+s13+$0x0], $0xffff  }
0x27d: {  	v61 =	vadd.s32 v13, v32;
	[tilespmem:s25+$0xA00] =	vst v42;
	v53 =	vld.idx.msk [tilespmem:v59+s13+$0x0], $0xffff  }
0x27e: {  	[tilespmem:s26+$0x180] =	vst v41;
	v38 =	vld.idx.msk [tilespmem:v54+s13+$0x0], $0xffff;
	v54 =	vadd.s32 v21, v34  }
0x27f: {  	v55 =	vadd.s32 v12, v33;
	v43 =	vld.idx.msk [tilespmem:v60+s13+$0x0], $0xffff  }
0x280: {  	v56 =	vadd.s32 v5, v36;
	[tilespmem:s28+$0x180] =	vst v46  }
0x281: {  	v46 =	vld.idx.msk [tilespmem:v63+s13+$0x0], $0xffff;
	[tilespmem:s22+$0x600] =	vst v39  }
0x282: {  	s3 =	simm.s32 $0x60;
	v62 =	vadd.s32 v22, v35;
	[tilespmem:s24+$0xA00] =	vst v52;
	v39 =	vld.idx.msk [tilespmem:v61+s13+$0x0], $0xffff  }
0x283: {  	s5 =	sand.u32 $0x3FFFFF80, s3;
	s0 =	simm.s32 $0x60;
	v59 =	vadd.s32 v5, v37;
	[tilespmem:s23+$0x580] =	vst v53;
	v41 =	vld.idx.msk [tilespmem:v54+s13+$0x0], $0xffff  }
0x284: {  	s6 =	sadd.s32 s5, s29;
	s3 =	sand.u32 $0x60, s0;
	v57 =	vadd.s32 v14, v32;
	[tilespmem:s26+$0x200] =	vst v43;
	v45 =	vld.idx.msk [tilespmem:v55+s13+$0x0], $0xffff  }
0x285: {  	s2 =	sadd.s32 s3, s6;
	v60 =	vadd.s32 v22, v34;
	v42 =	vld.idx.msk [tilespmem:v56+s13+$0x0], $0xffff  }
0x286: {  	[tilespmem:s25+$0xA80] =	vst v38;
	v61 =	vadd.s32 v13, v33;
	v54 =	vld [tilespmem:s2+$0x0]  }
0x287: {  	v40 =	vld.idx.msk [tilespmem:v62+s13+$0x0], $0xffff;
	v62 =	vadd.s32 v6, v36;
	[tilespmem:s28+$0x200] =	vst v46  }
0x288: {  	v58 =	vadd.s32 v23, v35;
	v46 =	vld.idx.msk [tilespmem:v59+s13+$0x0], $0xffff;
	[tilespmem:s22+$0x680] =	vst v39  }
0x289: {  	[tilespmem:s24+$0xA80] =	vst v41;
	v38 =	vld.idx.msk [tilespmem:v57+s13+$0x0], $0xffff  }
0x28a: {  	v63 =	vadd.s32 v15, v32;
	[tilespmem:s23+$0x600] =	vst v45;
	v43 =	vld.idx.msk [tilespmem:v60+s13+$0x0], $0xffff  }
0x28b: {  	v50 =	vadd.s32 v23, v34;
	[tilespmem:s26+$0x280] =	vst v42;
	v45 =	vld.idx.msk [tilespmem:v61+s13+$0x0], $0xffff  }
0x28c: {  	s7 =	sor.u32 $0x10, s3;
	v51 =	vadd.s32 v14, v33;
	[tilespmem:s25+$0xB00] =	vst v40;
	v39 =	vld.idx.msk [tilespmem:v62+s13+$0x0], $0xffff  }
0x28d: {  	s5 =	sadd.s32 s7, s6;
	v52 =	vadd.s32 v7, v36;
	v44 =	vld.idx.msk [tilespmem:v58+s13+$0x0], $0xffff  }
0x28e: {  	v49 =	vadd.s32 v24, v35;
	v58 =	vld [tilespmem:s5+$0x0];
	[tilespmem:s22+$0x700] =	vst v38  }
0x28f: {  	v57 =	vadd.s32 v6, v37;
	[tilespmem:s24+$0xB00] =	vst v43;
	v38 =	vld.idx.msk [tilespmem:v63+s13+$0x0], $0xffff  }
0x290: {  	v53 =	vadd.s32 v16, v32;
	[tilespmem:s23+$0x680] =	vst v45;
	v42 =	vld.idx.msk [tilespmem:v50+s13+$0x0], $0xffff  }
0x291: {  	v56 =	vadd.s32 v24, v34;
	[tilespmem:s26+$0x300] =	vst v39;
	v47 =	vld.idx.msk [tilespmem:v51+s13+$0x0], $0xffff  }
0x292: {  	v59 =	vadd.s32 v15, v33;
	[tilespmem:s25+$0xB80] =	vst v44;
	v40 =	vld.idx.msk [tilespmem:v52+s13+$0x0], $0xffff  }
0x293: {  	vm14 =	vgt.s32 v54, $0x0;
	v60 =	vadd.s32 v8, v36;
	[tilespmem:s28+$0x280] =	vst v46;
	v41 =	vld.idx.msk [tilespmem:v49+s13+$0x0], $0xffff  }
0x294: {  	v55 =	vadd.s32 v25, v35;
	v61 =	vnsel vm14, $0x0, v54;
	v48 =	vld.idx.msk [tilespmem:v57+s13+$0x0], $0xffff;
	[tilespmem:s22+$0x780] =	vst v38  }
0x295: {  	[tilespmem:s24+$0xB80] =	vst v42;
	v38 =	vmin.u32 v61, $0x1F;
	v44 =	vld.idx.msk [tilespmem:v53+s13+$0x0], $0xffff  }
0x296: {  	[tilespmem:s23+$0x700] =	vst v47;
	v63 =	vld.idx.msk [tilespmem:v56+s13+$0x0], $0xffff;
	v53 =	vadd.s32 v0, v38  }
0x297: {  	v57 =	vadd.s32 v7, v37;
	[tilespmem:s26+$0x380] =	vst v40;
	v54 =	vld.idx.msk [tilespmem:v59+s13+$0x0], $0xffff  }
0x298: {  	v62 =	vadd.s32 v17, v32;
	[tilespmem:s25+$0xC00] =	vst v41;
	v41 =	vld.idx.msk [tilespmem:v60+s13+$0x0], $0xffff  }
0x299: {  	vm15 =	vgt.s32 v58, $0x0;
	v45 =	vld.idx.msk [tilespmem:v55+s13+$0x0], $0xffff;
	v55 =	vadd.s32 v25, v34  }
0x29a: {  	[tilespmem:s28+$0x300] =	vst v48;
	v56 =	vnsel vm15, $0x0, v58;
	v58 =	vadd.s32 v16, v33  }
0x29b: {  	v52 =	vadd.s32 v26, v35;
	v39 =	vmin.u32 v56, $0x1F;
	[tilespmem:s22+$0x800] =	vst v44;
	v60 =	vld.idx.msk [tilespmem:v53+s13+$0x0], $0xffff  }
0x29c: {  	s10 =	simm.s32 $0xC00;
	v59 =	vadd.s32 v0, v39;
	[tilespmem:s24+$0xC00] =	vst v63;
	v44 =	vld.idx.msk [tilespmem:v57+s13+$0x0], $0xffff  }
0x29d: {  	s5 =	sand.u32 $0x3FFFF000, s10;
	v61 =	vadd.s32 v9, v36;
	[tilespmem:s23+$0x780] =	vst v54;
	v42 =	vld.idx.msk [tilespmem:v62+s13+$0x0], $0xffff  }
0x29e: {  	s5 =	sadd.s32 $0xC880, s5;
	v51 =	vadd.s32 v1, v38;
	[tilespmem:s26+$0x400] =	vst v41;
	v62 =	vld.idx.msk [tilespmem:v55+s13+$0x0], $0xffff  }
0x29f: {  	s30 =	sor.u32 s3, s5;
	v56 =	vadd.s32 v8, v37;
	[tilespmem:s25+$0xC80] =	vst v45;
	v40 =	vld.idx.msk [tilespmem:v58+s13+$0x0], $0xffff  }
0x2a0: {  	v54 =	vadd.s32 v18, v32;
	v46 =	vld.idx.msk [tilespmem:v52+s13+$0x0], $0xffff;
	[tilespmem:s30+$0x0] =	vst v60  }
0x2a1: {  	v58 =	vadd.s32 v17, v33;
	v55 =	vld.idx.msk [tilespmem:v59+s13+$0x0], $0xffff;
	[tilespmem:s28+$0x380] =	vst v44  }
0x2a2: {  	v63 =	vadd.s32 v27, v35;
	v57 =	vld.idx.msk [tilespmem:v61+s13+$0x0], $0xffff;
	[tilespmem:s22+$0x880] =	vst v42  }
0x2a3: {  	v61 =	vadd.s32 v10, v36;
	v60 =	vld.idx.msk [tilespmem:v51+s13+$0x0], $0xffff;
	[tilespmem:s24+$0xC80] =	vst v62  }
0x2a4: {  	v59 =	vadd.s32 v1, v39;
	v49 =	vld.idx.msk [tilespmem:v56+s13+$0x0], $0xffff;
	[tilespmem:s23+$0x800] =	vst v40  }
0x2a5: {  	s31 =	sor.u32 s7, s5;
	v62 =	vadd.s32 v26, v34;
	[tilespmem:s25+$0xD00] =	vst v46;
	v41 =	vld.idx.msk [tilespmem:v54+s13+$0x0], $0xffff  }
0x2a6: {  	[tilespmem:s31+$0x0] =	vst v55;
	v40 =	vld.idx.msk [tilespmem:v58+s13+$0x0], $0xffff;
	v55 =	vadd.s32 v9, v37  }
0x2a7: {  	[tilespmem:s26+$0x480] =	vst v57;
	v46 =	vld.idx.msk [tilespmem:v63+s13+$0x0], $0xffff;
	v63 =	vadd.s32 v2, v38  }
0x2a8: {  	v54 =	vadd.s32 v19, v32;
	v42 =	vld.idx.msk [tilespmem:v61+s13+$0x0], $0xffff  }
0x2a9: {  	v56 =	vadd.s32 v18, v33;
	v43 =	vld.idx.msk [tilespmem:v59+s13+$0x0], $0xffff;
	[tilespmem:s30+$0x80] =	vst v60  }
0x2aa: {  	v58 =	vadd.s32 v11, v36;
	v44 =	vld.idx.msk [tilespmem:v62+s13+$0x0], $0xffff;
	[tilespmem:s28+$0x400] =	vst v49  }
0x2ab: {  	v57 =	vadd.s32 v2, v39;
	[tilespmem:s22+$0x900] =	vst v41;
	v47 =	vld.idx.msk [tilespmem:v55+s13+$0x0], $0xffff  }
0x2ac: {  	v59 =	vadd.s32 v27, v34;
	[tilespmem:s23+$0x880] =	vst v40;
	v48 =	vld.idx.msk [tilespmem:v63+s13+$0x0], $0xffff  }
0x2ad: {  	v62 =	vadd.s32 v10, v37;
	[tilespmem:s26+$0x500] =	vst v42;
	v41 =	vld.idx.msk [tilespmem:v54+s13+$0x0], $0xffff  }
0x2ae: {  	v60 =	vadd.s32 v3, v38;
	[tilespmem:s25+$0xD80] =	vst v46;
	v40 =	vld.idx.msk [tilespmem:v56+s13+$0x0], $0xffff  }
0x2af: {  	v61 =	vadd.s32 v20, v32;
	[tilespmem:s31+$0x80] =	vst v43;
	v42 =	vld.idx.msk [tilespmem:v58+s13+$0x0], $0xffff  }
0x2b0: {  	v63 =	vadd.s32 v19, v33;
	v46 =	vld.idx.msk [tilespmem:v57+s13+$0x0], $0xffff;
	[tilespmem:s24+$0xD00] =	vst v44  }
0x2b1: {  	v55 =	vadd.s32 v12, v36;
	v45 =	vld.idx.msk [tilespmem:v59+s13+$0x0], $0xffff;
	[tilespmem:s28+$0x480] =	vst v47  }
0x2b2: {  	v54 =	vadd.s32 v3, v39;
	[tilespmem:s30+$0x100] =	vst v48;
	v51 =	vld.idx.msk [tilespmem:v62+s13+$0x0], $0xffff  }
0x2b3: {  	v56 =	vadd.s32 v28, v34;
	[tilespmem:s22+$0x980] =	vst v41;
	v48 =	vld.idx.msk [tilespmem:v60+s13+$0x0], $0xffff  }
0x2b4: {  	v59 =	vadd.s32 v11, v37;
	[tilespmem:s23+$0x900] =	vst v40;
	v41 =	vld.idx.msk [tilespmem:v61+s13+$0x0], $0xffff  }
0x2b5: {  	[tilespmem:s26+$0x580] =	vst v42;
	v40 =	vld.idx.msk [tilespmem:v63+s13+$0x0], $0xffff;
	v63 =	vadd.s32 v28, v35  }
0x2b6: {  	v57 =	vadd.s32 v4, v38;
	[tilespmem:s31+$0x100] =	vst v46;
	v42 =	vld.idx.msk [tilespmem:v55+s13+$0x0], $0xffff  }
0x2b7: {  	v58 =	vadd.s32 v21, v32;
	v44 =	vld.idx.msk [tilespmem:v54+s13+$0x0], $0xffff;
	[tilespmem:s24+$0xD80] =	vst v45  }
0x2b8: {  	v60 =	vadd.s32 v20, v33;
	v43 =	vld.idx.msk [tilespmem:v56+s13+$0x0], $0xffff;
	[tilespmem:s28+$0x500] =	vst v51  }
0x2b9: {  	v62 =	vadd.s32 v13, v36;
	[tilespmem:s30+$0x180] =	vst v48;
	v50 =	vld.idx.msk [tilespmem:v59+s13+$0x0], $0xffff  }
0x2ba: {  	v61 =	vadd.s32 v4, v39;
	[tilespmem:s22+$0xA00] =	vst v41;
	v46 =	vld.idx.msk [tilespmem:v63+s13+$0x0], $0xffff  }
0x2bb: {  	v56 =	vadd.s32 v12, v37;
	[tilespmem:s23+$0x980] =	vst v40;
	v47 =	vld.idx.msk [tilespmem:v57+s13+$0x0], $0xffff  }
0x2bc: {  	v54 =	vadd.s32 v5, v38;
	[tilespmem:s26+$0x600] =	vst v42;
	v41 =	vld.idx.msk [tilespmem:v58+s13+$0x0], $0xffff  }
0x2bd: {  	v55 =	vadd.s32 v22, v32;
	[tilespmem:s31+$0x180] =	vst v44;
	v40 =	vld.idx.msk [tilespmem:v60+s13+$0x0], $0xffff  }
0x2be: {  	v42 =	vld.idx.msk [tilespmem:v62+s13+$0x0], $0xffff;
	v57 =	vadd.s32 v21, v33;
	[tilespmem:s24+$0xE00] =	vst v43  }
0x2bf: {  	v59 =	vadd.s32 v14, v36;
	v45 =	vld.idx.msk [tilespmem:v61+s13+$0x0], $0xffff;
	[tilespmem:s28+$0x580] =	vst v50  }
0x2c0: {  	v58 =	vadd.s32 v5, v39;
	[tilespmem:s30+$0x200] =	vst v47;
	v49 =	vld.idx.msk [tilespmem:v56+s13+$0x0], $0xffff  }
0x2c1: {  	v60 =	vadd.s32 v29, v35;
	[tilespmem:s22+$0xA80] =	vst v41;
	v47 =	vld.idx.msk [tilespmem:v54+s13+$0x0], $0xffff  }
0x2c2: {  	v61 =	vadd.s32 v29, v34;
	[tilespmem:s23+$0xA00] =	vst v40;
	v41 =	vld.idx.msk [tilespmem:v55+s13+$0x0], $0xffff  }
0x2c3: {  	v52 =	vadd.s32 v13, v37;
	[tilespmem:s26+$0x680] =	vst v42;
	v40 =	vld.idx.msk [tilespmem:v57+s13+$0x0], $0xffff  }
0x2c4: {  	v62 =	vadd.s32 v23, v32;
	[tilespmem:s31+$0x200] =	vst v45;
	v51 =	vld.idx.msk [tilespmem:v59+s13+$0x0], $0xffff  }
0x2c5: {  	v53 =	vadd.s32 v22, v33;
	[tilespmem:s25+$0xE00] =	vst v46;
	v43 =	vld.idx.msk [tilespmem:v58+s13+$0x0], $0xffff  }
0x2c6: {  	v54 =	vld.idx.msk [tilespmem:v60+s13+$0x0], $0xffff;
	v55 =	vadd.s32 v15, v36;
	[tilespmem:s28+$0x600] =	vst v49  }
0x2c7: {  	v63 =	vadd.s32 v6, v39;
	v45 =	vld.idx.msk [tilespmem:v61+s13+$0x0], $0xffff;
	[tilespmem:s22+$0xB00] =	vst v41  }
0x2c8: {  	v46 =	vadd.s32 v30, v35;
	v48 =	vld.idx.msk [tilespmem:v52+s13+$0x0], $0xffff;
	[tilespmem:s23+$0xA80] =	vst v40  }
0x2c9: {  	v42 =	vadd.s32 v30, v34;
	[tilespmem:s26+$0x700] =	vst v51;
	v44 =	vld.idx.msk [tilespmem:v62+s13+$0x0], $0xffff  }
0x2ca: {  	[tilespmem:s31+$0x280] =	vst v43;
	v41 =	vld.idx.msk [tilespmem:v53+s13+$0x0], $0xffff;
	v43 =	vadd.s32 v24, v32  }
0x2cb: {  	v49 =	vadd.s32 v14, v37;
	[tilespmem:s30+$0x280] =	vst v47;
	v47 =	vld.idx.msk [tilespmem:v55+s13+$0x0], $0xffff  }
0x2cc: {  	s2 =	simm.s32 $0x6;
	v40 =	vadd.s32 v23, v33;
	[tilespmem:s25+$0xE80] =	vst v54;
	v50 =	vld.idx.msk [tilespmem:v63+s13+$0x0], $0xffff  }
.LBB2_7:
0x2cd: {  	s2 =	sadd.s32 $0x2, s2;
	[tilespmem:s24+$0xE80] =	vst v45;
	v45 =	vld.idx.msk [tilespmem:v46+s13+$0x0], $0xffff  }
0x2ce: {  	v46 =	vadd.s32 v7, v39;
	s3 =	sshll.u32 s2, $0x4;
	s5 =	sshll.u32 s2, $0x9;
	p0 =	slt.u32 s2, $0xE;
	[tilespmem:s22+$0xB80] =	vst v44;
	v42 =	vld.idx.msk [tilespmem:v42+s13+$0x0], $0xffff  }
0x2cf: {  	s0 =	sadd.s32 $0x20, s0;
	s3 =	sand.u32 $0x3FFFFF80, s3;
	s6 =	sand.u32 $0x3FFFF000, s5;
	[tilespmem:s28+$0x680] =	vst v48;
	v43 =	vld.idx.msk [tilespmem:v43+s13+$0x0], $0xffff  }
0x2d0: {  	s5 =	sand.u32 $0x60, s0;
	v48 =	vadd.s32 v16, v36;
	s7 =	sadd.s32 s3, s29;
	s10 =	sadd.s32 $0xC880, s6;
	v44 =	vld.idx.msk [tilespmem:v49+s13+$0x0], $0xffff;
	[tilespmem:s23+$0xB00] =	vst v41  }
0x2d1: {  	s3 =	sor.u32 $0x10, s5;
	v41 =	vadd.s32 v25, v32;
	s6 =	sadd.s32 s5, s7;
	[tilespmem:s31+$0x300] =	vst v50;
	v40 =	vld.idx.msk [tilespmem:v40+s13+$0x0], $0xffff  }
0x2d2: {  	v49 =	vld [tilespmem:s6+$0x0];
	s6 =	sadd.s32 s3, s7;
	[tilespmem:s26+$0x780] =	vst v47;
	v47 =	vadd.s32 v31, v35;
	v35 =	vmovc v32;
	v32 =	vmov v36;
	v36 =	vmov v39  }
0x2d3: {  	v50 =	vadd.s32 v31, v34;
	v34 =	vmov v33;
	v39 =	vld.idx.msk [tilespmem:v46+s13+$0x0], $0xffff;
	v46 =	vadd.s32 v24, v33;
	[tilespmem:s25+$0xF00] =	vst v45  }
0x2d4: {  	v33 =	vmov v37;
	v37 =	vmov v38;
	v45 =	vld [tilespmem:s6+$0x0];
	[tilespmem:s24+$0xF00] =	vst v42  }
0x2d5: {  	v42 =	vadd.s32 v6, v37;
	v48 =	vld.idx.msk [tilespmem:v48+s13+$0x0], $0xffff;
	[tilespmem:s22+$0xC00] =	vst v43  }
0x2d6: {  	v43 =	vadd.s32 v15, v33;
	[tilespmem:s28+$0x700] =	vst v44;
	v41 =	vld.idx.msk [tilespmem:v41+s13+$0x0], $0xffff  }
0x2d7: {  	v44 =	vadd.s32 v8, v36;
	vm0 =	vgt.s32 v49, $0x0;
	[tilespmem:s23+$0xB80] =	vst v40;
	v40 =	vld.idx.msk [tilespmem:v47+s13+$0x0], $0xffff  }
0x2d8: {  	v47 =	vadd.s32 v17, v32;
	v38 =	vnsel vm0, $0x0, v49;
	v46 =	vld.idx.msk [tilespmem:v46+s13+$0x0], $0xffff  }
0x2d9: {  	v49 =	vadd.s32 v26, v35;
	v38 =	vmin.u32 v38, $0x1F;
	vm0 =	vgt.s32 v45, $0x0;
	[tilespmem:s31+$0x380] =	vst v39;
	v50 =	vld.idx.msk [tilespmem:v50+s13+$0x0], $0xffff  }
0x2da: {  	v51 =	vadd.s32 v0, v38;
	v39 =	vnsel vm0, $0x0, v45;
	v42 =	vld.idx.msk [tilespmem:v42+s13+$0x0], $0xffff  }
0x2db: {  	v45 =	vadd.s32 v25, v34;
	v39 =	vmin.u32 v39, $0x1F;
	v43 =	vld.idx.msk [tilespmem:v43+s13+$0x0], $0xffff;
	[tilespmem:s26+$0x800] =	vst v48  }
0x2dc: {  	v48 =	vadd.s32 v7, v37;
	v44 =	vld.idx.msk [tilespmem:v44+s13+$0x0], $0xffff;
	[tilespmem:s22+$0xC80] =	vst v41  }
0x2dd: {  	v41 =	vadd.s32 v16, v33;
	v47 =	vld.idx.msk [tilespmem:v47+s13+$0x0], $0xffff;
	[tilespmem:s25+$0xF80] =	vst v40;
	s25 =	smov.u32 s22;
	s22 =	smov.u32 s26;
	s26 =	smov.u32 s31  }
0x2de: {  	v40 =	vadd.s32 v0, v39;
	[tilespmem:s23+$0xC00] =	vst v46;
	v46 =	vld.idx.msk [tilespmem:v49+s13+$0x0], $0xffff  }
0x2df: {  	v49 =	vld.idx.msk [tilespmem:v51+s13+$0x0], $0xffff;
	v51 =	vadd.s32 v9, v36;
	[tilespmem:s24+$0xF80] =	vst v50;
	s24 =	smov.u32 s23;
	s23 =	smov.u32 s28;
	s28 =	smov.u32 s30  }
0x2e0: {  	[tilespmem:s28+$0x300] =	vst v42;
	v42 =	vld.idx.msk [tilespmem:v45+s13+$0x0], $0xffff;
	v45 =	vadd.s32 v27, v35  }
0x2e1: {  	v50 =	vadd.s32 v1, v38;
	v48 =	vld.idx.msk [tilespmem:v48+s13+$0x0], $0xffff;
	[tilespmem:s23+$0x780] =	vst v43  }
0x2e2: {  	v43 =	vadd.s32 v18, v32;
	[tilespmem:s26+$0x400] =	vst v44;
	v41 =	vld.idx.msk [tilespmem:v41+s13+$0x0], $0xffff  }
0x2e3: {  	v44 =	vadd.s32 v8, v37;
	v40 =	vld.idx.msk [tilespmem:v40+s13+$0x0], $0xffff;
	[tilespmem:s22+$0x880] =	vst v47  }
0x2e4: {  	s30 =	sor.u32 s5, s10;
	v47 =	vld.idx.msk [tilespmem:v51+s13+$0x0], $0xffff;
	v51 =	vadd.s32 v17, v33;
	[tilespmem:s25+$0xD00] =	vst v46  }
0x2e5: {  	v46 =	vadd.s32 v1, v39;
	[tilespmem:s30+$0x0] =	vst v49;
	v45 =	vld.idx.msk [tilespmem:v45+s13+$0x0], $0xffff  }
0x2e6: {  	v49 =	vld.idx.msk [tilespmem:v50+s13+$0x0], $0xffff;
	v50 =	vadd.s32 v10, v36;
	[tilespmem:s24+$0xC80] =	vst v42  }
0x2e7: {  	[tilespmem:s28+$0x380] =	vst v48;
	v42 =	vld.idx.msk [tilespmem:v43+s13+$0x0], $0xffff;
	v43 =	vadd.s32 v26, v34  }
0x2e8: {  	s31 =	sor.u32 s3, s10;
	v48 =	vadd.s32 v2, v38;
	v44 =	vld.idx.msk [tilespmem:v44+s13+$0x0], $0xffff;
	[tilespmem:s23+$0x800] =	vst v41  }
0x2e9: {  	v41 =	vadd.s32 v19, v32;
	[tilespmem:s31+$0x0] =	vst v40;
	v40 =	vld.idx.msk [tilespmem:v51+s13+$0x0], $0xffff  }
0x2ea: {  	v51 =	vadd.s32 v9, v37;
	v46 =	vld.idx.msk [tilespmem:v46+s13+$0x0], $0xffff;
	[tilespmem:s26+$0x480] =	vst v47  }
0x2eb: {  	v47 =	vld.idx.msk [tilespmem:v50+s13+$0x0], $0xffff;
	v50 =	vadd.s32 v18, v33;
	[tilespmem:s25+$0xD80] =	vst v45  }
0x2ec: {  	v45 =	vadd.s32 v2, v39;
	[tilespmem:s30+$0x80] =	vst v49;
	v43 =	vld.idx.msk [tilespmem:v43+s13+$0x0], $0xffff  }
0x2ed: {  	v49 =	vadd.s32 v11, v36;
	v48 =	vld.idx.msk [tilespmem:v48+s13+$0x0], $0xffff;
	[tilespmem:s22+$0x900] =	vst v42  }
0x2ee: {  	v42 =	vadd.s32 v27, v34;
	[tilespmem:s28+$0x400] =	vst v44;
	v41 =	vld.idx.msk [tilespmem:v41+s13+$0x0], $0xffff  }
0x2ef: {  	v44 =	vadd.s32 v3, v38;
	v51 =	vld.idx.msk [tilespmem:v51+s13+$0x0], $0xffff;
	[tilespmem:s23+$0x880] =	vst v40  }
0x2f0: {  	[tilespmem:s31+$0x80] =	vst v46;
	v40 =	vld.idx.msk [tilespmem:v50+s13+$0x0], $0xffff;
	v46 =	vadd.s32 v20, v32  }
0x2f1: {  	v50 =	vadd.s32 v10, v37;
	v45 =	vld.idx.msk [tilespmem:v45+s13+$0x0], $0xffff;
	[tilespmem:s26+$0x500] =	vst v47  }
0x2f2: {  	v47 =	vld.idx.msk [tilespmem:v49+s13+$0x0], $0xffff;
	v49 =	vadd.s32 v19, v33;
	[tilespmem:s24+$0xD00] =	vst v43  }
0x2f3: {  	v43 =	vadd.s32 v3, v39;
	[tilespmem:s30+$0x100] =	vst v48;
	v42 =	vld.idx.msk [tilespmem:v42+s13+$0x0], $0xffff  }
0x2f4: {  	v48 =	vadd.s32 v12, v36;
	v44 =	vld.idx.msk [tilespmem:v44+s13+$0x0], $0xffff;
	[tilespmem:s22+$0x980] =	vst v41  }
0x2f5: {  	[tilespmem:s28+$0x480] =	vst v51;
	v41 =	vld.idx.msk [tilespmem:v46+s13+$0x0], $0xffff;
	v46 =	vadd.s32 v28, v34  }
0x2f6: {  	v51 =	vadd.s32 v4, v38;
	v50 =	vld.idx.msk [tilespmem:v50+s13+$0x0], $0xffff;
	[tilespmem:s23+$0x900] =	vst v40  }
0x2f7: {  	[tilespmem:s31+$0x100] =	vst v45;
	v40 =	vld.idx.msk [tilespmem:v49+s13+$0x0], $0xffff;
	v45 =	vadd.s32 v21, v32  }
0x2f8: {  	v49 =	vadd.s32 v11, v37;
	v43 =	vld.idx.msk [tilespmem:v43+s13+$0x0], $0xffff;
	[tilespmem:s26+$0x580] =	vst v47  }
0x2f9: {  	v47 =	vld.idx.msk [tilespmem:v48+s13+$0x0], $0xffff;
	v48 =	vadd.s32 v20, v33;
	[tilespmem:s24+$0xD80] =	vst v42  }
0x2fa: {  	v42 =	vadd.s32 v4, v39;
	[tilespmem:s30+$0x180] =	vst v44;
	v44 =	vld.idx.msk [tilespmem:v46+s13+$0x0], $0xffff  }
0x2fb: {  	v46 =	vld.idx.msk [tilespmem:v51+s13+$0x0], $0xffff;
	v51 =	vadd.s32 v13, v36;
	[tilespmem:s22+$0xA00] =	vst v41  }
0x2fc: {  	[tilespmem:s28+$0x500] =	vst v50;
	v41 =	vld.idx.msk [tilespmem:v45+s13+$0x0], $0xffff;
	v45 =	vadd.s32 v28, v35  }
0x2fd: {  	v50 =	vadd.s32 v5, v38;
	v49 =	vld.idx.msk [tilespmem:v49+s13+$0x0], $0xffff;
	[tilespmem:s23+$0x980] =	vst v40  }
0x2fe: {  	[tilespmem:s31+$0x180] =	vst v43;
	v40 =	vld.idx.msk [tilespmem:v48+s13+$0x0], $0xffff;
	v43 =	vadd.s32 v22, v32  }
0x2ff: {  	v48 =	vadd.s32 v12, v37;
	v42 =	vld.idx.msk [tilespmem:v42+s13+$0x0], $0xffff;
	[tilespmem:s26+$0x600] =	vst v47  }
0x300: {  	v47 =	vld.idx.msk [tilespmem:v51+s13+$0x0], $0xffff;
	v51 =	vadd.s32 v21, v33;
	[tilespmem:s24+$0xE00] =	vst v44  }
0x301: {  	v44 =	vadd.s32 v5, v39;
	[tilespmem:s30+$0x200] =	vst v46;
	v45 =	vld.idx.msk [tilespmem:v45+s13+$0x0], $0xffff  }
0x302: {  	v46 =	vld.idx.msk [tilespmem:v50+s13+$0x0], $0xffff;
	v50 =	vadd.s32 v14, v36;
	[tilespmem:s22+$0xA80] =	vst v41  }
0x303: {  	[tilespmem:s28+$0x580] =	vst v49;
	v41 =	vld.idx.msk [tilespmem:v43+s13+$0x0], $0xffff;
	v43 =	vadd.s32 v29, v34;
	v49 =	vadd.s32 v29, v35  }
0x304: {  	v48 =	vld.idx.msk [tilespmem:v48+s13+$0x0], $0xffff;
	[tilespmem:s23+$0xA00] =	vst v40  }
0x305: {  	[tilespmem:s31+$0x200] =	vst v42;
	v40 =	vld.idx.msk [tilespmem:v51+s13+$0x0], $0xffff;
	v42 =	vadd.s32 v23, v32  }
0x306: {  	v52 =	vadd.s32 v13, v37;
	v51 =	vld.idx.msk [tilespmem:v44+s13+$0x0], $0xffff;
	[tilespmem:s26+$0x680] =	vst v47  }
0x307: {  	v47 =	vld.idx.msk [tilespmem:v50+s13+$0x0], $0xffff;
	v50 =	vadd.s32 v22, v33;
	[tilespmem:s25+$0xE00] =	vst v45  }
0x308: {  	v53 =	vadd.s32 v6, v39;
	[tilespmem:s30+$0x280] =	vst v46;
	v54 =	vld.idx.msk [tilespmem:v49+s13+$0x0], $0xffff  }
0x309: {  	v55 =	vadd.s32 v15, v36;
	[tilespmem:s22+$0xB00] =	vst v41;
	v45 =	vld.idx.msk [tilespmem:v43+s13+$0x0], $0xffff  }
.Ltmp2:
0x30a: {  	v46 =	vadd.s32 v30, v35;
	[tilespmem:s28+$0x600] =	vst v48;
	v44 =	vld.idx.msk [tilespmem:v42+s13+$0x0], $0xffff;
	v42 =	vadd.s32 v30, v34;
	(pc) =	sbr.rel @p0 .LBB2_7-.Ltmp2, $4  }
0x30b: {  	v48 =	vld.idx.msk [tilespmem:v52+s13+$0x0], $0xffff;
	[tilespmem:s23+$0xA80] =	vst v40  }
0x30c: {  	v43 =	vadd.s32 v24, v32;
	[tilespmem:s31+$0x280] =	vst v51;
	v41 =	vld.idx.msk [tilespmem:v50+s13+$0x0], $0xffff  }
0x30d: {  	v49 =	vadd.s32 v14, v37;
	v50 =	vld.idx.msk [tilespmem:v53+s13+$0x0], $0xffff;
	[tilespmem:s26+$0x700] =	vst v47  }
0x30e: {  	v40 =	vadd.s32 v23, v33;
	v47 =	vld.idx.msk [tilespmem:v55+s13+$0x0], $0xffff;
	[tilespmem:s25+$0xE80] =	vst v54  }
0x30f: {  	v51 =	vadd.s32 v6, v38;
	_ =	sdelay $0x4  }
0x310: {  	v52 =	vadd.s32 v7, v39;
	v51 =	vld.idx.msk [tilespmem:v51+s13+$0x0], $0xffff  }
0x311: {  	v53 =	vadd.s32 v7, v38;
	_ =	sdelay $0x2  }
0x312: {  	[tilespmem:s31+$0x300] =	vst v50  }
0x313: {  	v50 =	vld.idx.msk [tilespmem:v52+s13+$0x0], $0xffff;
	[tilespmem:s30+$0x300] =	vst v51  }
0x314: {  	v58 =	vadd.s32 v8, v39;
	v59 =	vld.idx.msk [tilespmem:v53+s13+$0x0], $0xffff  }
0x315: {  	v60 =	vadd.s32 v8, v38;
	_ =	sdelay $0x2  }
0x316: {  	[tilespmem:s31+$0x380] =	vst v50  }
0x317: {  	v50 =	vld.idx.msk [tilespmem:v58+s13+$0x0], $0xffff;
	[tilespmem:s30+$0x380] =	vst v59  }
0x318: {  	v61 =	vadd.s32 v9, v39;
	v52 =	vld.idx.msk [tilespmem:v60+s13+$0x0], $0xffff  }
0x319: {  	v62 =	vadd.s32 v9, v38;
	_ =	sdelay $0x2  }
0x31a: {  	[tilespmem:s31+$0x400] =	vst v50  }
0x31b: {  	v50 =	vld.idx.msk [tilespmem:v61+s13+$0x0], $0xffff;
	[tilespmem:s30+$0x400] =	vst v52  }
0x31c: {  	v63 =	vadd.s32 v10, v39;
	v52 =	vld.idx.msk [tilespmem:v62+s13+$0x0], $0xffff  }
0x31d: {  	v56 =	vadd.s32 v10, v38;
	_ =	sdelay $0x2  }
0x31e: {  	[tilespmem:s31+$0x480] =	vst v50  }
0x31f: {  	v50 =	vld.idx.msk [tilespmem:v63+s13+$0x0], $0xffff;
	[tilespmem:s30+$0x480] =	vst v52  }
0x320: {  	v57 =	vadd.s32 v11, v39;
	v52 =	vld.idx.msk [tilespmem:v56+s13+$0x0], $0xffff  }
0x321: {  	v58 =	vadd.s32 v11, v38;
	_ =	sdelay $0x2  }
0x322: {  	[tilespmem:s31+$0x500] =	vst v50  }
0x323: {  	v50 =	vld.idx.msk [tilespmem:v57+s13+$0x0], $0xffff;
	[tilespmem:s30+$0x500] =	vst v52  }
0x324: {  	v59 =	vadd.s32 v12, v39;
	v52 =	vld.idx.msk [tilespmem:v58+s13+$0x0], $0xffff  }
0x325: {  	v60 =	vadd.s32 v12, v38;
	_ =	sdelay $0x2  }
0x326: {  	[tilespmem:s31+$0x580] =	vst v50  }
0x327: {  	v50 =	vld.idx.msk [tilespmem:v59+s13+$0x0], $0xffff;
	[tilespmem:s30+$0x580] =	vst v52  }
0x328: {  	v61 =	vadd.s32 v13, v39;
	v52 =	vld.idx.msk [tilespmem:v60+s13+$0x0], $0xffff  }
0x329: {  	v62 =	vadd.s32 v13, v38;
	_ =	sdelay $0x2  }
0x32a: {  	[tilespmem:s31+$0x600] =	vst v50  }
0x32b: {  	v50 =	vld.idx.msk [tilespmem:v61+s13+$0x0], $0xffff;
	[tilespmem:s30+$0x600] =	vst v52  }
0x32c: {  	v63 =	vadd.s32 v14, v39;
	v52 =	vld.idx.msk [tilespmem:v62+s13+$0x0], $0xffff  }
0x32d: {  	v56 =	vadd.s32 v14, v38;
	_ =	sdelay $0x1  }
0x32e: {  	[tilespmem:s28+$0x680] =	vst v48  }
0x32f: {  	v48 =	vld.idx.msk [tilespmem:v49+s13+$0x0], $0xffff;
	[tilespmem:s31+$0x680] =	vst v50  }
0x330: {  	v57 =	vadd.s32 v15, v37;
	v50 =	vld.idx.msk [tilespmem:v63+s13+$0x0], $0xffff;
	[tilespmem:s30+$0x680] =	vst v52  }
0x331: {  	v58 =	vadd.s32 v15, v39;
	v52 =	vld.idx.msk [tilespmem:v56+s13+$0x0], $0xffff  }
0x332: {  	v59 =	vadd.s32 v15, v38;
	_ =	sdelay $0x1  }
0x333: {  	[tilespmem:s28+$0x700] =	vst v48  }
0x334: {  	v49 =	vld.idx.msk [tilespmem:v57+s13+$0x0], $0xffff;
	v60 =	vadd.s32 v16, v36;
	[tilespmem:s31+$0x700] =	vst v50  }
0x335: {  	v61 =	vadd.s32 v16, v37;
	v51 =	vld.idx.msk [tilespmem:v58+s13+$0x0], $0xffff;
	[tilespmem:s30+$0x700] =	vst v52  }
0x336: {  	v62 =	vadd.s32 v16, v39;
	v53 =	vld.idx.msk [tilespmem:v59+s13+$0x0], $0xffff  }
0x337: {  	v54 =	vadd.s32 v16, v38  }
0x338: {  	[tilespmem:s26+$0x780] =	vst v47  }
0x339: {  	[tilespmem:s28+$0x780] =	vst v49;
	v47 =	vld.idx.msk [tilespmem:v60+s13+$0x0], $0xffff  }
0x33a: {  	v49 =	vld.idx.msk [tilespmem:v61+s13+$0x0], $0xffff;
	v63 =	vadd.s32 v17, v36;
	[tilespmem:s31+$0x780] =	vst v51  }
0x33b: {  	v57 =	vadd.s32 v17, v37;
	v51 =	vld.idx.msk [tilespmem:v62+s13+$0x0], $0xffff;
	[tilespmem:s30+$0x780] =	vst v53  }
0x33c: {  	v58 =	vadd.s32 v17, v39;
	v53 =	vld.idx.msk [tilespmem:v54+s13+$0x0], $0xffff  }
0x33d: {  	v59 =	vadd.s32 v17, v38  }
0x33e: {  	[tilespmem:s26+$0x800] =	vst v47  }
0x33f: {  	[tilespmem:s28+$0x800] =	vst v49;
	v47 =	vld.idx.msk [tilespmem:v63+s13+$0x0], $0xffff  }
0x340: {  	v60 =	vadd.s32 v18, v36;
	v49 =	vld.idx.msk [tilespmem:v57+s13+$0x0], $0xffff;
	[tilespmem:s31+$0x800] =	vst v51  }
0x341: {  	v61 =	vadd.s32 v18, v37;
	v51 =	vld.idx.msk [tilespmem:v58+s13+$0x0], $0xffff;
	[tilespmem:s30+$0x800] =	vst v53  }
0x342: {  	v62 =	vadd.s32 v18, v39;
	v53 =	vld.idx.msk [tilespmem:v59+s13+$0x0], $0xffff  }
0x343: {  	v63 =	vadd.s32 v18, v38  }
0x344: {  	[tilespmem:s26+$0x880] =	vst v47  }
0x345: {  	[tilespmem:s28+$0x880] =	vst v49;
	v47 =	vld.idx.msk [tilespmem:v60+s13+$0x0], $0xffff  }
0x346: {  	v57 =	vadd.s32 v19, v36;
	v49 =	vld.idx.msk [tilespmem:v61+s13+$0x0], $0xffff;
	[tilespmem:s31+$0x880] =	vst v51  }
0x347: {  	v58 =	vadd.s32 v19, v37;
	v51 =	vld.idx.msk [tilespmem:v62+s13+$0x0], $0xffff;
	[tilespmem:s30+$0x880] =	vst v53  }
0x348: {  	v59 =	vadd.s32 v19, v39;
	v53 =	vld.idx.msk [tilespmem:v63+s13+$0x0], $0xffff  }
0x349: {  	v60 =	vadd.s32 v19, v38  }
0x34a: {  	[tilespmem:s26+$0x900] =	vst v47  }
0x34b: {  	[tilespmem:s28+$0x900] =	vst v49;
	v47 =	vld.idx.msk [tilespmem:v57+s13+$0x0], $0xffff  }
0x34c: {  	v61 =	vadd.s32 v20, v36;
	v49 =	vld.idx.msk [tilespmem:v58+s13+$0x0], $0xffff;
	[tilespmem:s31+$0x900] =	vst v51  }
0x34d: {  	v62 =	vadd.s32 v20, v37;
	v51 =	vld.idx.msk [tilespmem:v59+s13+$0x0], $0xffff;
	[tilespmem:s30+$0x900] =	vst v53  }
0x34e: {  	v63 =	vadd.s32 v20, v39;
	v53 =	vld.idx.msk [tilespmem:v60+s13+$0x0], $0xffff  }
0x34f: {  	v57 =	vadd.s32 v20, v38  }
0x350: {  	[tilespmem:s26+$0x980] =	vst v47  }
0x351: {  	v47 =	vld.idx.msk [tilespmem:v61+s13+$0x0], $0xffff;
	[tilespmem:s28+$0x980] =	vst v49  }
0x352: {  	v58 =	vadd.s32 v21, v36;
	v49 =	vld.idx.msk [tilespmem:v62+s13+$0x0], $0xffff;
	[tilespmem:s31+$0x980] =	vst v51  }
0x353: {  	v59 =	vadd.s32 v21, v37;
	v51 =	vld.idx.msk [tilespmem:v63+s13+$0x0], $0xffff;
	[tilespmem:s30+$0x980] =	vst v53  }
0x354: {  	[tilespmem:s24+$0xE80] =	vst v45;
	v60 =	vadd.s32 v21, v39;
	v61 =	vld.idx.msk [tilespmem:v57+s13+$0x0], $0xffff  }
0x355: {  	[tilespmem:s22+$0xB80] =	vst v44;
	v62 =	vadd.s32 v21, v38  }
0x356: {  	v46 =	vld.idx.msk [tilespmem:v46+s13+$0x0], $0xffff;
	[tilespmem:s26+$0xA00] =	vst v47  }
0x357: {  	v47 =	vld.idx.msk [tilespmem:v58+s13+$0x0], $0xffff;
	[tilespmem:s28+$0xA00] =	vst v49  }
0x358: {  	v49 =	vld.idx.msk [tilespmem:v59+s13+$0x0], $0xffff;
	v63 =	vadd.s32 v22, v36;
	[tilespmem:s31+$0xA00] =	vst v51  }
0x359: {  	v53 =	vadd.s32 v22, v37;
	v45 =	vld.idx.msk [tilespmem:v60+s13+$0x0], $0xffff;
	[tilespmem:s30+$0xA00] =	vst v61  }
0x35a: {  	[tilespmem:s23+$0xB00] =	vst v41;
	v54 =	vadd.s32 v22, v39;
	v44 =	vld.idx.msk [tilespmem:v62+s13+$0x0], $0xffff  }
0x35b: {  	v55 =	vadd.s32 v22, v38;
	v42 =	vld.idx.msk [tilespmem:v42+s13+$0x0], $0xffff;
	[tilespmem:s25+$0xF00] =	vst v46  }
0x35c: {  	v43 =	vld.idx.msk [tilespmem:v43+s13+$0x0], $0xffff;
	[tilespmem:s26+$0xA80] =	vst v47  }
0x35d: {  	v35 =	vadd.s32 v31, v35;
	[tilespmem:s28+$0xA80] =	vst v49;
	v48 =	vld.idx.msk [tilespmem:v63+s13+$0x0], $0xffff  }
0x35e: {  	v57 =	vadd.s32 v23, v36;
	v50 =	vld.idx.msk [tilespmem:v53+s13+$0x0], $0xffff;
	[tilespmem:s31+$0xA80] =	vst v45  }
0x35f: {  	v58 =	vadd.s32 v23, v37;
	v41 =	vld.idx.msk [tilespmem:v54+s13+$0x0], $0xffff;
	[tilespmem:s30+$0xA80] =	vst v44  }
0x360: {  	[tilespmem:s24+$0xF00] =	vst v42;
	v59 =	vadd.s32 v23, v39;
	v44 =	vld.idx.msk [tilespmem:v55+s13+$0x0], $0xffff  }
0x361: {  	v40 =	vld.idx.msk [tilespmem:v40+s13+$0x0], $0xffff;
	[tilespmem:s22+$0xC00] =	vst v43;
	v60 =	vadd.s32 v23, v38  }
0x362: {  	v35 =	vld.idx.msk [tilespmem:v35+s13+$0x0], $0xffff;
	v56 =	vadd.s32 v25, v32;
	[tilespmem:s26+$0xB00] =	vst v48  }
0x363: {  	v48 =	vld.idx.msk [tilespmem:v57+s13+$0x0], $0xffff;
	v62 =	vadd.s32 v24, v33;
	[tilespmem:s28+$0xB00] =	vst v50  }
0x364: {  	v63 =	vadd.s32 v24, v36;
	v45 =	vld.idx.msk [tilespmem:v58+s13+$0x0], $0xffff;
	[tilespmem:s31+$0xB00] =	vst v41  }
0x365: {  	v52 =	vadd.s32 v24, v37;
	v42 =	vld.idx.msk [tilespmem:v59+s13+$0x0], $0xffff;
	[tilespmem:s30+$0xB00] =	vst v44  }
0x366: {  	[tilespmem:s23+$0xB80] =	vst v40;
	v53 =	vadd.s32 v24, v39;
	v43 =	vld.idx.msk [tilespmem:v60+s13+$0x0], $0xffff  }
0x367: {  	[tilespmem:s25+$0xF80] =	vst v35;
	v61 =	vld.idx.msk [tilespmem:v56+s13+$0x0], $0xffff;
	v54 =	vadd.s32 v24, v38  }
0x368: {  	v34 =	vadd.s32 v31, v34;
	[tilespmem:s26+$0xB80] =	vst v48;
	v55 =	vld.idx.msk [tilespmem:v62+s13+$0x0], $0xffff  }
0x369: {  	v56 =	vadd.s32 v25, v33;
	v48 =	vld.idx.msk [tilespmem:v63+s13+$0x0], $0xffff;
	[tilespmem:s28+$0xB80] =	vst v45  }
0x36a: {  	v57 =	vadd.s32 v25, v36;
	v41 =	vld.idx.msk [tilespmem:v52+s13+$0x0], $0xffff;
	[tilespmem:s31+$0xB80] =	vst v42  }
0x36b: {  	v58 =	vadd.s32 v25, v37;
	v40 =	vld.idx.msk [tilespmem:v53+s13+$0x0], $0xffff;
	[tilespmem:s30+$0xB80] =	vst v43  }
0x36c: {  	[tilespmem:s22+$0xC80] =	vst v61;
	v59 =	vadd.s32 v25, v39;
	v43 =	vld.idx.msk [tilespmem:v54+s13+$0x0], $0xffff  }
0x36d: {  	v34 =	vld.idx.msk [tilespmem:v34+s13+$0x0], $0xffff;
	[tilespmem:s23+$0xC00] =	vst v55;
	v60 =	vadd.s32 v25, v38  }
0x36e: {  	v61 =	vadd.s32 v26, v32;
	[tilespmem:s26+$0xC00] =	vst v48;
	v47 =	vld.idx.msk [tilespmem:v56+s13+$0x0], $0xffff  }
0x36f: {  	v62 =	vadd.s32 v26, v33;
	v45 =	vld.idx.msk [tilespmem:v57+s13+$0x0], $0xffff;
	[tilespmem:s28+$0xC00] =	vst v41  }
0x370: {  	v63 =	vadd.s32 v26, v36;
	v42 =	vld.idx.msk [tilespmem:v58+s13+$0x0], $0xffff;
	[tilespmem:s31+$0xC00] =	vst v40  }
0x371: {  	v52 =	vadd.s32 v26, v37;
	v35 =	vld.idx.msk [tilespmem:v59+s13+$0x0], $0xffff;
	[tilespmem:s30+$0xC00] =	vst v43  }
0x372: {  	[tilespmem:s24+$0xF80] =	vst v34;
	v53 =	vadd.s32 v26, v39;
	v43 =	vld.idx.msk [tilespmem:v60+s13+$0x0], $0xffff  }
0x373: {  	v55 =	vadd.s32 v26, v38;
	[tilespmem:s23+$0xC80] =	vst v47;
	v54 =	vld.idx.msk [tilespmem:v61+s13+$0x0], $0xffff  }
0x374: {  	v56 =	vadd.s32 v27, v32;
	[tilespmem:s26+$0xC80] =	vst v45;
	v48 =	vld.idx.msk [tilespmem:v62+s13+$0x0], $0xffff  }
0x375: {  	v57 =	vadd.s32 v27, v33;
	v41 =	vld.idx.msk [tilespmem:v63+s13+$0x0], $0xffff;
	[tilespmem:s28+$0xC80] =	vst v42  }
0x376: {  	v58 =	vadd.s32 v27, v36;
	v40 =	vld.idx.msk [tilespmem:v52+s13+$0x0], $0xffff;
	[tilespmem:s31+$0xC80] =	vst v35  }
0x377: {  	v59 =	vadd.s32 v27, v37;
	v34 =	vld.idx.msk [tilespmem:v53+s13+$0x0], $0xffff;
	[tilespmem:s30+$0xC80] =	vst v43  }
0x378: {  	[tilespmem:s22+$0xD00] =	vst v54;
	v60 =	vadd.s32 v27, v39;
	v61 =	vld.idx.msk [tilespmem:v55+s13+$0x0], $0xffff  }
0x379: {  	v63 =	vadd.s32 v27, v38;
	[tilespmem:s23+$0xD00] =	vst v48;
	v62 =	vld.idx.msk [tilespmem:v56+s13+$0x0], $0xffff  }
0x37a: {  	v52 =	vadd.s32 v28, v32;
	[tilespmem:s26+$0xD00] =	vst v41;
	v45 =	vld.idx.msk [tilespmem:v57+s13+$0x0], $0xffff  }
0x37b: {  	v42 =	vld.idx.msk [tilespmem:v58+s13+$0x0], $0xffff;
	v53 =	vadd.s32 v28, v33;
	[tilespmem:s28+$0xD00] =	vst v40  }
0x37c: {  	v54 =	vadd.s32 v28, v36;
	v35 =	vld.idx.msk [tilespmem:v59+s13+$0x0], $0xffff;
	[tilespmem:s31+$0xD00] =	vst v34  }
0x37d: {  	v55 =	vadd.s32 v28, v37;
	v43 =	vld.idx.msk [tilespmem:v60+s13+$0x0], $0xffff;
	[tilespmem:s30+$0xD00] =	vst v61  }
0x37e: {  	v56 =	vadd.s32 v28, v39;
	[tilespmem:s22+$0xD80] =	vst v62;
	v44 =	vld.idx.msk [tilespmem:v63+s13+$0x0], $0xffff  }
0x37f: {  	v58 =	vadd.s32 v28, v38;
	[tilespmem:s23+$0xD80] =	vst v45;
	v57 =	vld.idx.msk [tilespmem:v52+s13+$0x0], $0xffff  }
0x380: {  	v59 =	vadd.s32 v29, v32;
	[tilespmem:s26+$0xD80] =	vst v42;
	v41 =	vld.idx.msk [tilespmem:v53+s13+$0x0], $0xffff  }
0x381: {  	v60 =	vadd.s32 v29, v33;
	[tilespmem:s28+$0xD80] =	vst v35;
	v61 =	vld.idx.msk [tilespmem:v54+s13+$0x0], $0xffff  }
0x382: {  	v62 =	vadd.s32 v29, v36;
	v34 =	vld.idx.msk [tilespmem:v55+s13+$0x0], $0xffff;
	[tilespmem:s31+$0xD80] =	vst v43  }
0x383: {  	v63 =	vadd.s32 v29, v37;
	v52 =	vld.idx.msk [tilespmem:v56+s13+$0x0], $0xffff;
	[tilespmem:s30+$0xD80] =	vst v44  }
0x384: {  	[tilespmem:s22+$0xE00] =	vst v57;
	v54 =	vadd.s32 v29, v39;
	v53 =	vld.idx.msk [tilespmem:v58+s13+$0x0], $0xffff  }
0x385: {  	[tilespmem:s23+$0xE00] =	vst v41;
	v55 =	vld.idx.msk [tilespmem:v59+s13+$0x0], $0xffff;
	v56 =	vadd.s32 v29, v38  }
0x386: {  	v57 =	vadd.s32 v30, v32;
	v42 =	vld.idx.msk [tilespmem:v60+s13+$0x0], $0xffff;
	[tilespmem:s26+$0xE00] =	vst v61  }
0x387: {  	[tilespmem:s28+$0xE00] =	vst v34;
	v59 =	vld.idx.msk [tilespmem:v62+s13+$0x0], $0xffff;
	v58 =	vadd.s32 v30, v33  }
0x388: {  	v61 =	vadd.s32 v30, v36;
	v60 =	vld.idx.msk [tilespmem:v63+s13+$0x0], $0xffff;
	[tilespmem:s31+$0xE00] =	vst v52  }
0x389: {  	v62 =	vadd.s32 v30, v37;
	v63 =	vld.idx.msk [tilespmem:v54+s13+$0x0], $0xffff;
	[tilespmem:s30+$0xE00] =	vst v53  }
0x38a: {  	v50 =	vadd.s32 v30, v39;
	[tilespmem:s22+$0xE80] =	vst v55;
	v49 =	vld.idx.msk [tilespmem:v56+s13+$0x0], $0xffff  }
0x38b: {  	[tilespmem:s23+$0xE80] =	vst v42;
	v52 =	vadd.s32 v30, v38;
	v51 =	vld.idx.msk [tilespmem:v57+s13+$0x0], $0xffff  }
0x38c: {  	[tilespmem:s26+$0xE80] =	vst v59;
	v35 =	vld.idx.msk [tilespmem:v58+s13+$0x0], $0xffff;
	v53 =	vadd.s32 v31, v32  }
0x38d: {  	v54 =	vadd.s32 v31, v33;
	[tilespmem:s28+$0xE80] =	vst v60;
	v34 =	vld.idx.msk [tilespmem:v61+s13+$0x0], $0xffff  }
0x38e: {  	v55 =	vadd.s32 v31, v36;
	v40 =	vld.idx.msk [tilespmem:v62+s13+$0x0], $0xffff;
	[tilespmem:s31+$0xE80] =	vst v63  }
0x38f: {  	v56 =	vadd.s32 v31, v37;
	v57 =	vld.idx.msk [tilespmem:v50+s13+$0x0], $0xffff;
	[tilespmem:s30+$0xE80] =	vst v49  }
0x390: {  	v59 =	vadd.s32 v31, v39;
	[tilespmem:s22+$0xF00] =	vst v51;
	v58 =	vld.idx.msk [tilespmem:v52+s13+$0x0], $0xffff  }
0x391: {  	v60 =	vadd.s32 v31, v38;
	[tilespmem:s23+$0xF00] =	vst v35;
	v32 =	vld.idx.msk [tilespmem:v53+s13+$0x0], $0xffff  }
0x392: {  	[tilespmem:s26+$0xF00] =	vst v34;
	v33 =	vld.idx.msk [tilespmem:v54+s13+$0x0], $0xffff  }
0x393: {  	[tilespmem:s28+$0xF00] =	vst v40;
	v34 =	vld.idx.msk [tilespmem:v55+s13+$0x0], $0xffff  }
0x394: {  	v61 =	vld.idx.msk [tilespmem:v56+s13+$0x0], $0xffff;
	[tilespmem:s31+$0xF00] =	vst v57  }
0x395: {  	v62 =	vld.idx.msk [tilespmem:v59+s13+$0x0], $0xffff;
	[tilespmem:s30+$0xF00] =	vst v58  }
0x396: {  	s20 =	sadd.s32 $0x1, s20;
	[tilespmem:s22+$0xF80] =	vst v32;
	v63 =	vld.idx.msk [tilespmem:v60+s13+$0x0], $0xffff  }
0x397: {  	p0 =	sne.s32 s20, $0x32;
	[tilespmem:s23+$0xF80] =	vst v33  }
.Ltmp3:
0x398: {  	s0 =	sshll.u32 s21, $0x12;
	[tilespmem:s26+$0xF80] =	vst v34;
	(pc) =	sbr.rel @p0 .LBB2_4-.Ltmp3, $4  }
0x399: {  	s0 =	sor.u32 s4, s0;
	[tilespmem:s28+$0xF80] =	vst v61  }
0x39a: {  	s0 =	sshrl.u32 s0, $0x3;
	[tilespmem:s31+$0xF80] =	vst v62  }
0x39b: {  	s0 =	sadd.s32 s1, s0;
	[tilespmem:s30+$0xF80] =	vst v63  }
0x39c: {  	[hbm4b:s0+s8] =	stream.strided.scatter [tilespmem:s15], [sflag:$0x2], $0x2000, s9, s8, $0x38;
	[tilespmem:$0xE880] =	vst v63  }
0x39d: {  	_ =	swait.ge [sflag:s16], $0x2000  }
0x39e: {  	[sflag:s16] =	ssyncset.done $0x0  }
0x39f: {  	[sflag:s16] =	ssyncadd.s32 $0xFFFFE000  }
0x3a0: {  	_ =	swait.ge [sflag:s17], $0x2000  }
0x3a1: {  	s18 =	sadd.s32 $0x1, s18;
	s0 =	rddreg [dreg:$0x6]  }
0x3a2: {  	p0 =	sne.s32 s18, s0  }
.Ltmp4:
0x3a3: {  	_ = 	snop;
	(pc) =	sbr.rel @p0 .LBB2_1-.Ltmp4, $3  }
0x3a4: {  	_ =	sdelay $0x1  }
0x3a5: {  	[sflag:s17] =	ssyncset.done $0x0  }
0x3a6: {  	[sflag:s17] =	ssyncadd.s32 $0xFFFFE000  }
0x3a7: {  	_ =	sfence.sel $0x180000  }
0x3a8: {  	[bflag:$0x0] =	sbarrier.arrive $0xFFFF  }
0x3a9: {  	_ =	strace $0x90000047  }
0x3aa: {  	s0 =	stileid.u32;
	[bflag:$0x2] =	sbarrier.arrive $0xFFFF  }
0x3ab: {  	p0 =	sne.s32 s0, $0x0;
	s0 =	rddreg [dreg:$0x3]  }
0x3ac: {  	s0 =	sadd.s32 @!p0 $0x100000, s0  }
0x3ad: {  	[sflag:s0] =	ssyncadd.tile.s32 @!p0 $0x1;
	_ =	shalt  }
.Lfunc_end2:
_tile_overlayer_lowered:
.L_overlay_start_2:
0x3ae: {  	(tag) =	ssettag $0x2  }
0x3af: {  	s0 =	rddreg [dreg:$0x0];
	s2 =	stileid.u32  }
0x3b0: {  	s1 =	rddreg [dreg:$0x1];
	p0 =	sne.s32 s2, $0x0  }
0x3b1: {  	s3 =	rddreg [dreg:$0x2];
	[bflag:$0x3] =	sbarrier.arrive $0xFFFF;
	s2 =	simm.s32 @!p0 $0x1C04  }
0x3b2: {  	[timem:s3], [sflag:s2] =	dma.local @!p0 [hbm:s0], s1  }
0x3b3: {  	s0 =	simm.s32 @!p0 $0x4  }
0x3b4: {  	_ =	swait.ge @!p0 [sflag:s0], s1  }
0x3b5: {  	s1 =	ssub.s32 @!p0 $0x0, s1;
	[sflag:s0] =	ssyncset.done @!p0 $0x0  }
0x3b6: {  	[sflag:s0] =	ssyncadd.s32 @!p0 s1  }
0x3b7: {  	[bflag:$0x3] =	sbarrier.arrive $0xFFFF  }
0x3b8: {  	_ =	shalt  }

</sc_bundles>
